<compile_context>
chip_gen: v7x
topology: tpu7x:2x2x1
jax: 0.10.2.dev20260603
libtpu: 0.0.44.dev20260713+nightly
codegen_flags: <defaults>
</compile_context>

<pallas_src>
import jax
import jax.numpy as jnp
from jax import lax
from jax.experimental import pallas as pl
from jax.experimental.pallas import tpu as pltpu
from jax.experimental.pallas import tpu_sc as plsc

B = 16384
C = 7
NW = 16
SPW = B // NW
CHUNKS = SPW // 16
NBINS = 64
EPS = 0.001



def _codes_body(x_ref, t_ref, o_ref):
    xi = x_ref[...]
    ti = t_ref[...]
    i7 = lax.broadcasted_iota(jnp.int32, (C, B), 0)

    def amax(v):
        m = jnp.max(v, axis=0, keepdims=True)
        return jnp.min(jnp.where(v == m, i7, C), axis=0)

    p = amax(xi)
    t = amax(ti)
    o_ref[...] = p * 8 + t


_codes = pl.pallas_call(
    _codes_body,
    out_shape=jax.ShapeDtypeStruct((B,), jnp.int32),
    in_specs=[pl.BlockSpec((C, B), lambda: (0, 0)),
              pl.BlockSpec((C, B), lambda: (0, 0))],
    out_specs=pl.BlockSpec((B,), lambda: (0,)),
)



def _sc_body(codes_hbm, out_hbm, codes_v, hist_v, red_v):
    sid = lax.axis_index("s")
    pltpu.sync_copy(codes_hbm.at[pl.ds(sid * SPW, SPW)], codes_v)

    zeros = jnp.zeros((16,), jnp.float32)

    def zinit(k, carry):
        hist_v[pl.ds(k * 16, 16)] = zeros
        return carry

    lax.fori_loop(0, NBINS, zinit, 0)

    lane = lax.broadcasted_iota(jnp.int32, (16,), 0)
    lane_hist = lane * NBINS
    ones = jnp.ones((16,), jnp.float32)

    def chunk(j, carry):
        flat = codes_v[pl.ds(j * 16, 16)]
        plsc.addupdate_scatter(hist_v, [lane_hist + flat], ones)
        return carry

    lax.fori_loop(0, CHUNKS, chunk, 0)

    for c in range(4):
        def lred(l, acc):
            return acc + hist_v[pl.ds(l * 64 + c * 16, 16)]
        acc = lax.fori_loop(1, 16, lred, hist_v[pl.ds(c * 16, 16)])
        red_v[pl.ds(c * 16, 16)] = acc
    pltpu.sync_copy(red_v, out_hbm.at[sid])


_sc_cache = []


def _sc_call(codes):
    if not _sc_cache:
        _sc_cache.append(pl.kernel(
            _sc_body,
            out_type=jax.ShapeDtypeStruct((NW, NBINS), jnp.float32),
            mesh=plsc.VectorSubcoreMesh(
                core_axis_name="c", subcore_axis_name="s", num_cores=1),
            compiler_params=pltpu.CompilerParams(needs_layout_passes=False),
            scratch_types=[
                pltpu.VMEM((SPW,), jnp.int32),
                pltpu.VMEM((16 * NBINS,), jnp.float32),
                pltpu.VMEM((NBINS,), jnp.float32),
            ],
        ))
    return _sc_cache[0](codes)



def _bf(v):
    return v.astype(jnp.bfloat16).astype(jnp.float32)


def _tc_solve_body(h_ref, o_ref):
    x = h_ref[...]
    hh = jnp.sum(x, axis=0, keepdims=True)
    lanes = lax.broadcasted_iota(jnp.int32, (1, NBINS), 1)

    def ext(k):
        return jnp.sum(jnp.where(lanes == k, hh, 0.0), axis=(0, 1), keepdims=True)

    one = jnp.ones((1, 1), jnp.float32)
    epsv = jnp.full((1, 1), EPS, jnp.float32)

    cnt = [[ext(p * 8 + t) for t in range(7)] for p in range(1, 7)]
    cnt_bf = [[_bf(c) for c in row] for row in cnt]

    def row7(row):
        s = row[0]
        for t in range(1, 7):
            s = s + row[t]
        return s

    O = [row7(cnt[b]) for b in range(6)]
    cx = [row7(cnt_bf[b]) for b in range(6)]
    r = []
    for b in range(6):
        cz = cx[b] + epsv
        r.append(one / (cz * cz))

    A_bf = [[cnt_bf[y][xx + 1] for xx in range(6)] for y in range(6)]
    ej = [[_bf((A_bf[y][xx] * O[y]) * r[y]) for y in range(6)] for xx in range(6)]

    a = [[None] * 6 for _ in range(6)]
    for j in range(6):
        for k in range(6):
            acc = ej[k][0] * A_bf[0][j]
            for y in range(1, 6):
                acc = acc + ej[k][y] * A_bf[y][j]
            a[j][k] = acc

    iconst = [jnp.full((1, 1), v, jnp.int32) for v in range(6)]
    perm = [iconst[rr] for rr in range(6)]
    for k in range(6):
        mag = [jnp.abs(a[rr][k]) for rr in range(6)]
        best = mag[k]
        bi = iconst[k]
        for rr in range(k + 1, 6):
            gt = mag[rr] > best
            best = jnp.where(gt, mag[rr], best)
            bi = jnp.where(gt, iconst[rr], bi)
        rowk_old = [a[k][j] for j in range(6)]
        permk_old = perm[k]
        newk = []
        for j in range(6):
            v = a[k][j]
            for rr in range(k + 1, 6):
                v = jnp.where(bi == iconst[rr], a[rr][j], v)
            newk.append(v)
        newpk = perm[k]
        for rr in range(k + 1, 6):
            newpk = jnp.where(bi == iconst[rr], perm[rr], newpk)
        for rr in range(k + 1, 6):
            hit = bi == iconst[rr]
            for j in range(6):
                a[rr][j] = jnp.where(hit, rowk_old[j], a[rr][j])
            perm[rr] = jnp.where(hit, permk_old, perm[rr])
        a[k] = newk
        perm[k] = newpk
        xp = a[k][k]
        nz = xp != jnp.zeros((1, 1), jnp.float32)
        for rr in range(k + 1, 6):
            a[rr][k] = jnp.where(nz, a[rr][k] / xp, a[rr][k])
        for rr in range(k + 1, 6):
            for j in range(k + 1, 6):
                a[rr][j] = a[rr][j] - a[rr][k] * a[k][j]

    zero = jnp.zeros((1, 1), jnp.float32)
    Bm = [[jnp.where(perm[j] == iconst[c], one, zero) for c in range(6)]
          for j in range(6)]
    y = [[None] * 6 for _ in range(6)]
    for c in range(6):
        for rr in range(6):
            v = Bm[rr][c]
            for j in range(rr):
                v = v - a[rr][j] * y[j][c]
            y[rr][c] = v
    xs = [[None] * 6 for _ in range(6)]
    for c in range(6):
        for rr in range(5, -1, -1):
            v = y[rr][c]
            for j in range(rr + 1, 6):
                v = v - a[rr][j] * xs[j][c]
            xs[rr][c] = v / a[rr][rr]

    trace = xs[0][0]
    for c in range(1, 6):
        trace = trace + xs[c][c]
    o_ref[...] = lax.pow(trace, jnp.full((1, 1), 0.5, jnp.float32))


_tc_solve = pl.pallas_call(
    _tc_solve_body,
    out_shape=jax.ShapeDtypeStruct((1, 1), jnp.float32),
    in_specs=[pl.BlockSpec((NW, NBINS), lambda: (0, 0))],
    out_specs=pl.BlockSpec((1, 1), lambda: (0, 0)),
)


def kernel(input, target):
    codes = _codes(jnp.swapaxes(input, 0, 1), jnp.swapaxes(target, 0, 1))
    hist = _sc_call(codes)
    out = _tc_solve(hist)
    return lax.stop_gradient(out[0, 0])

# --- scband reference (transcript-rebuilt; emitter-appended) ---
"""Pipeline reference for scband-inf-aware-loss-76836964925505 (READ-ONLY COPY).

The authoritative reference and input builder live on the scoring server;
editing this copy changes nothing except your own understanding.
"""

import jax, jax.numpy as jnp
import numpy as np

B = 16384
C = 7

def setup_inputs(seed: int = 0) -> dict:
    key = jax.random.key(seed)
    k1, k2 = jax.random.split(key)
    inp = jax.random.normal(k1, (B, C), dtype=jnp.float32)
    target = jax.random.normal(k2, (B, C), dtype=jnp.float32)
    return {"input": inp, "target": target}

def reference(input, target):
    # i > epoch branch of the torch module (i=1, epoch=0): compute information-aware loss.
    label = jnp.argmax(target, axis=1)
    pred = jnp.argmax(input, axis=1)
    # confusion matrix cm[p, t] += 1 over all samples (vectorized histogram / scatter-add)
    flat = pred * C + label
    cm = jnp.bincount(flat, length=C * C).astype(jnp.float32).reshape(C, C)
    cm = cm[1:, :]                  # drop first predicted class row -> (6, 7)
    O = cm.sum(axis=1)              # observed counts per row -> (6,)

    def NLL(mu):
        mu0 = jnp.array([1.0], dtype=jnp.float32)
        theta = jnp.concatenate((mu0, mu))   # (7,)
        ct = cm @ theta                       # (6,)
        return -(O @ jnp.log(ct + 0.001) - ct.sum())

    mu = jnp.ones((C - 1,), dtype=jnp.float32)
    hess = jax.hessian(NLL)(mu)               # (6, 6); hess_to_tensor is just a reshape
    I = jnp.linalg.inv(hess)
    loss = jnp.trace(I) ** 0.5
    # torch returns loss.clone().detach().requires_grad_(True) -> value with cut graph
    return jax.lax.stop_gradient(loss)

if __name__ == "__main__":
    import jax
    _d = setup_inputs()
    print(jax.jit(kernel)(*tuple(_d.values())))

</pallas_src>

<mosaic_0001>
#map = affine_map<(d0, d1) -> (0)>
#map1 = affine_map<(d0, d1) -> (0, 0)>
module attributes {stable_mosaic.version = 14 : i64} {
  func.func @_sc_body(%arg0: i32, %arg1: i32, %arg2: memref<16384xi32, #tpu.memory_space<hbm>>, %arg3: memref<16x64xf32, #tpu.memory_space<hbm>>, %arg4: memref<1024xi32, #tpu.memory_space<vmem>>, %arg5: memref<1024xf32, #tpu.memory_space<vmem>>, %arg6: memref<64xf32, #tpu.memory_space<vmem>>) attributes {dimension_semantics = [#tpu.dimension_semantics<core_parallel>, #tpu.dimension_semantics<subcore_parallel>], iteration_bounds = array<i64: 1, 16>, scalar_prefetch = 0 : i64, scratch_operands = 3 : i64, tpu.core_type = #tpu.core_type<sc_vector_subcore>, window_params = [{transform_indices = #map}, {transform_indices = #map1}]} {
    %mul3A = arith.constant 1024 : i32
    %mul3A_0 = arith.muli %arg1, %mul3A : i32
    "tpu.region"() ({
      %run_scoped3A = tpu.sem_alloc : memref<!tpu.dma_semaphore, #tpu.memory_space<semaphore_mem>>
      %dma_start3A = tpu.memref_slice %arg2[%mul3A_0] : memref<16384xi32, #tpu.memory_space<hbm>> -> memref<1024xi32, #tpu.memory_space<hbm>>
      %dma_start3A_56 = tpu.memref_slice %arg2[%mul3A_0] : memref<16384xi32, #tpu.memory_space<hbm>> -> memref<1024xi32, #tpu.memory_space<hbm>>
      tpu.enqueue_dma source(%dma_start3A_56 : memref<1024xi32, #tpu.memory_space<hbm>>) target(%arg4 : memref<1024xi32, #tpu.memory_space<vmem>>) target_semaphore(%run_scoped3A : memref<!tpu.dma_semaphore, #tpu.memory_space<semaphore_mem>>)
      %dma_wait3A = tpu.memref_slice %arg2[%mul3A_0] : memref<16384xi32, #tpu.memory_space<hbm>> -> memref<1024xi32, #tpu.memory_space<hbm>>
      %dma_wait3A_57 = tpu.memref_slice %arg2[%mul3A_0] : memref<16384xi32, #tpu.memory_space<hbm>> -> memref<1024xi32, #tpu.memory_space<hbm>>
      tpu.wait_dma2 semaphore(%run_scoped3A : memref<!tpu.dma_semaphore, #tpu.memory_space<semaphore_mem>>) src(%dma_wait3A_57 : memref<1024xi32, #tpu.memory_space<hbm>>) dst(%arg4 : memref<1024xi32, #tpu.memory_space<vmem>>)
      tpu.yield
    }) : () -> ()
    %broadcast_in_dim3A = arith.constant 0.000000e+00 : f32
    %broadcast_in_dim3A_1 = vector.broadcast %broadcast_in_dim3A : f32 to vector<16xf32>
    %scan3A = arith.constant 0 : i32
    %scan3A_2 = arith.constant 0 : i32
    %scan3A_3 = arith.constant 64 : i32
    %scan3A_4 = arith.addi %scan3A_2, %scan3A_3 : i32
    %scan3A_5 = arith.constant 1 : i32
    scf.for %scan3A_56 = %scan3A_2 to %scan3A_4 step %scan3A_5  : i32 {
      %mul3A_57 = arith.constant 16 : i32
      %mul3A_58 = arith.muli %scan3A_56, %mul3A_57 : i32
      %swap3A_59 = arith.index_cast %mul3A_58 : i32 to index
      %swap3A_60 = tpu.vector_load %arg5[%swap3A_59] {strides = array<i32>} : memref<1024xf32, #tpu.memory_space<vmem>>, vector<16xf32>,
      tpu.vector_store %arg5[%swap3A_59], %broadcast_in_dim3A_1 {strides = array<i32>} : memref<1024xf32, #tpu.memory_space<vmem>>, vector<16xf32>,
    }
    %scan3A_6 = arith.constant 64 : i32
    %iota3A = tpu.iota {dimensions = array<i32: 0>} : vector<16xi32>
    %mul3A_7 = arith.constant 64 : i32
    %mul3A_8 = vector.broadcast %mul3A_7 : i32 to vector<16xi32>
    %mul3A_9 = arith.muli %iota3A, %mul3A_8 : vector<16xi32>
    %broadcast_in_dim3A_10 = arith.constant 1.000000e+00 : f32
    %broadcast_in_dim3A_11 = vector.broadcast %broadcast_in_dim3A_10 : f32 to vector<16xf32>
    %scan3A_12 = arith.constant 0 : i32
    %scan3A_13 = arith.constant 0 : i32
    %scan3A_14 = arith.constant 64 : i32
    %scan3A_15 = arith.addi %scan3A_13, %scan3A_14 : i32
    %scan3A_16 = arith.constant 1 : i32
    scf.for %scan3A_56 = %scan3A_13 to %scan3A_15 step %scan3A_16  : i32 {
      %mul3A_57 = arith.constant 16 : i32
      %mul3A_58 = arith.muli %scan3A_56, %mul3A_57 : i32
      %get3A_59 = arith.index_cast %mul3A_58 : i32 to index
      %get3A_60 = tpu.vector_load %arg4[%get3A_59] {strides = array<i32>} : memref<1024xi32, #tpu.memory_space<vmem>>, vector<16xi32>,
      %add3A = arith.addi %mul3A_9, %get3A_60 : vector<16xi32>
      tpu.vector_store_idx %arg5[%add3A], %broadcast_in_dim3A_11 {add = true} : memref<1024xf32, #tpu.memory_space<vmem>>[vector<16xi32>], vector<16xf32>,
    }
    %scan3A_17 = arith.constant 64 : i32
    %get3A = arith.constant 0 : index
    %get3A_18 = tpu.vector_load %arg5[%get3A] {strides = array<i32>} : memref<1024xf32, #tpu.memory_space<vmem>>, vector<16xf32>,
    %scan3A_19 = arith.constant 1 : i32
    %scan3A_20 = arith.constant 15 : i32
    %scan3A_21 = arith.addi %scan3A_19, %scan3A_20 : i32
    %scan3A_22 = arith.constant 1 : i32
    %scan3A_23 = scf.for %scan3A_56 = %scan3A_19 to %scan3A_21 step %scan3A_22 iter_args(%scan3A_57 = %get3A_18) -> (vector<16xf32>)  : i32 {
      %mul3A_58 = arith.constant 64 : i32
      %mul3A_59 = arith.muli %scan3A_56, %mul3A_58 : i32
      %add3A = arith.constant 0 : i32
      %add3A_60 = arith.addi %mul3A_59, %add3A : i32
      %get3A_61 = arith.index_cast %add3A_60 : i32 to index
      %get3A_62 = tpu.vector_load %arg5[%get3A_61] {strides = array<i32>} : memref<1024xf32, #tpu.memory_space<vmem>>, vector<16xf32>,
      %add3A_63 = arith.addf %scan3A_57, %get3A_62 : vector<16xf32>
      scf.yield %add3A_63 : vector<16xf32>
    }
    %scan3A_24 = arith.constant 15 : i32
    %swap3A = arith.constant 0 : index
    %swap3A_25 = tpu.vector_load %arg6[%swap3A] {strides = array<i32>} : memref<64xf32, #tpu.memory_space<vmem>>, vector<16xf32>,
    tpu.vector_store %arg6[%swap3A], %scan3A_23 {strides = array<i32>} : memref<64xf32, #tpu.memory_space<vmem>>, vector<16xf32>,
    %get3A_26 = arith.constant 16 : index
    %get3A_27 = tpu.vector_load %arg5[%get3A_26] {strides = array<i32>} : memref<1024xf32, #tpu.memory_space<vmem>>, vector<16xf32>,
    %scan3A_28 = arith.constant 1 : i32
    %scan3A_29 = arith.constant 15 : i32
    %scan3A_30 = arith.addi %scan3A_28, %scan3A_29 : i32
    %scan3A_31 = arith.constant 1 : i32
    %scan3A_32 = scf.for %scan3A_56 = %scan3A_28 to %scan3A_30 step %scan3A_31 iter_args(%scan3A_57 = %get3A_27) -> (vector<16xf32>)  : i32 {
      %mul3A_58 = arith.constant 64 : i32
      %mul3A_59 = arith.muli %scan3A_56, %mul3A_58 : i32
      %add3A = arith.constant 16 : i32
      %add3A_60 = arith.addi %mul3A_59, %add3A : i32
      %get3A_61 = arith.index_cast %add3A_60 : i32 to index
      %get3A_62 = tpu.vector_load %arg5[%get3A_61] {strides = array<i32>} : memref<1024xf32, #tpu.memory_space<vmem>>, vector<16xf32>,
      %add3A_63 = arith.addf %scan3A_57, %get3A_62 : vector<16xf32>
      scf.yield %add3A_63 : vector<16xf32>
    }
    %scan3A_33 = arith.constant 15 : i32
    %swap3A_34 = arith.constant 16 : index
    %swap3A_35 = tpu.vector_load %arg6[%swap3A_34] {strides = array<i32>} : memref<64xf32, #tpu.memory_space<vmem>>, vector<16xf32>,
    tpu.vector_store %arg6[%swap3A_34], %scan3A_32 {strides = array<i32>} : memref<64xf32, #tpu.memory_space<vmem>>, vector<16xf32>,
    %get3A_36 = arith.constant 32 : index
    %get3A_37 = tpu.vector_load %arg5[%get3A_36] {strides = array<i32>} : memref<1024xf32, #tpu.memory_space<vmem>>, vector<16xf32>,
    %scan3A_38 = arith.constant 1 : i32
    %scan3A_39 = arith.constant 15 : i32
    %scan3A_40 = arith.addi %scan3A_38, %scan3A_39 : i32
    %scan3A_41 = arith.constant 1 : i32
    %scan3A_42 = scf.for %scan3A_56 = %scan3A_38 to %scan3A_40 step %scan3A_41 iter_args(%scan3A_57 = %get3A_37) -> (vector<16xf32>)  : i32 {
      %mul3A_58 = arith.constant 64 : i32
      %mul3A_59 = arith.muli %scan3A_56, %mul3A_58 : i32
      %add3A = arith.constant 32 : i32
      %add3A_60 = arith.addi %mul3A_59, %add3A : i32
      %get3A_61 = arith.index_cast %add3A_60 : i32 to index
      %get3A_62 = tpu.vector_load %arg5[%get3A_61] {strides = array<i32>} : memref<1024xf32, #tpu.memory_space<vmem>>, vector<16xf32>,
      %add3A_63 = arith.addf %scan3A_57, %get3A_62 : vector<16xf32>
      scf.yield %add3A_63 : vector<16xf32>
    }
    %scan3A_43 = arith.constant 15 : i32
    %swap3A_44 = arith.constant 32 : index
    %swap3A_45 = tpu.vector_load %arg6[%swap3A_44] {strides = array<i32>} : memref<64xf32, #tpu.memory_space<vmem>>, vector<16xf32>,
    tpu.vector_store %arg6[%swap3A_44], %scan3A_42 {strides = array<i32>} : memref<64xf32, #tpu.memory_space<vmem>>, vector<16xf32>,
    %get3A_46 = arith.constant 48 : index
    %get3A_47 = tpu.vector_load %arg5[%get3A_46] {strides = array<i32>} : memref<1024xf32, #tpu.memory_space<vmem>>, vector<16xf32>,
    %scan3A_48 = arith.constant 1 : i32
    %scan3A_49 = arith.constant 15 : i32
    %scan3A_50 = arith.addi %scan3A_48, %scan3A_49 : i32
    %scan3A_51 = arith.constant 1 : i32
    %scan3A_52 = scf.for %scan3A_56 = %scan3A_48 to %scan3A_50 step %scan3A_51 iter_args(%scan3A_57 = %get3A_47) -> (vector<16xf32>)  : i32 {
      %mul3A_58 = arith.constant 64 : i32
      %mul3A_59 = arith.muli %scan3A_56, %mul3A_58 : i32
      %add3A = arith.constant 48 : i32
      %add3A_60 = arith.addi %mul3A_59, %add3A : i32
      %get3A_61 = arith.index_cast %add3A_60 : i32 to index
      %get3A_62 = tpu.vector_load %arg5[%get3A_61] {strides = array<i32>} : memref<1024xf32, #tpu.memory_space<vmem>>, vector<16xf32>,
      %add3A_63 = arith.addf %scan3A_57, %get3A_62 : vector<16xf32>
      scf.yield %add3A_63 : vector<16xf32>
    }
    %scan3A_53 = arith.constant 15 : i32
    %swap3A_54 = arith.constant 48 : index
    %swap3A_55 = tpu.vector_load %arg6[%swap3A_54] {strides = array<i32>} : memref<64xf32, #tpu.memory_space<vmem>>, vector<16xf32>,
    tpu.vector_store %arg6[%swap3A_54], %scan3A_52 {strides = array<i32>} : memref<64xf32, #tpu.memory_space<vmem>>, vector<16xf32>,
    "tpu.region"() ({
      %run_scoped3A = tpu.sem_alloc : memref<!tpu.dma_semaphore, #tpu.memory_space<semaphore_mem>>
      %dma_start3A = arith.constant 0 : i32
      %dma_start3A_56 = tpu.memref_slice %arg3[%arg1, %dma_start3A] : memref<16x64xf32, #tpu.memory_space<hbm>> -> memref<1x64xf32, #tpu.memory_space<hbm>>
      %dma_start3A_57 = tpu.memref_squeeze %dma_start3A_56 : memref<1x64xf32, #tpu.memory_space<hbm>> -> memref<64xf32, #tpu.memory_space<hbm>>
      %dma_start3A_58 = arith.constant 0 : i32
      %dma_start3A_59 = tpu.memref_slice %arg3[%arg1, %dma_start3A_58] : memref<16x64xf32, #tpu.memory_space<hbm>> -> memref<1x64xf32, #tpu.memory_space<hbm>>
      %dma_start3A_60 = tpu.memref_squeeze %dma_start3A_59 : memref<1x64xf32, #tpu.memory_space<hbm>> -> memref<64xf32, #tpu.memory_space<hbm>>
      tpu.enqueue_dma source(%arg6 : memref<64xf32, #tpu.memory_space<vmem>>) target(%dma_start3A_60 : memref<64xf32, #tpu.memory_space<hbm>>) target_semaphore(%run_scoped3A : memref<!tpu.dma_semaphore, #tpu.memory_space<semaphore_mem>>)
      %dma_wait3A = arith.constant 0 : i32
      %dma_wait3A_61 = tpu.memref_slice %arg3[%arg1, %dma_wait3A] : memref<16x64xf32, #tpu.memory_space<hbm>> -> memref<1x64xf32, #tpu.memory_space<hbm>>
      %dma_wait3A_62 = tpu.memref_squeeze %dma_wait3A_61 : memref<1x64xf32, #tpu.memory_space<hbm>> -> memref<64xf32, #tpu.memory_space<hbm>>
      %dma_wait3A_63 = arith.constant 0 : i32
      %dma_wait3A_64 = tpu.memref_slice %arg3[%arg1, %dma_wait3A_63] : memref<16x64xf32, #tpu.memory_space<hbm>> -> memref<1x64xf32, #tpu.memory_space<hbm>>
      %dma_wait3A_65 = tpu.memref_squeeze %dma_wait3A_64 : memref<1x64xf32, #tpu.memory_space<hbm>> -> memref<64xf32, #tpu.memory_space<hbm>>
      tpu.wait_dma2 semaphore(%run_scoped3A : memref<!tpu.dma_semaphore, #tpu.memory_space<semaphore_mem>>) src(%arg6 : memref<64xf32, #tpu.memory_space<vmem>>) dst(%dma_wait3A_65 : memref<64xf32, #tpu.memory_space<hbm>>)
      tpu.yield
    }) : () -> ()
    return
  }
}

module attributes {stable_mosaic.version = 14 : i64} {
  func.func @_codes_body(%arg0: memref<7x16384xf32, #tpu.memory_space<vmem>>, %arg1: memref<7x16384xf32, #tpu.memory_space<vmem>>, %arg2: memref<16384xi32, #tpu.memory_space<vmem>>) attributes {dimension_semantics = [], scalar_prefetch = 0 : i64, scratch_operands = 0 : i64, tpu.core_type = #tpu.core_type<tc>} {
    %get3A = arith.constant 0 : index
    %get3A_0 = arith.constant 0 : index
    %get3A_1 = vector.load %arg0[%get3A, %get3A_0] : memref<7x16384xf32, #tpu.memory_space<vmem>>, vector<7x16384xf32>
    %get3A_2 = arith.constant 0 : index
    %get3A_3 = arith.constant 0 : index
    %get3A_4 = vector.load %arg1[%get3A_2, %get3A_3] : memref<7x16384xf32, #tpu.memory_space<vmem>>, vector<7x16384xf32>
    %iota3A = tpu.iota {dimensions = array<i32: 0>} : vector<7x16384xi32>
    %reduce_max3A = arith.constant dense<0xFF800000> : vector<16384xf32>
    %reduce_max3A_5 = vector.multi_reduction <maximumf>, %get3A_1, %reduce_max3A [0] : vector<7x16384xf32> to vector<16384xf32>
    %broadcast_in_dim3A = vector.shape_cast %reduce_max3A_5 : vector<16384xf32> to vector<1x16384xf32>
    %eq3A = vector.broadcast %broadcast_in_dim3A : vector<1x16384xf32> to vector<7x16384xf32>
    %eq3A_6 = arith.cmpf oeq, %get3A_1, %eq3A : vector<7x16384xf32>
    %jit3A = arith.constant 7 : i32
    %broadcast_in_dim3A_7 = vector.broadcast %jit3A : i32 to vector<7x16384xi32>
    %select_n3A = arith.select %eq3A_6, %iota3A, %broadcast_in_dim3A_7 : vector<7x16384xi1>, vector<7x16384xi32>
    %reduce_min3A = arith.constant dense<2147483647> : vector<16384xi32>
    %reduce_min3A_8 = vector.multi_reduction <minsi>, %select_n3A, %reduce_min3A [0] : vector<7x16384xi32> to vector<16384xi32>
    %reduce_max3A_9 = arith.constant dense<0xFF800000> : vector<16384xf32>
    %reduce_max3A_10 = vector.multi_reduction <maximumf>, %get3A_4, %reduce_max3A_9 [0] : vector<7x16384xf32> to vector<16384xf32>
    %broadcast_in_dim3A_11 = vector.shape_cast %reduce_max3A_10 : vector<16384xf32> to vector<1x16384xf32>
    %eq3A_12 = vector.broadcast %broadcast_in_dim3A_11 : vector<1x16384xf32> to vector<7x16384xf32>
    %eq3A_13 = arith.cmpf oeq, %get3A_4, %eq3A_12 : vector<7x16384xf32>
    %jit3A_14 = arith.constant 7 : i32
    %broadcast_in_dim3A_15 = vector.broadcast %jit3A_14 : i32 to vector<7x16384xi32>
    %select_n3A_16 = arith.select %eq3A_13, %iota3A, %broadcast_in_dim3A_15 : vector<7x16384xi1>, vector<7x16384xi32>
    %reduce_min3A_17 = arith.constant dense<2147483647> : vector<16384xi32>
    %reduce_min3A_18 = vector.multi_reduction <minsi>, %select_n3A_16, %reduce_min3A_17 [0] : vector<7x16384xi32> to vector<16384xi32>
    %mul3A = arith.constant 8 : i32
    %mul3A_19 = vector.broadcast %mul3A : i32 to vector<16384xi32>
    %mul3A_20 = arith.muli %reduce_min3A_8, %mul3A_19 : vector<16384xi32>
    %add3A = arith.addi %mul3A_20, %reduce_min3A_18 : vector<16384xi32>
    %swap3A = arith.constant 0 : index
    %swap3A_21 = vector.load %arg2[%swap3A] : memref<16384xi32, #tpu.memory_space<vmem>>, vector<16384xi32>
    tpu.vector_store %arg2[%swap3A], %add3A {strides = array<i32>} : memref<16384xi32, #tpu.memory_space<vmem>>, vector<16384xi32>,
    return
  }
}

module attributes {stable_mosaic.version = 14 : i64} {
  func.func @_tc_solve_body(%arg0: memref<16x64xf32, #tpu.memory_space<vmem>>, %arg1: memref<1x1xf32, #tpu.memory_space<vmem>>) attributes {dimension_semantics = [], scalar_prefetch = 0 : i64, scratch_operands = 0 : i64, tpu.core_type = #tpu.core_type<tc>} {
    %get3A = arith.constant 0 : index
    %get3A_0 = arith.constant 0 : index
    %get3A_1 = vector.load %arg0[%get3A, %get3A_0] : memref<16x64xf32, #tpu.memory_space<vmem>>, vector<16x64xf32>
    %reduce_sum3A = arith.constant dense<0.000000e+00> : vector<64xf32>
    %reduce_sum3A_2 = vector.multi_reduction <add>, %get3A_1, %reduce_sum3A [0] : vector<16x64xf32> to vector<64xf32>
    %broadcast_in_dim3A = vector.shape_cast %reduce_sum3A_2 : vector<64xf32> to vector<1x64xf32>
    %iota3A = tpu.iota {dimensions = array<i32: 1>} : vector<1x64xi32>
    %broadcast_in_dim3A_3 = arith.constant 1.000000e+00 : f32
    %broadcast_in_dim3A_4 = vector.broadcast %broadcast_in_dim3A_3 : f32 to vector<1x1xf32>
    %broadcast_in_dim3A_5 = arith.constant 1.000000e-03 : f32
    %broadcast_in_dim3A_6 = vector.broadcast %broadcast_in_dim3A_5 : f32 to vector<1x1xf32>
    %eq3A = arith.constant 8 : i32
    %eq3A_7 = vector.broadcast %eq3A : i32 to vector<1x64xi32>
    %eq3A_8 = arith.cmpi eq, %iota3A, %eq3A_7 : vector<1x64xi32>
    %jit3A = arith.constant 0.000000e+00 : f32
    %broadcast_in_dim3A_9 = vector.broadcast %jit3A : f32 to vector<1x64xf32>
    %select_n3A = arith.select %eq3A_8, %broadcast_in_dim3A, %broadcast_in_dim3A_9 : vector<1x64xi1>, vector<1x64xf32>
    %reduce_sum3A_10 = vector.shape_cast %select_n3A : vector<1x64xf32> to vector<1x1x64xf32>
    %reduce_sum3A_11 = arith.constant dense<0.000000e+00> : vector<1xf32>
    %reduce_sum3A_12 = vector.multi_reduction <add>, %reduce_sum3A_10, %reduce_sum3A_11 [1, 2] : vector<1x1x64xf32> to vector<1xf32>
    %reduce_sum3A_13 = vector.shape_cast %reduce_sum3A_12 : vector<1xf32> to vector<1x1x1xf32>
    %reduce_sum3A_14 = vector.extract %reduce_sum3A_13[0, 0, 0] : f32 from vector<1x1x1xf32>
    %broadcast_in_dim3A_15 = vector.broadcast %reduce_sum3A_14 : f32 to vector<1x1xf32>
    %eq3A_16 = arith.constant 9 : i32
    %eq3A_17 = vector.broadcast %eq3A_16 : i32 to vector<1x64xi32>
    %eq3A_18 = arith.cmpi eq, %iota3A, %eq3A_17 : vector<1x64xi32>
    %jit3A_19 = arith.constant 0.000000e+00 : f32
    %broadcast_in_dim3A_20 = vector.broadcast %jit3A_19 : f32 to vector<1x64xf32>
    %select_n3A_21 = arith.select %eq3A_18, %broadcast_in_dim3A, %broadcast_in_dim3A_20 : vector<1x64xi1>, vector<1x64xf32>
    %reduce_sum3A_22 = vector.shape_cast %select_n3A_21 : vector<1x64xf32> to vector<1x1x64xf32>
    %reduce_sum3A_23 = arith.constant dense<0.000000e+00> : vector<1xf32>
    %reduce_sum3A_24 = vector.multi_reduction <add>, %reduce_sum3A_22, %reduce_sum3A_23 [1, 2] : vector<1x1x64xf32> to vector<1xf32>
    %reduce_sum3A_25 = vector.shape_cast %reduce_sum3A_24 : vector<1xf32> to vector<1x1x1xf32>
    %reduce_sum3A_26 = vector.extract %reduce_sum3A_25[0, 0, 0] : f32 from vector<1x1x1xf32>
    %broadcast_in_dim3A_27 = vector.broadcast %reduce_sum3A_26 : f32 to vector<1x1xf32>
    %eq3A_28 = arith.constant 10 : i32
    %eq3A_29 = vector.broadcast %eq3A_28 : i32 to vector<1x64xi32>
    %eq3A_30 = arith.cmpi eq, %iota3A, %eq3A_29 : vector<1x64xi32>
    %jit3A_31 = arith.constant 0.000000e+00 : f32
    %broadcast_in_dim3A_32 = vector.broadcast %jit3A_31 : f32 to vector<1x64xf32>
    %select_n3A_33 = arith.select %eq3A_30, %broadcast_in_dim3A, %broadcast_in_dim3A_32 : vector<1x64xi1>, vector<1x64xf32>
    %reduce_sum3A_34 = vector.shape_cast %select_n3A_33 : vector<1x64xf32> to vector<1x1x64xf32>
    %reduce_sum3A_35 = arith.constant dense<0.000000e+00> : vector<1xf32>
    %reduce_sum3A_36 = vector.multi_reduction <add>, %reduce_sum3A_34, %reduce_sum3A_35 [1, 2] : vector<1x1x64xf32> to vector<1xf32>
    %reduce_sum3A_37 = vector.shape_cast %reduce_sum3A_36 : vector<1xf32> to vector<1x1x1xf32>
    %reduce_sum3A_38 = vector.extract %reduce_sum3A_37[0, 0, 0] : f32 from vector<1x1x1xf32>
    %broadcast_in_dim3A_39 = vector.broadcast %reduce_sum3A_38 : f32 to vector<1x1xf32>
    %eq3A_40 = arith.constant 11 : i32
    %eq3A_41 = vector.broadcast %eq3A_40 : i32 to vector<1x64xi32>
    %eq3A_42 = arith.cmpi eq, %iota3A, %eq3A_41 : vector<1x64xi32>
    %jit3A_43 = arith.constant 0.000000e+00 : f32
    %broadcast_in_dim3A_44 = vector.broadcast %jit3A_43 : f32 to vector<1x64xf32>
    %select_n3A_45 = arith.select %eq3A_42, %broadcast_in_dim3A, %broadcast_in_dim3A_44 : vector<1x64xi1>, vector<1x64xf32>
    %reduce_sum3A_46 = vector.shape_cast %select_n3A_45 : vector<1x64xf32> to vector<1x1x64xf32>
    %reduce_sum3A_47 = arith.constant dense<0.000000e+00> : vector<1xf32>
    %reduce_sum3A_48 = vector.multi_reduction <add>, %reduce_sum3A_46, %reduce_sum3A_47 [1, 2] : vector<1x1x64xf32> to vector<1xf32>
    %reduce_sum3A_49 = vector.shape_cast %reduce_sum3A_48 : vector<1xf32> to vector<1x1x1xf32>
    %reduce_sum3A_50 = vector.extract %reduce_sum3A_49[0, 0, 0] : f32 from vector<1x1x1xf32>
    %broadcast_in_dim3A_51 = vector.broadcast %reduce_sum3A_50 : f32 to vector<1x1xf32>
    %eq3A_52 = arith.constant 12 : i32
    %eq3A_53 = vector.broadcast %eq3A_52 : i32 to vector<1x64xi32>
    %eq3A_54 = arith.cmpi eq, %iota3A, %eq3A_53 : vector<1x64xi32>
    %jit3A_55 = arith.constant 0.000000e+00 : f32
    %broadcast_in_dim3A_56 = vector.broadcast %jit3A_55 : f32 to vector<1x64xf32>
    %select_n3A_57 = arith.select %eq3A_54, %broadcast_in_dim3A, %broadcast_in_dim3A_56 : vector<1x64xi1>, vector<1x64xf32>
    %reduce_sum3A_58 = vector.shape_cast %select_n3A_57 : vector<1x64xf32> to vector<1x1x64xf32>
    %reduce_sum3A_59 = arith.constant dense<0.000000e+00> : vector<1xf32>
    %reduce_sum3A_60 = vector.multi_reduction <add>, %reduce_sum3A_58, %reduce_sum3A_59 [1, 2] : vector<1x1x64xf32> to vector<1xf32>
    %reduce_sum3A_61 = vector.shape_cast %reduce_sum3A_60 : vector<1xf32> to vector<1x1x1xf32>
    %reduce_sum3A_62 = vector.extract %reduce_sum3A_61[0, 0, 0] : f32 from vector<1x1x1xf32>
    %broadcast_in_dim3A_63 = vector.broadcast %reduce_sum3A_62 : f32 to vector<1x1xf32>
    %eq3A_64 = arith.constant 13 : i32
    %eq3A_65 = vector.broadcast %eq3A_64 : i32 to vector<1x64xi32>
    %eq3A_66 = arith.cmpi eq, %iota3A, %eq3A_65 : vector<1x64xi32>
    %jit3A_67 = arith.constant 0.000000e+00 : f32
    %broadcast_in_dim3A_68 = vector.broadcast %jit3A_67 : f32 to vector<1x64xf32>
    %select_n3A_69 = arith.select %eq3A_66, %broadcast_in_dim3A, %broadcast_in_dim3A_68 : vector<1x64xi1>, vector<1x64xf32>
    %reduce_sum3A_70 = vector.shape_cast %select_n3A_69 : vector<1x64xf32> to vector<1x1x64xf32>
    %reduce_sum3A_71 = arith.constant dense<0.000000e+00> : vector<1xf32>
    %reduce_sum3A_72 = vector.multi_reduction <add>, %reduce_sum3A_70, %reduce_sum3A_71 [1, 2] : vector<1x1x64xf32> to vector<1xf32>
    %reduce_sum3A_73 = vector.shape_cast %reduce_sum3A_72 : vector<1xf32> to vector<1x1x1xf32>
    %reduce_sum3A_74 = vector.extract %reduce_sum3A_73[0, 0, 0] : f32 from vector<1x1x1xf32>
    %broadcast_in_dim3A_75 = vector.broadcast %reduce_sum3A_74 : f32 to vector<1x1xf32>
    %eq3A_76 = arith.constant 14 : i32
    %eq3A_77 = vector.broadcast %eq3A_76 : i32 to vector<1x64xi32>
    %eq3A_78 = arith.cmpi eq, %iota3A, %eq3A_77 : vector<1x64xi32>
    %jit3A_79 = arith.constant 0.000000e+00 : f32
    %broadcast_in_dim3A_80 = vector.broadcast %jit3A_79 : f32 to vector<1x64xf32>
    %select_n3A_81 = arith.select %eq3A_78, %broadcast_in_dim3A, %broadcast_in_dim3A_80 : vector<1x64xi1>, vector<1x64xf32>
    %reduce_sum3A_82 = vector.shape_cast %select_n3A_81 : vector<1x64xf32> to vector<1x1x64xf32>
    %reduce_sum3A_83 = arith.constant dense<0.000000e+00> : vector<1xf32>
    %reduce_sum3A_84 = vector.multi_reduction <add>, %reduce_sum3A_82, %reduce_sum3A_83 [1, 2] : vector<1x1x64xf32> to vector<1xf32>
    %reduce_sum3A_85 = vector.shape_cast %reduce_sum3A_84 : vector<1xf32> to vector<1x1x1xf32>
    %reduce_sum3A_86 = vector.extract %reduce_sum3A_85[0, 0, 0] : f32 from vector<1x1x1xf32>
    %broadcast_in_dim3A_87 = vector.broadcast %reduce_sum3A_86 : f32 to vector<1x1xf32>
    %eq3A_88 = arith.constant 16 : i32
    %eq3A_89 = vector.broadcast %eq3A_88 : i32 to vector<1x64xi32>
    %eq3A_90 = arith.cmpi eq, %iota3A, %eq3A_89 : vector<1x64xi32>
    %jit3A_91 = arith.constant 0.000000e+00 : f32
    %broadcast_in_dim3A_92 = vector.broadcast %jit3A_91 : f32 to vector<1x64xf32>
    %select_n3A_93 = arith.select %eq3A_90, %broadcast_in_dim3A, %broadcast_in_dim3A_92 : vector<1x64xi1>, vector<1x64xf32>
    %reduce_sum3A_94 = vector.shape_cast %select_n3A_93 : vector<1x64xf32> to vector<1x1x64xf32>
    %reduce_sum3A_95 = arith.constant dense<0.000000e+00> : vector<1xf32>
    %reduce_sum3A_96 = vector.multi_reduction <add>, %reduce_sum3A_94, %reduce_sum3A_95 [1, 2] : vector<1x1x64xf32> to vector<1xf32>
    %reduce_sum3A_97 = vector.shape_cast %reduce_sum3A_96 : vector<1xf32> to vector<1x1x1xf32>
    %reduce_sum3A_98 = vector.extract %reduce_sum3A_97[0, 0, 0] : f32 from vector<1x1x1xf32>
    %broadcast_in_dim3A_99 = vector.broadcast %reduce_sum3A_98 : f32 to vector<1x1xf32>
    %eq3A_100 = arith.constant 17 : i32
    %eq3A_101 = vector.broadcast %eq3A_100 : i32 to vector<1x64xi32>
    %eq3A_102 = arith.cmpi eq, %iota3A, %eq3A_101 : vector<1x64xi32>
    %jit3A_103 = arith.constant 0.000000e+00 : f32
    %broadcast_in_dim3A_104 = vector.broadcast %jit3A_103 : f32 to vector<1x64xf32>
    %select_n3A_105 = arith.select %eq3A_102, %broadcast_in_dim3A, %broadcast_in_dim3A_104 : vector<1x64xi1>, vector<1x64xf32>
    %reduce_sum3A_106 = vector.shape_cast %select_n3A_105 : vector<1x64xf32> to vector<1x1x64xf32>
    %reduce_sum3A_107 = arith.constant dense<0.000000e+00> : vector<1xf32>
    %reduce_sum3A_108 = vector.multi_reduction <add>, %reduce_sum3A_106, %reduce_sum3A_107 [1, 2] : vector<1x1x64xf32> to vector<1xf32>
    %reduce_sum3A_109 = vector.shape_cast %reduce_sum3A_108 : vector<1xf32> to vector<1x1x1xf32>
    %reduce_sum3A_110 = vector.extract %reduce_sum3A_109[0, 0, 0] : f32 from vector<1x1x1xf32>
    %broadcast_in_dim3A_111 = vector.broadcast %reduce_sum3A_110 : f32 to vector<1x1xf32>
    %eq3A_112 = arith.constant 18 : i32
    %eq3A_113 = vector.broadcast %eq3A_112 : i32 to vector<1x64xi32>
    %eq3A_114 = arith.cmpi eq, %iota3A, %eq3A_113 : vector<1x64xi32>
    %jit3A_115 = arith.constant 0.000000e+00 : f32
    %broadcast_in_dim3A_116 = vector.broadcast %jit3A_115 : f32 to vector<1x64xf32>
    %select_n3A_117 = arith.select %eq3A_114, %broadcast_in_dim3A, %broadcast_in_dim3A_116 : vector<1x64xi1>, vector<1x64xf32>
    %reduce_sum3A_118 = vector.shape_cast %select_n3A_117 : vector<1x64xf32> to vector<1x1x64xf32>
    %reduce_sum3A_119 = arith.constant dense<0.000000e+00> : vector<1xf32>
    %reduce_sum3A_120 = vector.multi_reduction <add>, %reduce_sum3A_118, %reduce_sum3A_119 [1, 2] : vector<1x1x64xf32> to vector<1xf32>
    %reduce_sum3A_121 = vector.shape_cast %reduce_sum3A_120 : vector<1xf32> to vector<1x1x1xf32>
    %reduce_sum3A_122 = vector.extract %reduce_sum3A_121[0, 0, 0] : f32 from vector<1x1x1xf32>
    %broadcast_in_dim3A_123 = vector.broadcast %reduce_sum3A_122 : f32 to vector<1x1xf32>
    %eq3A_124 = arith.constant 19 : i32
    %eq3A_125 = vector.broadcast %eq3A_124 : i32 to vector<1x64xi32>
    %eq3A_126 = arith.cmpi eq, %iota3A, %eq3A_125 : vector<1x64xi32>
    %jit3A_127 = arith.constant 0.000000e+00 : f32
    %broadcast_in_dim3A_128 = vector.broadcast %jit3A_127 : f32 to vector<1x64xf32>
    %select_n3A_129 = arith.select %eq3A_126, %broadcast_in_dim3A, %broadcast_in_dim3A_128 : vector<1x64xi1>, vector<1x64xf32>
    %reduce_sum3A_130 = vector.shape_cast %select_n3A_129 : vector<1x64xf32> to vector<1x1x64xf32>
    %reduce_sum3A_131 = arith.constant dense<0.000000e+00> : vector<1xf32>
    %reduce_sum3A_132 = vector.multi_reduction <add>, %reduce_sum3A_130, %reduce_sum3A_131 [1, 2] : vector<1x1x64xf32> to vector<1xf32>
    %reduce_sum3A_133 = vector.shape_cast %reduce_sum3A_132 : vector<1xf32> to vector<1x1x1xf32>
    %reduce_sum3A_134 = vector.extract %reduce_sum3A_133[0, 0, 0] : f32 from vector<1x1x1xf32>
    %broadcast_in_dim3A_135 = vector.broadcast %reduce_sum3A_134 : f32 to vector<1x1xf32>
    %eq3A_136 = arith.constant 20 : i32
    %eq3A_137 = vector.broadcast %eq3A_136 : i32 to vector<1x64xi32>
    %eq3A_138 = arith.cmpi eq, %iota3A, %eq3A_137 : vector<1x64xi32>
    %jit3A_139 = arith.constant 0.000000e+00 : f32
    %broadcast_in_dim3A_140 = vector.broadcast %jit3A_139 : f32 to vector<1x64xf32>
    %select_n3A_141 = arith.select %eq3A_138, %broadcast_in_dim3A, %broadcast_in_dim3A_140 : vector<1x64xi1>, vector<1x64xf32>
    %reduce_sum3A_142 = vector.shape_cast %select_n3A_141 : vector<1x64xf32> to vector<1x1x64xf32>
    %reduce_sum3A_143 = arith.constant dense<0.000000e+00> : vector<1xf32>
    %reduce_sum3A_144 = vector.multi_reduction <add>, %reduce_sum3A_142, %reduce_sum3A_143 [1, 2] : vector<1x1x64xf32> to vector<1xf32>
    %reduce_sum3A_145 = vector.shape_cast %reduce_sum3A_144 : vector<1xf32> to vector<1x1x1xf32>
    %reduce_sum3A_146 = vector.extract %reduce_sum3A_145[0, 0, 0] : f32 from vector<1x1x1xf32>
    %broadcast_in_dim3A_147 = vector.broadcast %reduce_sum3A_146 : f32 to vector<1x1xf32>
    %eq3A_148 = arith.constant 21 : i32
    %eq3A_149 = vector.broadcast %eq3A_148 : i32 to vector<1x64xi32>
    %eq3A_150 = arith.cmpi eq, %iota3A, %eq3A_149 : vector<1x64xi32>
    %jit3A_151 = arith.constant 0.000000e+00 : f32
    %broadcast_in_dim3A_152 = vector.broadcast %jit3A_151 : f32 to vector<1x64xf32>
    %select_n3A_153 = arith.select %eq3A_150, %broadcast_in_dim3A, %broadcast_in_dim3A_152 : vector<1x64xi1>, vector<1x64xf32>
    %reduce_sum3A_154 = vector.shape_cast %select_n3A_153 : vector<1x64xf32> to vector<1x1x64xf32>
    %reduce_sum3A_155 = arith.constant dense<0.000000e+00> : vector<1xf32>
    %reduce_sum3A_156 = vector.multi_reduction <add>, %reduce_sum3A_154, %reduce_sum3A_155 [1, 2] : vector<1x1x64xf32> to vector<1xf32>
    %reduce_sum3A_157 = vector.shape_cast %reduce_sum3A_156 : vector<1xf32> to vector<1x1x1xf32>
    %reduce_sum3A_158 = vector.extract %reduce_sum3A_157[0, 0, 0] : f32 from vector<1x1x1xf32>
    %broadcast_in_dim3A_159 = vector.broadcast %reduce_sum3A_158 : f32 to vector<1x1xf32>
    %eq3A_160 = arith.constant 22 : i32
    %eq3A_161 = vector.broadcast %eq3A_160 : i32 to vector<1x64xi32>
    %eq3A_162 = arith.cmpi eq, %iota3A, %eq3A_161 : vector<1x64xi32>
    %jit3A_163 = arith.constant 0.000000e+00 : f32
    %broadcast_in_dim3A_164 = vector.broadcast %jit3A_163 : f32 to vector<1x64xf32>
    %select_n3A_165 = arith.select %eq3A_162, %broadcast_in_dim3A, %broadcast_in_dim3A_164 : vector<1x64xi1>, vector<1x64xf32>
    %reduce_sum3A_166 = vector.shape_cast %select_n3A_165 : vector<1x64xf32> to vector<1x1x64xf32>
    %reduce_sum3A_167 = arith.constant dense<0.000000e+00> : vector<1xf32>
    %reduce_sum3A_168 = vector.multi_reduction <add>, %reduce_sum3A_166, %reduce_sum3A_167 [1, 2] : vector<1x1x64xf32> to vector<1xf32>
    %reduce_sum3A_169 = vector.shape_cast %reduce_sum3A_168 : vector<1xf32> to vector<1x1x1xf32>
    %reduce_sum3A_170 = vector.extract %reduce_sum3A_169[0, 0, 0] : f32 from vector<1x1x1xf32>
    %broadcast_in_dim3A_171 = vector.broadcast %reduce_sum3A_170 : f32 to vector<1x1xf32>
    %eq3A_172 = arith.constant 24 : i32
    %eq3A_173 = vector.broadcast %eq3A_172 : i32 to vector<1x64xi32>
    %eq3A_174 = arith.cmpi eq, %iota3A, %eq3A_173 : vector<1x64xi32>
    %jit3A_175 = arith.constant 0.000000e+00 : f32
    %broadcast_in_dim3A_176 = vector.broadcast %jit3A_175 : f32 to vector<1x64xf32>
    %select_n3A_177 = arith.select %eq3A_174, %broadcast_in_dim3A, %broadcast_in_dim3A_176 : vector<1x64xi1>, vector<1x64xf32>
    %reduce_sum3A_178 = vector.shape_cast %select_n3A_177 : vector<1x64xf32> to vector<1x1x64xf32>
    %reduce_sum3A_179 = arith.constant dense<0.000000e+00> : vector<1xf32>
    %reduce_sum3A_180 = vector.multi_reduction <add>, %reduce_sum3A_178, %reduce_sum3A_179 [1, 2] : vector<1x1x64xf32> to vector<1xf32>
    %reduce_sum3A_181 = vector.shape_cast %reduce_sum3A_180 : vector<1xf32> to vector<1x1x1xf32>
    %reduce_sum3A_182 = vector.extract %reduce_sum3A_181[0, 0, 0] : f32 from vector<1x1x1xf32>
    %broadcast_in_dim3A_183 = vector.broadcast %reduce_sum3A_182 : f32 to vector<1x1xf32>
    %eq3A_184 = arith.constant 25 : i32
    %eq3A_185 = vector.broadcast %eq3A_184 : i32 to vector<1x64xi32>
    %eq3A_186 = arith.cmpi eq, %iota3A, %eq3A_185 : vector<1x64xi32>
    %jit3A_187 = arith.constant 0.000000e+00 : f32
    %broadcast_in_dim3A_188 = vector.broadcast %jit3A_187 : f32 to vector<1x64xf32>
    %select_n3A_189 = arith.select %eq3A_186, %broadcast_in_dim3A, %broadcast_in_dim3A_188 : vector<1x64xi1>, vector<1x64xf32>
    %reduce_sum3A_190 = vector.shape_cast %select_n3A_189 : vector<1x64xf32> to vector<1x1x64xf32>
    %reduce_sum3A_191 = arith.constant dense<0.000000e+00> : vector<1xf32>
    %reduce_sum3A_192 = vector.multi_reduction <add>, %reduce_sum3A_190, %reduce_sum3A_191 [1, 2] : vector<1x1x64xf32> to vector<1xf32>
    %reduce_sum3A_193 = vector.shape_cast %reduce_sum3A_192 : vector<1xf32> to vector<1x1x1xf32>
    %reduce_sum3A_194 = vector.extract %reduce_sum3A_193[0, 0, 0] : f32 from vector<1x1x1xf32>
    %broadcast_in_dim3A_195 = vector.broadcast %reduce_sum3A_194 : f32 to vector<1x1xf32>
    %eq3A_196 = arith.constant 26 : i32
    %eq3A_197 = vector.broadcast %eq3A_196 : i32 to vector<1x64xi32>
    %eq3A_198 = arith.cmpi eq, %iota3A, %eq3A_197 : vector<1x64xi32>
    %jit3A_199 = arith.constant 0.000000e+00 : f32
    %broadcast_in_dim3A_200 = vector.broadcast %jit3A_199 : f32 to vector<1x64xf32>
    %select_n3A_201 = arith.select %eq3A_198, %broadcast_in_dim3A, %broadcast_in_dim3A_200 : vector<1x64xi1>, vector<1x64xf32>
    %reduce_sum3A_202 = vector.shape_cast %select_n3A_201 : vector<1x64xf32> to vector<1x1x64xf32>
    %reduce_sum3A_203 = arith.constant dense<0.000000e+00> : vector<1xf32>
    %reduce_sum3A_204 = vector.multi_reduction <add>, %reduce_sum3A_202, %reduce_sum3A_203 [1, 2] : vector<1x1x64xf32> to vector<1xf32>
    %reduce_sum3A_205 = vector.shape_cast %reduce_sum3A_204 : vector<1xf32> to vector<1x1x1xf32>
    %reduce_sum3A_206 = vector.extract %reduce_sum3A_205[0, 0, 0] : f32 from vector<1x1x1xf32>
    %broadcast_in_dim3A_207 = vector.broadcast %reduce_sum3A_206 : f32 to vector<1x1xf32>
    %eq3A_208 = arith.constant 27 : i32
    %eq3A_209 = vector.broadcast %eq3A_208 : i32 to vector<1x64xi32>
    %eq3A_210 = arith.cmpi eq, %iota3A, %eq3A_209 : vector<1x64xi32>
    %jit3A_211 = arith.constant 0.000000e+00 : f32
    %broadcast_in_dim3A_212 = vector.broadcast %jit3A_211 : f32 to vector<1x64xf32>
    %select_n3A_213 = arith.select %eq3A_210, %broadcast_in_dim3A, %broadcast_in_dim3A_212 : vector<1x64xi1>, vector<1x64xf32>
    %reduce_sum3A_214 = vector.shape_cast %select_n3A_213 : vector<1x64xf32> to vector<1x1x64xf32>
    %reduce_sum3A_215 = arith.constant dense<0.000000e+00> : vector<1xf32>
    %reduce_sum3A_216 = vector.multi_reduction <add>, %reduce_sum3A_214, %reduce_sum3A_215 [1, 2] : vector<1x1x64xf32> to vector<1xf32>
    %reduce_sum3A_217 = vector.shape_cast %reduce_sum3A_216 : vector<1xf32> to vector<1x1x1xf32>
    %reduce_sum3A_218 = vector.extract %reduce_sum3A_217[0, 0, 0] : f32 from vector<1x1x1xf32>
    %broadcast_in_dim3A_219 = vector.broadcast %reduce_sum3A_218 : f32 to vector<1x1xf32>
    %eq3A_220 = arith.constant 28 : i32
    %eq3A_221 = vector.broadcast %eq3A_220 : i32 to vector<1x64xi32>
    %eq3A_222 = arith.cmpi eq, %iota3A, %eq3A_221 : vector<1x64xi32>
    %jit3A_223 = arith.constant 0.000000e+00 : f32
    %broadcast_in_dim3A_224 = vector.broadcast %jit3A_223 : f32 to vector<1x64xf32>
    %select_n3A_225 = arith.select %eq3A_222, %broadcast_in_dim3A, %broadcast_in_dim3A_224 : vector<1x64xi1>, vector<1x64xf32>
    %reduce_sum3A_226 = vector.shape_cast %select_n3A_225 : vector<1x64xf32> to vector<1x1x64xf32>
    %reduce_sum3A_227 = arith.constant dense<0.000000e+00> : vector<1xf32>
    %reduce_sum3A_228 = vector.multi_reduction <add>, %reduce_sum3A_226, %reduce_sum3A_227 [1, 2] : vector<1x1x64xf32> to vector<1xf32>
    %reduce_sum3A_229 = vector.shape_cast %reduce_sum3A_228 : vector<1xf32> to vector<1x1x1xf32>
    %reduce_sum3A_230 = vector.extract %reduce_sum3A_229[0, 0, 0] : f32 from vector<1x1x1xf32>
    %broadcast_in_dim3A_231 = vector.broadcast %reduce_sum3A_230 : f32 to vector<1x1xf32>
    %eq3A_232 = arith.constant 29 : i32
    %eq3A_233 = vector.broadcast %eq3A_232 : i32 to vector<1x64xi32>
    %eq3A_234 = arith.cmpi eq, %iota3A, %eq3A_233 : vector<1x64xi32>
    %jit3A_235 = arith.constant 0.000000e+00 : f32
    %broadcast_in_dim3A_236 = vector.broadcast %jit3A_235 : f32 to vector<1x64xf32>
    %select_n3A_237 = arith.select %eq3A_234, %broadcast_in_dim3A, %broadcast_in_dim3A_236 : vector<1x64xi1>, vector<1x64xf32>
    %reduce_sum3A_238 = vector.shape_cast %select_n3A_237 : vector<1x64xf32> to vector<1x1x64xf32>
    %reduce_sum3A_239 = arith.constant dense<0.000000e+00> : vector<1xf32>
    %reduce_sum3A_240 = vector.multi_reduction <add>, %reduce_sum3A_238, %reduce_sum3A_239 [1, 2] : vector<1x1x64xf32> to vector<1xf32>
    %reduce_sum3A_241 = vector.shape_cast %reduce_sum3A_240 : vector<1xf32> to vector<1x1x1xf32>
    %reduce_sum3A_242 = vector.extract %reduce_sum3A_241[0, 0, 0] : f32 from vector<1x1x1xf32>
    %broadcast_in_dim3A_243 = vector.broadcast %reduce_sum3A_242 : f32 to vector<1x1xf32>
    %eq3A_244 = arith.constant 30 : i32
    %eq3A_245 = vector.broadcast %eq3A_244 : i32 to vector<1x64xi32>
    %eq3A_246 = arith.cmpi eq, %iota3A, %eq3A_245 : vector<1x64xi32>
    %jit3A_247 = arith.constant 0.000000e+00 : f32
    %broadcast_in_dim3A_248 = vector.broadcast %jit3A_247 : f32 to vector<1x64xf32>
    %select_n3A_249 = arith.select %eq3A_246, %broadcast_in_dim3A, %broadcast_in_dim3A_248 : vector<1x64xi1>, vector<1x64xf32>
    %reduce_sum3A_250 = vector.shape_cast %select_n3A_249 : vector<1x64xf32> to vector<1x1x64xf32>
    %reduce_sum3A_251 = arith.constant dense<0.000000e+00> : vector<1xf32>
    %reduce_sum3A_252 = vector.multi_reduction <add>, %reduce_sum3A_250, %reduce_sum3A_251 [1, 2] : vector<1x1x64xf32> to vector<1xf32>
    %reduce_sum3A_253 = vector.shape_cast %reduce_sum3A_252 : vector<1xf32> to vector<1x1x1xf32>
    %reduce_sum3A_254 = vector.extract %reduce_sum3A_253[0, 0, 0] : f32 from vector<1x1x1xf32>
    %broadcast_in_dim3A_255 = vector.broadcast %reduce_sum3A_254 : f32 to vector<1x1xf32>
    %eq3A_256 = arith.constant 32 : i32
    %eq3A_257 = vector.broadcast %eq3A_256 : i32 to vector<1x64xi32>
    %eq3A_258 = arith.cmpi eq, %iota3A, %eq3A_257 : vector<1x64xi32>
    %jit3A_259 = arith.constant 0.000000e+00 : f32
    %broadcast_in_dim3A_260 = vector.broadcast %jit3A_259 : f32 to vector<1x64xf32>
    %select_n3A_261 = arith.select %eq3A_258, %broadcast_in_dim3A, %broadcast_in_dim3A_260 : vector<1x64xi1>, vector<1x64xf32>
    %reduce_sum3A_262 = vector.shape_cast %select_n3A_261 : vector<1x64xf32> to vector<1x1x64xf32>
    %reduce_sum3A_263 = arith.constant dense<0.000000e+00> : vector<1xf32>
    %reduce_sum3A_264 = vector.multi_reduction <add>, %reduce_sum3A_262, %reduce_sum3A_263 [1, 2] : vector<1x1x64xf32> to vector<1xf32>
    %reduce_sum3A_265 = vector.shape_cast %reduce_sum3A_264 : vector<1xf32> to vector<1x1x1xf32>
    %reduce_sum3A_266 = vector.extract %reduce_sum3A_265[0, 0, 0] : f32 from vector<1x1x1xf32>
    %broadcast_in_dim3A_267 = vector.broadcast %reduce_sum3A_266 : f32 to vector<1x1xf32>
    %eq3A_268 = arith.constant 33 : i32
    %eq3A_269 = vector.broadcast %eq3A_268 : i32 to vector<1x64xi32>
    %eq3A_270 = arith.cmpi eq, %iota3A, %eq3A_269 : vector<1x64xi32>
    %jit3A_271 = arith.constant 0.000000e+00 : f32
    %broadcast_in_dim3A_272 = vector.broadcast %jit3A_271 : f32 to vector<1x64xf32>
    %select_n3A_273 = arith.select %eq3A_270, %broadcast_in_dim3A, %broadcast_in_dim3A_272 : vector<1x64xi1>, vector<1x64xf32>
    %reduce_sum3A_274 = vector.shape_cast %select_n3A_273 : vector<1x64xf32> to vector<1x1x64xf32>
    %reduce_sum3A_275 = arith.constant dense<0.000000e+00> : vector<1xf32>
    %reduce_sum3A_276 = vector.multi_reduction <add>, %reduce_sum3A_274, %reduce_sum3A_275 [1, 2] : vector<1x1x64xf32> to vector<1xf32>
    %reduce_sum3A_277 = vector.shape_cast %reduce_sum3A_276 : vector<1xf32> to vector<1x1x1xf32>
    %reduce_sum3A_278 = vector.extract %reduce_sum3A_277[0, 0, 0] : f32 from vector<1x1x1xf32>
    %broadcast_in_dim3A_279 = vector.broadcast %reduce_sum3A_278 : f32 to vector<1x1xf32>
    %eq3A_280 = arith.constant 34 : i32
    %eq3A_281 = vector.broadcast %eq3A_280 : i32 to vector<1x64xi32>
    %eq3A_282 = arith.cmpi eq, %iota3A, %eq3A_281 : vector<1x64xi32>
    %jit3A_283 = arith.constant 0.000000e+00 : f32
    %broadcast_in_dim3A_284 = vector.broadcast %jit3A_283 : f32 to vector<1x64xf32>
    %select_n3A_285 = arith.select %eq3A_282, %broadcast_in_dim3A, %broadcast_in_dim3A_284 : vector<1x64xi1>, vector<1x64xf32>
    %reduce_sum3A_286 = vector.shape_cast %select_n3A_285 : vector<1x64xf32> to vector<1x1x64xf32>
    %reduce_sum3A_287 = arith.constant dense<0.000000e+00> : vector<1xf32>
    %reduce_sum3A_288 = vector.multi_reduction <add>, %reduce_sum3A_286, %reduce_sum3A_287 [1, 2] : vector<1x1x64xf32> to vector<1xf32>
    %reduce_sum3A_289 = vector.shape_cast %reduce_sum3A_288 : vector<1xf32> to vector<1x1x1xf32>
    %reduce_sum3A_290 = vector.extract %reduce_sum3A_289[0, 0, 0] : f32 from vector<1x1x1xf32>
    %broadcast_in_dim3A_291 = vector.broadcast %reduce_sum3A_290 : f32 to vector<1x1xf32>
    %eq3A_292 = arith.constant 35 : i32
    %eq3A_293 = vector.broadcast %eq3A_292 : i32 to vector<1x64xi32>
    %eq3A_294 = arith.cmpi eq, %iota3A, %eq3A_293 : vector<1x64xi32>
    %jit3A_295 = arith.constant 0.000000e+00 : f32
    %broadcast_in_dim3A_296 = vector.broadcast %jit3A_295 : f32 to vector<1x64xf32>
    %select_n3A_297 = arith.select %eq3A_294, %broadcast_in_dim3A, %broadcast_in_dim3A_296 : vector<1x64xi1>, vector<1x64xf32>
    %reduce_sum3A_298 = vector.shape_cast %select_n3A_297 : vector<1x64xf32> to vector<1x1x64xf32>
    %reduce_sum3A_299 = arith.constant dense<0.000000e+00> : vector<1xf32>
    %reduce_sum3A_300 = vector.multi_reduction <add>, %reduce_sum3A_298, %reduce_sum3A_299 [1, 2] : vector<1x1x64xf32> to vector<1xf32>
    %reduce_sum3A_301 = vector.shape_cast %reduce_sum3A_300 : vector<1xf32> to vector<1x1x1xf32>
    %reduce_sum3A_302 = vector.extract %reduce_sum3A_301[0, 0, 0] : f32 from vector<1x1x1xf32>
    %broadcast_in_dim3A_303 = vector.broadcast %reduce_sum3A_302 : f32 to vector<1x1xf32>
    %eq3A_304 = arith.constant 36 : i32
    %eq3A_305 = vector.broadcast %eq3A_304 : i32 to vector<1x64xi32>
    %eq3A_306 = arith.cmpi eq, %iota3A, %eq3A_305 : vector<1x64xi32>
    %jit3A_307 = arith.constant 0.000000e+00 : f32
    %broadcast_in_dim3A_308 = vector.broadcast %jit3A_307 : f32 to vector<1x64xf32>
    %select_n3A_309 = arith.select %eq3A_306, %broadcast_in_dim3A, %broadcast_in_dim3A_308 : vector<1x64xi1>, vector<1x64xf32>
    %reduce_sum3A_310 = vector.shape_cast %select_n3A_309 : vector<1x64xf32> to vector<1x1x64xf32>
    %reduce_sum3A_311 = arith.constant dense<0.000000e+00> : vector<1xf32>
    %reduce_sum3A_312 = vector.multi_reduction <add>, %reduce_sum3A_310, %reduce_sum3A_311 [1, 2] : vector<1x1x64xf32> to vector<1xf32>
    %reduce_sum3A_313 = vector.shape_cast %reduce_sum3A_312 : vector<1xf32> to vector<1x1x1xf32>
    %reduce_sum3A_314 = vector.extract %reduce_sum3A_313[0, 0, 0] : f32 from vector<1x1x1xf32>
    %broadcast_in_dim3A_315 = vector.broadcast %reduce_sum3A_314 : f32 to vector<1x1xf32>
    %eq3A_316 = arith.constant 37 : i32
    %eq3A_317 = vector.broadcast %eq3A_316 : i32 to vector<1x64xi32>
    %eq3A_318 = arith.cmpi eq, %iota3A, %eq3A_317 : vector<1x64xi32>
    %jit3A_319 = arith.constant 0.000000e+00 : f32
    %broadcast_in_dim3A_320 = vector.broadcast %jit3A_319 : f32 to vector<1x64xf32>
    %select_n3A_321 = arith.select %eq3A_318, %broadcast_in_dim3A, %broadcast_in_dim3A_320 : vector<1x64xi1>, vector<1x64xf32>
    %reduce_sum3A_322 = vector.shape_cast %select_n3A_321 : vector<1x64xf32> to vector<1x1x64xf32>
    %reduce_sum3A_323 = arith.constant dense<0.000000e+00> : vector<1xf32>
    %reduce_sum3A_324 = vector.multi_reduction <add>, %reduce_sum3A_322, %reduce_sum3A_323 [1, 2] : vector<1x1x64xf32> to vector<1xf32>
    %reduce_sum3A_325 = vector.shape_cast %reduce_sum3A_324 : vector<1xf32> to vector<1x1x1xf32>
    %reduce_sum3A_326 = vector.extract %reduce_sum3A_325[0, 0, 0] : f32 from vector<1x1x1xf32>
    %broadcast_in_dim3A_327 = vector.broadcast %reduce_sum3A_326 : f32 to vector<1x1xf32>
    %eq3A_328 = arith.constant 38 : i32
    %eq3A_329 = vector.broadcast %eq3A_328 : i32 to vector<1x64xi32>
    %eq3A_330 = arith.cmpi eq, %iota3A, %eq3A_329 : vector<1x64xi32>
    %jit3A_331 = arith.constant 0.000000e+00 : f32
    %broadcast_in_dim3A_332 = vector.broadcast %jit3A_331 : f32 to vector<1x64xf32>
    %select_n3A_333 = arith.select %eq3A_330, %broadcast_in_dim3A, %broadcast_in_dim3A_332 : vector<1x64xi1>, vector<1x64xf32>
    %reduce_sum3A_334 = vector.shape_cast %select_n3A_333 : vector<1x64xf32> to vector<1x1x64xf32>
    %reduce_sum3A_335 = arith.constant dense<0.000000e+00> : vector<1xf32>
    %reduce_sum3A_336 = vector.multi_reduction <add>, %reduce_sum3A_334, %reduce_sum3A_335 [1, 2] : vector<1x1x64xf32> to vector<1xf32>
    %reduce_sum3A_337 = vector.shape_cast %reduce_sum3A_336 : vector<1xf32> to vector<1x1x1xf32>
    %reduce_sum3A_338 = vector.extract %reduce_sum3A_337[0, 0, 0] : f32 from vector<1x1x1xf32>
    %broadcast_in_dim3A_339 = vector.broadcast %reduce_sum3A_338 : f32 to vector<1x1xf32>
    %eq3A_340 = arith.constant 40 : i32
    %eq3A_341 = vector.broadcast %eq3A_340 : i32 to vector<1x64xi32>
    %eq3A_342 = arith.cmpi eq, %iota3A, %eq3A_341 : vector<1x64xi32>
    %jit3A_343 = arith.constant 0.000000e+00 : f32
    %broadcast_in_dim3A_344 = vector.broadcast %jit3A_343 : f32 to vector<1x64xf32>
    %select_n3A_345 = arith.select %eq3A_342, %broadcast_in_dim3A, %broadcast_in_dim3A_344 : vector<1x64xi1>, vector<1x64xf32>
    %reduce_sum3A_346 = vector.shape_cast %select_n3A_345 : vector<1x64xf32> to vector<1x1x64xf32>
    %reduce_sum3A_347 = arith.constant dense<0.000000e+00> : vector<1xf32>
    %reduce_sum3A_348 = vector.multi_reduction <add>, %reduce_sum3A_346, %reduce_sum3A_347 [1, 2] : vector<1x1x64xf32> to vector<1xf32>
    %reduce_sum3A_349 = vector.shape_cast %reduce_sum3A_348 : vector<1xf32> to vector<1x1x1xf32>
    %reduce_sum3A_350 = vector.extract %reduce_sum3A_349[0, 0, 0] : f32 from vector<1x1x1xf32>
    %broadcast_in_dim3A_351 = vector.broadcast %reduce_sum3A_350 : f32 to vector<1x1xf32>
    %eq3A_352 = arith.constant 41 : i32
    %eq3A_353 = vector.broadcast %eq3A_352 : i32 to vector<1x64xi32>
    %eq3A_354 = arith.cmpi eq, %iota3A, %eq3A_353 : vector<1x64xi32>
    %jit3A_355 = arith.constant 0.000000e+00 : f32
    %broadcast_in_dim3A_356 = vector.broadcast %jit3A_355 : f32 to vector<1x64xf32>
    %select_n3A_357 = arith.select %eq3A_354, %broadcast_in_dim3A, %broadcast_in_dim3A_356 : vector<1x64xi1>, vector<1x64xf32>
    %reduce_sum3A_358 = vector.shape_cast %select_n3A_357 : vector<1x64xf32> to vector<1x1x64xf32>
    %reduce_sum3A_359 = arith.constant dense<0.000000e+00> : vector<1xf32>
    %reduce_sum3A_360 = vector.multi_reduction <add>, %reduce_sum3A_358, %reduce_sum3A_359 [1, 2] : vector<1x1x64xf32> to vector<1xf32>
    %reduce_sum3A_361 = vector.shape_cast %reduce_sum3A_360 : vector<1xf32> to vector<1x1x1xf32>
    %reduce_sum3A_362 = vector.extract %reduce_sum3A_361[0, 0, 0] : f32 from vector<1x1x1xf32>
    %broadcast_in_dim3A_363 = vector.broadcast %reduce_sum3A_362 : f32 to vector<1x1xf32>
    %eq3A_364 = arith.constant 42 : i32
    %eq3A_365 = vector.broadcast %eq3A_364 : i32 to vector<1x64xi32>
    %eq3A_366 = arith.cmpi eq, %iota3A, %eq3A_365 : vector<1x64xi32>
    %jit3A_367 = arith.constant 0.000000e+00 : f32
    %broadcast_in_dim3A_368 = vector.broadcast %jit3A_367 : f32 to vector<1x64xf32>
    %select_n3A_369 = arith.select %eq3A_366, %broadcast_in_dim3A, %broadcast_in_dim3A_368 : vector<1x64xi1>, vector<1x64xf32>
    %reduce_sum3A_370 = vector.shape_cast %select_n3A_369 : vector<1x64xf32> to vector<1x1x64xf32>
    %reduce_sum3A_371 = arith.constant dense<0.000000e+00> : vector<1xf32>
    %reduce_sum3A_372 = vector.multi_reduction <add>, %reduce_sum3A_370, %reduce_sum3A_371 [1, 2] : vector<1x1x64xf32> to vector<1xf32>
    %reduce_sum3A_373 = vector.shape_cast %reduce_sum3A_372 : vector<1xf32> to vector<1x1x1xf32>
    %reduce_sum3A_374 = vector.extract %reduce_sum3A_373[0, 0, 0] : f32 from vector<1x1x1xf32>
    %broadcast_in_dim3A_375 = vector.broadcast %reduce_sum3A_374 : f32 to vector<1x1xf32>
    %eq3A_376 = arith.constant 43 : i32
    %eq3A_377 = vector.broadcast %eq3A_376 : i32 to vector<1x64xi32>
    %eq3A_378 = arith.cmpi eq, %iota3A, %eq3A_377 : vector<1x64xi32>
    %jit3A_379 = arith.constant 0.000000e+00 : f32
    %broadcast_in_dim3A_380 = vector.broadcast %jit3A_379 : f32 to vector<1x64xf32>
    %select_n3A_381 = arith.select %eq3A_378, %broadcast_in_dim3A, %broadcast_in_dim3A_380 : vector<1x64xi1>, vector<1x64xf32>
    %reduce_sum3A_382 = vector.shape_cast %select_n3A_381 : vector<1x64xf32> to vector<1x1x64xf32>
    %reduce_sum3A_383 = arith.constant dense<0.000000e+00> : vector<1xf32>
    %reduce_sum3A_384 = vector.multi_reduction <add>, %reduce_sum3A_382, %reduce_sum3A_383 [1, 2] : vector<1x1x64xf32> to vector<1xf32>
    %reduce_sum3A_385 = vector.shape_cast %reduce_sum3A_384 : vector<1xf32> to vector<1x1x1xf32>
    %reduce_sum3A_386 = vector.extract %reduce_sum3A_385[0, 0, 0] : f32 from vector<1x1x1xf32>
    %broadcast_in_dim3A_387 = vector.broadcast %reduce_sum3A_386 : f32 to vector<1x1xf32>
    %eq3A_388 = arith.constant 44 : i32
    %eq3A_389 = vector.broadcast %eq3A_388 : i32 to vector<1x64xi32>
    %eq3A_390 = arith.cmpi eq, %iota3A, %eq3A_389 : vector<1x64xi32>
    %jit3A_391 = arith.constant 0.000000e+00 : f32
    %broadcast_in_dim3A_392 = vector.broadcast %jit3A_391 : f32 to vector<1x64xf32>
    %select_n3A_393 = arith.select %eq3A_390, %broadcast_in_dim3A, %broadcast_in_dim3A_392 : vector<1x64xi1>, vector<1x64xf32>
    %reduce_sum3A_394 = vector.shape_cast %select_n3A_393 : vector<1x64xf32> to vector<1x1x64xf32>
    %reduce_sum3A_395 = arith.constant dense<0.000000e+00> : vector<1xf32>
    %reduce_sum3A_396 = vector.multi_reduction <add>, %reduce_sum3A_394, %reduce_sum3A_395 [1, 2] : vector<1x1x64xf32> to vector<1xf32>
    %reduce_sum3A_397 = vector.shape_cast %reduce_sum3A_396 : vector<1xf32> to vector<1x1x1xf32>
    %reduce_sum3A_398 = vector.extract %reduce_sum3A_397[0, 0, 0] : f32 from vector<1x1x1xf32>
    %broadcast_in_dim3A_399 = vector.broadcast %reduce_sum3A_398 : f32 to vector<1x1xf32>
    %eq3A_400 = arith.constant 45 : i32
    %eq3A_401 = vector.broadcast %eq3A_400 : i32 to vector<1x64xi32>
    %eq3A_402 = arith.cmpi eq, %iota3A, %eq3A_401 : vector<1x64xi32>
    %jit3A_403 = arith.constant 0.000000e+00 : f32
    %broadcast_in_dim3A_404 = vector.broadcast %jit3A_403 : f32 to vector<1x64xf32>
    %select_n3A_405 = arith.select %eq3A_402, %broadcast_in_dim3A, %broadcast_in_dim3A_404 : vector<1x64xi1>, vector<1x64xf32>
    %reduce_sum3A_406 = vector.shape_cast %select_n3A_405 : vector<1x64xf32> to vector<1x1x64xf32>
    %reduce_sum3A_407 = arith.constant dense<0.000000e+00> : vector<1xf32>
    %reduce_sum3A_408 = vector.multi_reduction <add>, %reduce_sum3A_406, %reduce_sum3A_407 [1, 2] : vector<1x1x64xf32> to vector<1xf32>
    %reduce_sum3A_409 = vector.shape_cast %reduce_sum3A_408 : vector<1xf32> to vector<1x1x1xf32>
    %reduce_sum3A_410 = vector.extract %reduce_sum3A_409[0, 0, 0] : f32 from vector<1x1x1xf32>
    %broadcast_in_dim3A_411 = vector.broadcast %reduce_sum3A_410 : f32 to vector<1x1xf32>
    %eq3A_412 = arith.constant 46 : i32
    %eq3A_413 = vector.broadcast %eq3A_412 : i32 to vector<1x64xi32>
    %eq3A_414 = arith.cmpi eq, %iota3A, %eq3A_413 : vector<1x64xi32>
    %jit3A_415 = arith.constant 0.000000e+00 : f32
    %broadcast_in_dim3A_416 = vector.broadcast %jit3A_415 : f32 to vector<1x64xf32>
    %select_n3A_417 = arith.select %eq3A_414, %broadcast_in_dim3A, %broadcast_in_dim3A_416 : vector<1x64xi1>, vector<1x64xf32>
    %reduce_sum3A_418 = vector.shape_cast %select_n3A_417 : vector<1x64xf32> to vector<1x1x64xf32>
    %reduce_sum3A_419 = arith.constant dense<0.000000e+00> : vector<1xf32>
    %reduce_sum3A_420 = vector.multi_reduction <add>, %reduce_sum3A_418, %reduce_sum3A_419 [1, 2] : vector<1x1x64xf32> to vector<1xf32>
    %reduce_sum3A_421 = vector.shape_cast %reduce_sum3A_420 : vector<1xf32> to vector<1x1x1xf32>
    %reduce_sum3A_422 = vector.extract %reduce_sum3A_421[0, 0, 0] : f32 from vector<1x1x1xf32>
    %broadcast_in_dim3A_423 = vector.broadcast %reduce_sum3A_422 : f32 to vector<1x1xf32>
    %eq3A_424 = arith.constant 48 : i32
    %eq3A_425 = vector.broadcast %eq3A_424 : i32 to vector<1x64xi32>
    %eq3A_426 = arith.cmpi eq, %iota3A, %eq3A_425 : vector<1x64xi32>
    %jit3A_427 = arith.constant 0.000000e+00 : f32
    %broadcast_in_dim3A_428 = vector.broadcast %jit3A_427 : f32 to vector<1x64xf32>
    %select_n3A_429 = arith.select %eq3A_426, %broadcast_in_dim3A, %broadcast_in_dim3A_428 : vector<1x64xi1>, vector<1x64xf32>
    %reduce_sum3A_430 = vector.shape_cast %select_n3A_429 : vector<1x64xf32> to vector<1x1x64xf32>
    %reduce_sum3A_431 = arith.constant dense<0.000000e+00> : vector<1xf32>
    %reduce_sum3A_432 = vector.multi_reduction <add>, %reduce_sum3A_430, %reduce_sum3A_431 [1, 2] : vector<1x1x64xf32> to vector<1xf32>
    %reduce_sum3A_433 = vector.shape_cast %reduce_sum3A_432 : vector<1xf32> to vector<1x1x1xf32>
    %reduce_sum3A_434 = vector.extract %reduce_sum3A_433[0, 0, 0] : f32 from vector<1x1x1xf32>
    %broadcast_in_dim3A_435 = vector.broadcast %reduce_sum3A_434 : f32 to vector<1x1xf32>
    %eq3A_436 = arith.constant 49 : i32
    %eq3A_437 = vector.broadcast %eq3A_436 : i32 to vector<1x64xi32>
    %eq3A_438 = arith.cmpi eq, %iota3A, %eq3A_437 : vector<1x64xi32>
    %jit3A_439 = arith.constant 0.000000e+00 : f32
    %broadcast_in_dim3A_440 = vector.broadcast %jit3A_439 : f32 to vector<1x64xf32>
    %select_n3A_441 = arith.select %eq3A_438, %broadcast_in_dim3A, %broadcast_in_dim3A_440 : vector<1x64xi1>, vector<1x64xf32>
    %reduce_sum3A_442 = vector.shape_cast %select_n3A_441 : vector<1x64xf32> to vector<1x1x64xf32>
    %reduce_sum3A_443 = arith.constant dense<0.000000e+00> : vector<1xf32>
    %reduce_sum3A_444 = vector.multi_reduction <add>, %reduce_sum3A_442, %reduce_sum3A_443 [1, 2] : vector<1x1x64xf32> to vector<1xf32>
    %reduce_sum3A_445 = vector.shape_cast %reduce_sum3A_444 : vector<1xf32> to vector<1x1x1xf32>
    %reduce_sum3A_446 = vector.extract %reduce_sum3A_445[0, 0, 0] : f32 from vector<1x1x1xf32>
    %broadcast_in_dim3A_447 = vector.broadcast %reduce_sum3A_446 : f32 to vector<1x1xf32>
    %eq3A_448 = arith.constant 50 : i32
    %eq3A_449 = vector.broadcast %eq3A_448 : i32 to vector<1x64xi32>
    %eq3A_450 = arith.cmpi eq, %iota3A, %eq3A_449 : vector<1x64xi32>
    %jit3A_451 = arith.constant 0.000000e+00 : f32
    %broadcast_in_dim3A_452 = vector.broadcast %jit3A_451 : f32 to vector<1x64xf32>
    %select_n3A_453 = arith.select %eq3A_450, %broadcast_in_dim3A, %broadcast_in_dim3A_452 : vector<1x64xi1>, vector<1x64xf32>
    %reduce_sum3A_454 = vector.shape_cast %select_n3A_453 : vector<1x64xf32> to vector<1x1x64xf32>
    %reduce_sum3A_455 = arith.constant dense<0.000000e+00> : vector<1xf32>
    %reduce_sum3A_456 = vector.multi_reduction <add>, %reduce_sum3A_454, %reduce_sum3A_455 [1, 2] : vector<1x1x64xf32> to vector<1xf32>
    %reduce_sum3A_457 = vector.shape_cast %reduce_sum3A_456 : vector<1xf32> to vector<1x1x1xf32>
    %reduce_sum3A_458 = vector.extract %reduce_sum3A_457[0, 0, 0] : f32 from vector<1x1x1xf32>
    %broadcast_in_dim3A_459 = vector.broadcast %reduce_sum3A_458 : f32 to vector<1x1xf32>
    %eq3A_460 = arith.constant 51 : i32
    %eq3A_461 = vector.broadcast %eq3A_460 : i32 to vector<1x64xi32>
    %eq3A_462 = arith.cmpi eq, %iota3A, %eq3A_461 : vector<1x64xi32>
    %jit3A_463 = arith.constant 0.000000e+00 : f32
    %broadcast_in_dim3A_464 = vector.broadcast %jit3A_463 : f32 to vector<1x64xf32>
    %select_n3A_465 = arith.select %eq3A_462, %broadcast_in_dim3A, %broadcast_in_dim3A_464 : vector<1x64xi1>, vector<1x64xf32>
    %reduce_sum3A_466 = vector.shape_cast %select_n3A_465 : vector<1x64xf32> to vector<1x1x64xf32>
    %reduce_sum3A_467 = arith.constant dense<0.000000e+00> : vector<1xf32>
    %reduce_sum3A_468 = vector.multi_reduction <add>, %reduce_sum3A_466, %reduce_sum3A_467 [1, 2] : vector<1x1x64xf32> to vector<1xf32>
    %reduce_sum3A_469 = vector.shape_cast %reduce_sum3A_468 : vector<1xf32> to vector<1x1x1xf32>
    %reduce_sum3A_470 = vector.extract %reduce_sum3A_469[0, 0, 0] : f32 from vector<1x1x1xf32>
    %broadcast_in_dim3A_471 = vector.broadcast %reduce_sum3A_470 : f32 to vector<1x1xf32>
    %eq3A_472 = arith.constant 52 : i32
    %eq3A_473 = vector.broadcast %eq3A_472 : i32 to vector<1x64xi32>
    %eq3A_474 = arith.cmpi eq, %iota3A, %eq3A_473 : vector<1x64xi32>
    %jit3A_475 = arith.constant 0.000000e+00 : f32
    %broadcast_in_dim3A_476 = vector.broadcast %jit3A_475 : f32 to vector<1x64xf32>
    %select_n3A_477 = arith.select %eq3A_474, %broadcast_in_dim3A, %broadcast_in_dim3A_476 : vector<1x64xi1>, vector<1x64xf32>
    %reduce_sum3A_478 = vector.shape_cast %select_n3A_477 : vector<1x64xf32> to vector<1x1x64xf32>
    %reduce_sum3A_479 = arith.constant dense<0.000000e+00> : vector<1xf32>
    %reduce_sum3A_480 = vector.multi_reduction <add>, %reduce_sum3A_478, %reduce_sum3A_479 [1, 2] : vector<1x1x64xf32> to vector<1xf32>
    %reduce_sum3A_481 = vector.shape_cast %reduce_sum3A_480 : vector<1xf32> to vector<1x1x1xf32>
    %reduce_sum3A_482 = vector.extract %reduce_sum3A_481[0, 0, 0] : f32 from vector<1x1x1xf32>
    %broadcast_in_dim3A_483 = vector.broadcast %reduce_sum3A_482 : f32 to vector<1x1xf32>
    %eq3A_484 = arith.constant 53 : i32
    %eq3A_485 = vector.broadcast %eq3A_484 : i32 to vector<1x64xi32>
    %eq3A_486 = arith.cmpi eq, %iota3A, %eq3A_485 : vector<1x64xi32>
    %jit3A_487 = arith.constant 0.000000e+00 : f32
    %broadcast_in_dim3A_488 = vector.broadcast %jit3A_487 : f32 to vector<1x64xf32>
    %select_n3A_489 = arith.select %eq3A_486, %broadcast_in_dim3A, %broadcast_in_dim3A_488 : vector<1x64xi1>, vector<1x64xf32>
    %reduce_sum3A_490 = vector.shape_cast %select_n3A_489 : vector<1x64xf32> to vector<1x1x64xf32>
    %reduce_sum3A_491 = arith.constant dense<0.000000e+00> : vector<1xf32>
    %reduce_sum3A_492 = vector.multi_reduction <add>, %reduce_sum3A_490, %reduce_sum3A_491 [1, 2] : vector<1x1x64xf32> to vector<1xf32>
    %reduce_sum3A_493 = vector.shape_cast %reduce_sum3A_492 : vector<1xf32> to vector<1x1x1xf32>
    %reduce_sum3A_494 = vector.extract %reduce_sum3A_493[0, 0, 0] : f32 from vector<1x1x1xf32>
    %broadcast_in_dim3A_495 = vector.broadcast %reduce_sum3A_494 : f32 to vector<1x1xf32>
    %eq3A_496 = arith.constant 54 : i32
    %eq3A_497 = vector.broadcast %eq3A_496 : i32 to vector<1x64xi32>
    %eq3A_498 = arith.cmpi eq, %iota3A, %eq3A_497 : vector<1x64xi32>
    %jit3A_499 = arith.constant 0.000000e+00 : f32
    %broadcast_in_dim3A_500 = vector.broadcast %jit3A_499 : f32 to vector<1x64xf32>
    %select_n3A_501 = arith.select %eq3A_498, %broadcast_in_dim3A, %broadcast_in_dim3A_500 : vector<1x64xi1>, vector<1x64xf32>
    %reduce_sum3A_502 = vector.shape_cast %select_n3A_501 : vector<1x64xf32> to vector<1x1x64xf32>
    %reduce_sum3A_503 = arith.constant dense<0.000000e+00> : vector<1xf32>
    %reduce_sum3A_504 = vector.multi_reduction <add>, %reduce_sum3A_502, %reduce_sum3A_503 [1, 2] : vector<1x1x64xf32> to vector<1xf32>
    %reduce_sum3A_505 = vector.shape_cast %reduce_sum3A_504 : vector<1xf32> to vector<1x1x1xf32>
    %reduce_sum3A_506 = vector.extract %reduce_sum3A_505[0, 0, 0] : f32 from vector<1x1x1xf32>
    %broadcast_in_dim3A_507 = vector.broadcast %reduce_sum3A_506 : f32 to vector<1x1xf32>
    %convert_element_type3A = arith.truncf %broadcast_in_dim3A_15 : vector<1x1xf32> to vector<1x1xbf16>
    %convert_element_type3A_508 = arith.extf %convert_element_type3A : vector<1x1xbf16> to vector<1x1xf32>
    %convert_element_type3A_509 = arith.truncf %broadcast_in_dim3A_27 : vector<1x1xf32> to vector<1x1xbf16>
    %convert_element_type3A_510 = arith.extf %convert_element_type3A_509 : vector<1x1xbf16> to vector<1x1xf32>
    %convert_element_type3A_511 = arith.truncf %broadcast_in_dim3A_39 : vector<1x1xf32> to vector<1x1xbf16>
    %convert_element_type3A_512 = arith.extf %convert_element_type3A_511 : vector<1x1xbf16> to vector<1x1xf32>
    %convert_element_type3A_513 = arith.truncf %broadcast_in_dim3A_51 : vector<1x1xf32> to vector<1x1xbf16>
    %convert_element_type3A_514 = arith.extf %convert_element_type3A_513 : vector<1x1xbf16> to vector<1x1xf32>
    %convert_element_type3A_515 = arith.truncf %broadcast_in_dim3A_63 : vector<1x1xf32> to vector<1x1xbf16>
    %convert_element_type3A_516 = arith.extf %convert_element_type3A_515 : vector<1x1xbf16> to vector<1x1xf32>
    %convert_element_type3A_517 = arith.truncf %broadcast_in_dim3A_75 : vector<1x1xf32> to vector<1x1xbf16>
    %convert_element_type3A_518 = arith.extf %convert_element_type3A_517 : vector<1x1xbf16> to vector<1x1xf32>
    %convert_element_type3A_519 = arith.truncf %broadcast_in_dim3A_87 : vector<1x1xf32> to vector<1x1xbf16>
    %convert_element_type3A_520 = arith.extf %convert_element_type3A_519 : vector<1x1xbf16> to vector<1x1xf32>
    %convert_element_type3A_521 = arith.truncf %broadcast_in_dim3A_99 : vector<1x1xf32> to vector<1x1xbf16>
    %convert_element_type3A_522 = arith.extf %convert_element_type3A_521 : vector<1x1xbf16> to vector<1x1xf32>
    %convert_element_type3A_523 = arith.truncf %broadcast_in_dim3A_111 : vector<1x1xf32> to vector<1x1xbf16>
    %convert_element_type3A_524 = arith.extf %convert_element_type3A_523 : vector<1x1xbf16> to vector<1x1xf32>
    %convert_element_type3A_525 = arith.truncf %broadcast_in_dim3A_123 : vector<1x1xf32> to vector<1x1xbf16>
    %convert_element_type3A_526 = arith.extf %convert_element_type3A_525 : vector<1x1xbf16> to vector<1x1xf32>
    %convert_element_type3A_527 = arith.truncf %broadcast_in_dim3A_135 : vector<1x1xf32> to vector<1x1xbf16>
    %convert_element_type3A_528 = arith.extf %convert_element_type3A_527 : vector<1x1xbf16> to vector<1x1xf32>
    %convert_element_type3A_529 = arith.truncf %broadcast_in_dim3A_147 : vector<1x1xf32> to vector<1x1xbf16>
    %convert_element_type3A_530 = arith.extf %convert_element_type3A_529 : vector<1x1xbf16> to vector<1x1xf32>
    %convert_element_type3A_531 = arith.truncf %broadcast_in_dim3A_159 : vector<1x1xf32> to vector<1x1xbf16>
    %convert_element_type3A_532 = arith.extf %convert_element_type3A_531 : vector<1x1xbf16> to vector<1x1xf32>
    %convert_element_type3A_533 = arith.truncf %broadcast_in_dim3A_171 : vector<1x1xf32> to vector<1x1xbf16>
    %convert_element_type3A_534 = arith.extf %convert_element_type3A_533 : vector<1x1xbf16> to vector<1x1xf32>
    %convert_element_type3A_535 = arith.truncf %broadcast_in_dim3A_183 : vector<1x1xf32> to vector<1x1xbf16>
    %convert_element_type3A_536 = arith.extf %convert_element_type3A_535 : vector<1x1xbf16> to vector<1x1xf32>
    %convert_element_type3A_537 = arith.truncf %broadcast_in_dim3A_195 : vector<1x1xf32> to vector<1x1xbf16>
    %convert_element_type3A_538 = arith.extf %convert_element_type3A_537 : vector<1x1xbf16> to vector<1x1xf32>
    %convert_element_type3A_539 = arith.truncf %broadcast_in_dim3A_207 : vector<1x1xf32> to vector<1x1xbf16>
    %convert_element_type3A_540 = arith.extf %convert_element_type3A_539 : vector<1x1xbf16> to vector<1x1xf32>
    %convert_element_type3A_541 = arith.truncf %broadcast_in_dim3A_219 : vector<1x1xf32> to vector<1x1xbf16>
    %convert_element_type3A_542 = arith.extf %convert_element_type3A_541 : vector<1x1xbf16> to vector<1x1xf32>
    %convert_element_type3A_543 = arith.truncf %broadcast_in_dim3A_231 : vector<1x1xf32> to vector<1x1xbf16>
    %convert_element_type3A_544 = arith.extf %convert_element_type3A_543 : vector<1x1xbf16> to vector<1x1xf32>
    %convert_element_type3A_545 = arith.truncf %broadcast_in_dim3A_243 : vector<1x1xf32> to vector<1x1xbf16>
    %convert_element_type3A_546 = arith.extf %convert_element_type3A_545 : vector<1x1xbf16> to vector<1x1xf32>
    %convert_element_type3A_547 = arith.truncf %broadcast_in_dim3A_255 : vector<1x1xf32> to vector<1x1xbf16>
    %convert_element_type3A_548 = arith.extf %convert_element_type3A_547 : vector<1x1xbf16> to vector<1x1xf32>
    %convert_element_type3A_549 = arith.truncf %broadcast_in_dim3A_267 : vector<1x1xf32> to vector<1x1xbf16>
    %convert_element_type3A_550 = arith.extf %convert_element_type3A_549 : vector<1x1xbf16> to vector<1x1xf32>
    %convert_element_type3A_551 = arith.truncf %broadcast_in_dim3A_279 : vector<1x1xf32> to vector<1x1xbf16>
    %convert_element_type3A_552 = arith.extf %convert_element_type3A_551 : vector<1x1xbf16> to vector<1x1xf32>
    %convert_element_type3A_553 = arith.truncf %broadcast_in_dim3A_291 : vector<1x1xf32> to vector<1x1xbf16>
    %convert_element_type3A_554 = arith.extf %convert_element_type3A_553 : vector<1x1xbf16> to vector<1x1xf32>
    %convert_element_type3A_555 = arith.truncf %broadcast_in_dim3A_303 : vector<1x1xf32> to vector<1x1xbf16>
    %convert_element_type3A_556 = arith.extf %convert_element_type3A_555 : vector<1x1xbf16> to vector<1x1xf32>
    %convert_element_type3A_557 = arith.truncf %broadcast_in_dim3A_315 : vector<1x1xf32> to vector<1x1xbf16>
    %convert_element_type3A_558 = arith.extf %convert_element_type3A_557 : vector<1x1xbf16> to vector<1x1xf32>
    %convert_element_type3A_559 = arith.truncf %broadcast_in_dim3A_327 : vector<1x1xf32> to vector<1x1xbf16>
    %convert_element_type3A_560 = arith.extf %convert_element_type3A_559 : vector<1x1xbf16> to vector<1x1xf32>
    %convert_element_type3A_561 = arith.truncf %broadcast_in_dim3A_339 : vector<1x1xf32> to vector<1x1xbf16>
    %convert_element_type3A_562 = arith.extf %convert_element_type3A_561 : vector<1x1xbf16> to vector<1x1xf32>
    %convert_element_type3A_563 = arith.truncf %broadcast_in_dim3A_351 : vector<1x1xf32> to vector<1x1xbf16>
    %convert_element_type3A_564 = arith.extf %convert_element_type3A_563 : vector<1x1xbf16> to vector<1x1xf32>
    %convert_element_type3A_565 = arith.truncf %broadcast_in_dim3A_363 : vector<1x1xf32> to vector<1x1xbf16>
    %convert_element_type3A_566 = arith.extf %convert_element_type3A_565 : vector<1x1xbf16> to vector<1x1xf32>
    %convert_element_type3A_567 = arith.truncf %broadcast_in_dim3A_375 : vector<1x1xf32> to vector<1x1xbf16>
    %convert_element_type3A_568 = arith.extf %convert_element_type3A_567 : vector<1x1xbf16> to vector<1x1xf32>
    %convert_element_type3A_569 = arith.truncf %broadcast_in_dim3A_387 : vector<1x1xf32> to vector<1x1xbf16>
    %convert_element_type3A_570 = arith.extf %convert_element_type3A_569 : vector<1x1xbf16> to vector<1x1xf32>
    %convert_element_type3A_571 = arith.truncf %broadcast_in_dim3A_399 : vector<1x1xf32> to vector<1x1xbf16>
    %convert_element_type3A_572 = arith.extf %convert_element_type3A_571 : vector<1x1xbf16> to vector<1x1xf32>
    %convert_element_type3A_573 = arith.truncf %broadcast_in_dim3A_411 : vector<1x1xf32> to vector<1x1xbf16>
    %convert_element_type3A_574 = arith.extf %convert_element_type3A_573 : vector<1x1xbf16> to vector<1x1xf32>
    %convert_element_type3A_575 = arith.truncf %broadcast_in_dim3A_423 : vector<1x1xf32> to vector<1x1xbf16>
    %convert_element_type3A_576 = arith.extf %convert_element_type3A_575 : vector<1x1xbf16> to vector<1x1xf32>
    %convert_element_type3A_577 = arith.truncf %broadcast_in_dim3A_435 : vector<1x1xf32> to vector<1x1xbf16>
    %convert_element_type3A_578 = arith.extf %convert_element_type3A_577 : vector<1x1xbf16> to vector<1x1xf32>
    %convert_element_type3A_579 = arith.truncf %broadcast_in_dim3A_447 : vector<1x1xf32> to vector<1x1xbf16>
    %convert_element_type3A_580 = arith.extf %convert_element_type3A_579 : vector<1x1xbf16> to vector<1x1xf32>
    %convert_element_type3A_581 = arith.truncf %broadcast_in_dim3A_459 : vector<1x1xf32> to vector<1x1xbf16>
    %convert_element_type3A_582 = arith.extf %convert_element_type3A_581 : vector<1x1xbf16> to vector<1x1xf32>
    %convert_element_type3A_583 = arith.truncf %broadcast_in_dim3A_471 : vector<1x1xf32> to vector<1x1xbf16>
    %convert_element_type3A_584 = arith.extf %convert_element_type3A_583 : vector<1x1xbf16> to vector<1x1xf32>
    %convert_element_type3A_585 = arith.truncf %broadcast_in_dim3A_483 : vector<1x1xf32> to vector<1x1xbf16>
    %convert_element_type3A_586 = arith.extf %convert_element_type3A_585 : vector<1x1xbf16> to vector<1x1xf32>
    %convert_element_type3A_587 = arith.truncf %broadcast_in_dim3A_495 : vector<1x1xf32> to vector<1x1xbf16>
    %convert_element_type3A_588 = arith.extf %convert_element_type3A_587 : vector<1x1xbf16> to vector<1x1xf32>
    %convert_element_type3A_589 = arith.truncf %broadcast_in_dim3A_507 : vector<1x1xf32> to vector<1x1xbf16>
    %convert_element_type3A_590 = arith.extf %convert_element_type3A_589 : vector<1x1xbf16> to vector<1x1xf32>
    %add3A = arith.addf %broadcast_in_dim3A_15, %broadcast_in_dim3A_27 : vector<1x1xf32>
    %add3A_591 = arith.addf %add3A, %broadcast_in_dim3A_39 : vector<1x1xf32>
    %add3A_592 = arith.addf %add3A_591, %broadcast_in_dim3A_51 : vector<1x1xf32>
    %add3A_593 = arith.addf %add3A_592, %broadcast_in_dim3A_63 : vector<1x1xf32>
    %add3A_594 = arith.addf %add3A_593, %broadcast_in_dim3A_75 : vector<1x1xf32>
    %add3A_595 = arith.addf %add3A_594, %broadcast_in_dim3A_87 : vector<1x1xf32>
    %add3A_596 = arith.addf %broadcast_in_dim3A_99, %broadcast_in_dim3A_111 : vector<1x1xf32>
    %add3A_597 = arith.addf %add3A_596, %broadcast_in_dim3A_123 : vector<1x1xf32>
    %add3A_598 = arith.addf %add3A_597, %broadcast_in_dim3A_135 : vector<1x1xf32>
    %add3A_599 = arith.addf %add3A_598, %broadcast_in_dim3A_147 : vector<1x1xf32>
    %add3A_600 = arith.addf %add3A_599, %broadcast_in_dim3A_159 : vector<1x1xf32>
    %add3A_601 = arith.addf %add3A_600, %broadcast_in_dim3A_171 : vector<1x1xf32>
    %add3A_602 = arith.addf %broadcast_in_dim3A_183, %broadcast_in_dim3A_195 : vector<1x1xf32>
    %add3A_603 = arith.addf %add3A_602, %broadcast_in_dim3A_207 : vector<1x1xf32>
    %add3A_604 = arith.addf %add3A_603, %broadcast_in_dim3A_219 : vector<1x1xf32>
    %add3A_605 = arith.addf %add3A_604, %broadcast_in_dim3A_231 : vector<1x1xf32>
    %add3A_606 = arith.addf %add3A_605, %broadcast_in_dim3A_243 : vector<1x1xf32>
    %add3A_607 = arith.addf %add3A_606, %broadcast_in_dim3A_255 : vector<1x1xf32>
    %add3A_608 = arith.addf %broadcast_in_dim3A_267, %broadcast_in_dim3A_279 : vector<1x1xf32>
    %add3A_609 = arith.addf %add3A_608, %broadcast_in_dim3A_291 : vector<1x1xf32>
    %add3A_610 = arith.addf %add3A_609, %broadcast_in_dim3A_303 : vector<1x1xf32>
    %add3A_611 = arith.addf %add3A_610, %broadcast_in_dim3A_315 : vector<1x1xf32>
    %add3A_612 = arith.addf %add3A_611, %broadcast_in_dim3A_327 : vector<1x1xf32>
    %add3A_613 = arith.addf %add3A_612, %broadcast_in_dim3A_339 : vector<1x1xf32>
    %add3A_614 = arith.addf %broadcast_in_dim3A_351, %broadcast_in_dim3A_363 : vector<1x1xf32>
    %add3A_615 = arith.addf %add3A_614, %broadcast_in_dim3A_375 : vector<1x1xf32>
    %add3A_616 = arith.addf %add3A_615, %broadcast_in_dim3A_387 : vector<1x1xf32>
    %add3A_617 = arith.addf %add3A_616, %broadcast_in_dim3A_399 : vector<1x1xf32>
    %add3A_618 = arith.addf %add3A_617, %broadcast_in_dim3A_411 : vector<1x1xf32>
    %add3A_619 = arith.addf %add3A_618, %broadcast_in_dim3A_423 : vector<1x1xf32>
    %add3A_620 = arith.addf %broadcast_in_dim3A_435, %broadcast_in_dim3A_447 : vector<1x1xf32>
    %add3A_621 = arith.addf %add3A_620, %broadcast_in_dim3A_459 : vector<1x1xf32>
    %add3A_622 = arith.addf %add3A_621, %broadcast_in_dim3A_471 : vector<1x1xf32>
    %add3A_623 = arith.addf %add3A_622, %broadcast_in_dim3A_483 : vector<1x1xf32>
    %add3A_624 = arith.addf %add3A_623, %broadcast_in_dim3A_495 : vector<1x1xf32>
    %add3A_625 = arith.addf %add3A_624, %broadcast_in_dim3A_507 : vector<1x1xf32>
    %add3A_626 = arith.addf %convert_element_type3A_508, %convert_element_type3A_510 : vector<1x1xf32>
    %add3A_627 = arith.addf %add3A_626, %convert_element_type3A_512 : vector<1x1xf32>
    %add3A_628 = arith.addf %add3A_627, %convert_element_type3A_514 : vector<1x1xf32>
    %add3A_629 = arith.addf %add3A_628, %convert_element_type3A_516 : vector<1x1xf32>
    %add3A_630 = arith.addf %add3A_629, %convert_element_type3A_518 : vector<1x1xf32>
    %add3A_631 = arith.addf %add3A_630, %convert_element_type3A_520 : vector<1x1xf32>
    %add3A_632 = arith.addf %convert_element_type3A_522, %convert_element_type3A_524 : vector<1x1xf32>
    %add3A_633 = arith.addf %add3A_632, %convert_element_type3A_526 : vector<1x1xf32>
    %add3A_634 = arith.addf %add3A_633, %convert_element_type3A_528 : vector<1x1xf32>
    %add3A_635 = arith.addf %add3A_634, %convert_element_type3A_530 : vector<1x1xf32>
    %add3A_636 = arith.addf %add3A_635, %convert_element_type3A_532 : vector<1x1xf32>
    %add3A_637 = arith.addf %add3A_636, %convert_element_type3A_534 : vector<1x1xf32>
    %add3A_638 = arith.addf %convert_element_type3A_536, %convert_element_type3A_538 : vector<1x1xf32>
    %add3A_639 = arith.addf %add3A_638, %convert_element_type3A_540 : vector<1x1xf32>
    %add3A_640 = arith.addf %add3A_639, %convert_element_type3A_542 : vector<1x1xf32>
    %add3A_641 = arith.addf %add3A_640, %convert_element_type3A_544 : vector<1x1xf32>
    %add3A_642 = arith.addf %add3A_641, %convert_element_type3A_546 : vector<1x1xf32>
    %add3A_643 = arith.addf %add3A_642, %convert_element_type3A_548 : vector<1x1xf32>
    %add3A_644 = arith.addf %convert_element_type3A_550, %convert_element_type3A_552 : vector<1x1xf32>
    %add3A_645 = arith.addf %add3A_644, %convert_element_type3A_554 : vector<1x1xf32>
    %add3A_646 = arith.addf %add3A_645, %convert_element_type3A_556 : vector<1x1xf32>
    %add3A_647 = arith.addf %add3A_646, %convert_element_type3A_558 : vector<1x1xf32>
    %add3A_648 = arith.addf %add3A_647, %convert_element_type3A_560 : vector<1x1xf32>
    %add3A_649 = arith.addf %add3A_648, %convert_element_type3A_562 : vector<1x1xf32>
    %add3A_650 = arith.addf %convert_element_type3A_564, %convert_element_type3A_566 : vector<1x1xf32>
    %add3A_651 = arith.addf %add3A_650, %convert_element_type3A_568 : vector<1x1xf32>
    %add3A_652 = arith.addf %add3A_651, %convert_element_type3A_570 : vector<1x1xf32>
    %add3A_653 = arith.addf %add3A_652, %convert_element_type3A_572 : vector<1x1xf32>
    %add3A_654 = arith.addf %add3A_653, %convert_element_type3A_574 : vector<1x1xf32>
    %add3A_655 = arith.addf %add3A_654, %convert_element_type3A_576 : vector<1x1xf32>
    %add3A_656 = arith.addf %convert_element_type3A_578, %convert_element_type3A_580 : vector<1x1xf32>
    %add3A_657 = arith.addf %add3A_656, %convert_element_type3A_582 : vector<1x1xf32>
    %add3A_658 = arith.addf %add3A_657, %convert_element_type3A_584 : vector<1x1xf32>
    %add3A_659 = arith.addf %add3A_658, %convert_element_type3A_586 : vector<1x1xf32>
    %add3A_660 = arith.addf %add3A_659, %convert_element_type3A_588 : vector<1x1xf32>
    %add3A_661 = arith.addf %add3A_660, %convert_element_type3A_590 : vector<1x1xf32>
    %add3A_662 = arith.addf %add3A_631, %broadcast_in_dim3A_6 : vector<1x1xf32>
    %mul3A = arith.mulf %add3A_662, %add3A_662 : vector<1x1xf32>
    %div3A = arith.divf %broadcast_in_dim3A_4, %mul3A : vector<1x1xf32>
    %add3A_663 = arith.addf %add3A_637, %broadcast_in_dim3A_6 : vector<1x1xf32>
    %mul3A_664 = arith.mulf %add3A_663, %add3A_663 : vector<1x1xf32>
    %div3A_665 = arith.divf %broadcast_in_dim3A_4, %mul3A_664 : vector<1x1xf32>
    %add3A_666 = arith.addf %add3A_643, %broadcast_in_dim3A_6 : vector<1x1xf32>
    %mul3A_667 = arith.mulf %add3A_666, %add3A_666 : vector<1x1xf32>
    %div3A_668 = arith.divf %broadcast_in_dim3A_4, %mul3A_667 : vector<1x1xf32>
    %add3A_669 = arith.addf %add3A_649, %broadcast_in_dim3A_6 : vector<1x1xf32>
    %mul3A_670 = arith.mulf %add3A_669, %add3A_669 : vector<1x1xf32>
    %div3A_671 = arith.divf %broadcast_in_dim3A_4, %mul3A_670 : vector<1x1xf32>
    %add3A_672 = arith.addf %add3A_655, %broadcast_in_dim3A_6 : vector<1x1xf32>
    %mul3A_673 = arith.mulf %add3A_672, %add3A_672 : vector<1x1xf32>
    %div3A_674 = arith.divf %broadcast_in_dim3A_4, %mul3A_673 : vector<1x1xf32>
    %add3A_675 = arith.addf %add3A_661, %broadcast_in_dim3A_6 : vector<1x1xf32>
    %mul3A_676 = arith.mulf %add3A_675, %add3A_675 : vector<1x1xf32>
    %div3A_677 = arith.divf %broadcast_in_dim3A_4, %mul3A_676 : vector<1x1xf32>
    %mul3A_678 = arith.mulf %convert_element_type3A_510, %add3A_595 : vector<1x1xf32>
    %mul3A_679 = arith.mulf %mul3A_678, %div3A : vector<1x1xf32>
    %convert_element_type3A_680 = arith.truncf %mul3A_679 : vector<1x1xf32> to vector<1x1xbf16>
    %convert_element_type3A_681 = arith.extf %convert_element_type3A_680 : vector<1x1xbf16> to vector<1x1xf32>
    %mul3A_682 = arith.mulf %convert_element_type3A_524, %add3A_601 : vector<1x1xf32>
    %mul3A_683 = arith.mulf %mul3A_682, %div3A_665 : vector<1x1xf32>
    %convert_element_type3A_684 = arith.truncf %mul3A_683 : vector<1x1xf32> to vector<1x1xbf16>
    %convert_element_type3A_685 = arith.extf %convert_element_type3A_684 : vector<1x1xbf16> to vector<1x1xf32>
    %mul3A_686 = arith.mulf %convert_element_type3A_538, %add3A_607 : vector<1x1xf32>
    %mul3A_687 = arith.mulf %mul3A_686, %div3A_668 : vector<1x1xf32>
    %convert_element_type3A_688 = arith.truncf %mul3A_687 : vector<1x1xf32> to vector<1x1xbf16>
    %convert_element_type3A_689 = arith.extf %convert_element_type3A_688 : vector<1x1xbf16> to vector<1x1xf32>
    %mul3A_690 = arith.mulf %convert_element_type3A_552, %add3A_613 : vector<1x1xf32>
    %mul3A_691 = arith.mulf %mul3A_690, %div3A_671 : vector<1x1xf32>
    %convert_element_type3A_692 = arith.truncf %mul3A_691 : vector<1x1xf32> to vector<1x1xbf16>
    %convert_element_type3A_693 = arith.extf %convert_element_type3A_692 : vector<1x1xbf16> to vector<1x1xf32>
    %mul3A_694 = arith.mulf %convert_element_type3A_566, %add3A_619 : vector<1x1xf32>
    %mul3A_695 = arith.mulf %mul3A_694, %div3A_674 : vector<1x1xf32>
    %convert_element_type3A_696 = arith.truncf %mul3A_695 : vector<1x1xf32> to vector<1x1xbf16>
    %convert_element_type3A_697 = arith.extf %convert_element_type3A_696 : vector<1x1xbf16> to vector<1x1xf32>
    %mul3A_698 = arith.mulf %convert_element_type3A_580, %add3A_625 : vector<1x1xf32>
    %mul3A_699 = arith.mulf %mul3A_698, %div3A_677 : vector<1x1xf32>
    %convert_element_type3A_700 = arith.truncf %mul3A_699 : vector<1x1xf32> to vector<1x1xbf16>
    %convert_element_type3A_701 = arith.extf %convert_element_type3A_700 : vector<1x1xbf16> to vector<1x1xf32>
    %mul3A_702 = arith.mulf %convert_element_type3A_512, %add3A_595 : vector<1x1xf32>
    %mul3A_703 = arith.mulf %mul3A_702, %div3A : vector<1x1xf32>
    %convert_element_type3A_704 = arith.truncf %mul3A_703 : vector<1x1xf32> to vector<1x1xbf16>
    %convert_element_type3A_705 = arith.extf %convert_element_type3A_704 : vector<1x1xbf16> to vector<1x1xf32>
    %mul3A_706 = arith.mulf %convert_element_type3A_526, %add3A_601 : vector<1x1xf32>
    %mul3A_707 = arith.mulf %mul3A_706, %div3A_665 : vector<1x1xf32>
    %convert_element_type3A_708 = arith.truncf %mul3A_707 : vector<1x1xf32> to vector<1x1xbf16>
    %convert_element_type3A_709 = arith.extf %convert_element_type3A_708 : vector<1x1xbf16> to vector<1x1xf32>
    %mul3A_710 = arith.mulf %convert_element_type3A_540, %add3A_607 : vector<1x1xf32>
    %mul3A_711 = arith.mulf %mul3A_710, %div3A_668 : vector<1x1xf32>
    %convert_element_type3A_712 = arith.truncf %mul3A_711 : vector<1x1xf32> to vector<1x1xbf16>
    %convert_element_type3A_713 = arith.extf %convert_element_type3A_712 : vector<1x1xbf16> to vector<1x1xf32>
    %mul3A_714 = arith.mulf %convert_element_type3A_554, %add3A_613 : vector<1x1xf32>
    %mul3A_715 = arith.mulf %mul3A_714, %div3A_671 : vector<1x1xf32>
    %convert_element_type3A_716 = arith.truncf %mul3A_715 : vector<1x1xf32> to vector<1x1xbf16>
    %convert_element_type3A_717 = arith.extf %convert_element_type3A_716 : vector<1x1xbf16> to vector<1x1xf32>
    %mul3A_718 = arith.mulf %convert_element_type3A_568, %add3A_619 : vector<1x1xf32>
    %mul3A_719 = arith.mulf %mul3A_718, %div3A_674 : vector<1x1xf32>
    %convert_element_type3A_720 = arith.truncf %mul3A_719 : vector<1x1xf32> to vector<1x1xbf16>
    %convert_element_type3A_721 = arith.extf %convert_element_type3A_720 : vector<1x1xbf16> to vector<1x1xf32>
    %mul3A_722 = arith.mulf %convert_element_type3A_582, %add3A_625 : vector<1x1xf32>
    %mul3A_723 = arith.mulf %mul3A_722, %div3A_677 : vector<1x1xf32>
    %convert_element_type3A_724 = arith.truncf %mul3A_723 : vector<1x1xf32> to vector<1x1xbf16>
    %convert_element_type3A_725 = arith.extf %convert_element_type3A_724 : vector<1x1xbf16> to vector<1x1xf32>
    %mul3A_726 = arith.mulf %convert_element_type3A_514, %add3A_595 : vector<1x1xf32>
    %mul3A_727 = arith.mulf %mul3A_726, %div3A : vector<1x1xf32>
    %convert_element_type3A_728 = arith.truncf %mul3A_727 : vector<1x1xf32> to vector<1x1xbf16>
    %convert_element_type3A_729 = arith.extf %convert_element_type3A_728 : vector<1x1xbf16> to vector<1x1xf32>
    %mul3A_730 = arith.mulf %convert_element_type3A_528, %add3A_601 : vector<1x1xf32>
    %mul3A_731 = arith.mulf %mul3A_730, %div3A_665 : vector<1x1xf32>
    %convert_element_type3A_732 = arith.truncf %mul3A_731 : vector<1x1xf32> to vector<1x1xbf16>
    %convert_element_type3A_733 = arith.extf %convert_element_type3A_732 : vector<1x1xbf16> to vector<1x1xf32>
    %mul3A_734 = arith.mulf %convert_element_type3A_542, %add3A_607 : vector<1x1xf32>
    %mul3A_735 = arith.mulf %mul3A_734, %div3A_668 : vector<1x1xf32>
    %convert_element_type3A_736 = arith.truncf %mul3A_735 : vector<1x1xf32> to vector<1x1xbf16>
    %convert_element_type3A_737 = arith.extf %convert_element_type3A_736 : vector<1x1xbf16> to vector<1x1xf32>
    %mul3A_738 = arith.mulf %convert_element_type3A_556, %add3A_613 : vector<1x1xf32>
    %mul3A_739 = arith.mulf %mul3A_738, %div3A_671 : vector<1x1xf32>
    %convert_element_type3A_740 = arith.truncf %mul3A_739 : vector<1x1xf32> to vector<1x1xbf16>
    %convert_element_type3A_741 = arith.extf %convert_element_type3A_740 : vector<1x1xbf16> to vector<1x1xf32>
    %mul3A_742 = arith.mulf %convert_element_type3A_570, %add3A_619 : vector<1x1xf32>
    %mul3A_743 = arith.mulf %mul3A_742, %div3A_674 : vector<1x1xf32>
    %convert_element_type3A_744 = arith.truncf %mul3A_743 : vector<1x1xf32> to vector<1x1xbf16>
    %convert_element_type3A_745 = arith.extf %convert_element_type3A_744 : vector<1x1xbf16> to vector<1x1xf32>
    %mul3A_746 = arith.mulf %convert_element_type3A_584, %add3A_625 : vector<1x1xf32>
    %mul3A_747 = arith.mulf %mul3A_746, %div3A_677 : vector<1x1xf32>
    %convert_element_type3A_748 = arith.truncf %mul3A_747 : vector<1x1xf32> to vector<1x1xbf16>
    %convert_element_type3A_749 = arith.extf %convert_element_type3A_748 : vector<1x1xbf16> to vector<1x1xf32>
    %mul3A_750 = arith.mulf %convert_element_type3A_516, %add3A_595 : vector<1x1xf32>
    %mul3A_751 = arith.mulf %mul3A_750, %div3A : vector<1x1xf32>
    %convert_element_type3A_752 = arith.truncf %mul3A_751 : vector<1x1xf32> to vector<1x1xbf16>
    %convert_element_type3A_753 = arith.extf %convert_element_type3A_752 : vector<1x1xbf16> to vector<1x1xf32>
    %mul3A_754 = arith.mulf %convert_element_type3A_530, %add3A_601 : vector<1x1xf32>
    %mul3A_755 = arith.mulf %mul3A_754, %div3A_665 : vector<1x1xf32>
    %convert_element_type3A_756 = arith.truncf %mul3A_755 : vector<1x1xf32> to vector<1x1xbf16>
    %convert_element_type3A_757 = arith.extf %convert_element_type3A_756 : vector<1x1xbf16> to vector<1x1xf32>
    %mul3A_758 = arith.mulf %convert_element_type3A_544, %add3A_607 : vector<1x1xf32>
    %mul3A_759 = arith.mulf %mul3A_758, %div3A_668 : vector<1x1xf32>
    %convert_element_type3A_760 = arith.truncf %mul3A_759 : vector<1x1xf32> to vector<1x1xbf16>
    %convert_element_type3A_761 = arith.extf %convert_element_type3A_760 : vector<1x1xbf16> to vector<1x1xf32>
    %mul3A_762 = arith.mulf %convert_element_type3A_558, %add3A_613 : vector<1x1xf32>
    %mul3A_763 = arith.mulf %mul3A_762, %div3A_671 : vector<1x1xf32>
    %convert_element_type3A_764 = arith.truncf %mul3A_763 : vector<1x1xf32> to vector<1x1xbf16>
    %convert_element_type3A_765 = arith.extf %convert_element_type3A_764 : vector<1x1xbf16> to vector<1x1xf32>
    %mul3A_766 = arith.mulf %convert_element_type3A_572, %add3A_619 : vector<1x1xf32>
    %mul3A_767 = arith.mulf %mul3A_766, %div3A_674 : vector<1x1xf32>
    %convert_element_type3A_768 = arith.truncf %mul3A_767 : vector<1x1xf32> to vector<1x1xbf16>
    %convert_element_type3A_769 = arith.extf %convert_element_type3A_768 : vector<1x1xbf16> to vector<1x1xf32>
    %mul3A_770 = arith.mulf %convert_element_type3A_586, %add3A_625 : vector<1x1xf32>
    %mul3A_771 = arith.mulf %mul3A_770, %div3A_677 : vector<1x1xf32>
    %convert_element_type3A_772 = arith.truncf %mul3A_771 : vector<1x1xf32> to vector<1x1xbf16>
    %convert_element_type3A_773 = arith.extf %convert_element_type3A_772 : vector<1x1xbf16> to vector<1x1xf32>
    %mul3A_774 = arith.mulf %convert_element_type3A_518, %add3A_595 : vector<1x1xf32>
    %mul3A_775 = arith.mulf %mul3A_774, %div3A : vector<1x1xf32>
    %convert_element_type3A_776 = arith.truncf %mul3A_775 : vector<1x1xf32> to vector<1x1xbf16>
    %convert_element_type3A_777 = arith.extf %convert_element_type3A_776 : vector<1x1xbf16> to vector<1x1xf32>
    %mul3A_778 = arith.mulf %convert_element_type3A_532, %add3A_601 : vector<1x1xf32>
    %mul3A_779 = arith.mulf %mul3A_778, %div3A_665 : vector<1x1xf32>
    %convert_element_type3A_780 = arith.truncf %mul3A_779 : vector<1x1xf32> to vector<1x1xbf16>
    %convert_element_type3A_781 = arith.extf %convert_element_type3A_780 : vector<1x1xbf16> to vector<1x1xf32>
    %mul3A_782 = arith.mulf %convert_element_type3A_546, %add3A_607 : vector<1x1xf32>
    %mul3A_783 = arith.mulf %mul3A_782, %div3A_668 : vector<1x1xf32>
    %convert_element_type3A_784 = arith.truncf %mul3A_783 : vector<1x1xf32> to vector<1x1xbf16>
    %convert_element_type3A_785 = arith.extf %convert_element_type3A_784 : vector<1x1xbf16> to vector<1x1xf32>
    %mul3A_786 = arith.mulf %convert_element_type3A_560, %add3A_613 : vector<1x1xf32>
    %mul3A_787 = arith.mulf %mul3A_786, %div3A_671 : vector<1x1xf32>
    %convert_element_type3A_788 = arith.truncf %mul3A_787 : vector<1x1xf32> to vector<1x1xbf16>
    %convert_element_type3A_789 = arith.extf %convert_element_type3A_788 : vector<1x1xbf16> to vector<1x1xf32>
    %mul3A_790 = arith.mulf %convert_element_type3A_574, %add3A_619 : vector<1x1xf32>
    %mul3A_791 = arith.mulf %mul3A_790, %div3A_674 : vector<1x1xf32>
    %convert_element_type3A_792 = arith.truncf %mul3A_791 : vector<1x1xf32> to vector<1x1xbf16>
    %convert_element_type3A_793 = arith.extf %convert_element_type3A_792 : vector<1x1xbf16> to vector<1x1xf32>
    %mul3A_794 = arith.mulf %convert_element_type3A_588, %add3A_625 : vector<1x1xf32>
    %mul3A_795 = arith.mulf %mul3A_794, %div3A_677 : vector<1x1xf32>
    %convert_element_type3A_796 = arith.truncf %mul3A_795 : vector<1x1xf32> to vector<1x1xbf16>
    %convert_element_type3A_797 = arith.extf %convert_element_type3A_796 : vector<1x1xbf16> to vector<1x1xf32>
    %mul3A_798 = arith.mulf %convert_element_type3A_520, %add3A_595 : vector<1x1xf32>
    %mul3A_799 = arith.mulf %mul3A_798, %div3A : vector<1x1xf32>
    %convert_element_type3A_800 = arith.truncf %mul3A_799 : vector<1x1xf32> to vector<1x1xbf16>
    %convert_element_type3A_801 = arith.extf %convert_element_type3A_800 : vector<1x1xbf16> to vector<1x1xf32>
    %mul3A_802 = arith.mulf %convert_element_type3A_534, %add3A_601 : vector<1x1xf32>
    %mul3A_803 = arith.mulf %mul3A_802, %div3A_665 : vector<1x1xf32>
    %convert_element_type3A_804 = arith.truncf %mul3A_803 : vector<1x1xf32> to vector<1x1xbf16>
    %convert_element_type3A_805 = arith.extf %convert_element_type3A_804 : vector<1x1xbf16> to vector<1x1xf32>
    %mul3A_806 = arith.mulf %convert_element_type3A_548, %add3A_607 : vector<1x1xf32>
    %mul3A_807 = arith.mulf %mul3A_806, %div3A_668 : vector<1x1xf32>
    %convert_element_type3A_808 = arith.truncf %mul3A_807 : vector<1x1xf32> to vector<1x1xbf16>
    %convert_element_type3A_809 = arith.extf %convert_element_type3A_808 : vector<1x1xbf16> to vector<1x1xf32>
    %mul3A_810 = arith.mulf %convert_element_type3A_562, %add3A_613 : vector<1x1xf32>
    %mul3A_811 = arith.mulf %mul3A_810, %div3A_671 : vector<1x1xf32>
    %convert_element_type3A_812 = arith.truncf %mul3A_811 : vector<1x1xf32> to vector<1x1xbf16>
    %convert_element_type3A_813 = arith.extf %convert_element_type3A_812 : vector<1x1xbf16> to vector<1x1xf32>
    %mul3A_814 = arith.mulf %convert_element_type3A_576, %add3A_619 : vector<1x1xf32>
    %mul3A_815 = arith.mulf %mul3A_814, %div3A_674 : vector<1x1xf32>
    %convert_element_type3A_816 = arith.truncf %mul3A_815 : vector<1x1xf32> to vector<1x1xbf16>
    %convert_element_type3A_817 = arith.extf %convert_element_type3A_816 : vector<1x1xbf16> to vector<1x1xf32>
    %mul3A_818 = arith.mulf %convert_element_type3A_590, %add3A_625 : vector<1x1xf32>
    %mul3A_819 = arith.mulf %mul3A_818, %div3A_677 : vector<1x1xf32>
    %convert_element_type3A_820 = arith.truncf %mul3A_819 : vector<1x1xf32> to vector<1x1xbf16>
    %convert_element_type3A_821 = arith.extf %convert_element_type3A_820 : vector<1x1xbf16> to vector<1x1xf32>
    %mul3A_822 = arith.mulf %convert_element_type3A_681, %convert_element_type3A_510 : vector<1x1xf32>
    %mul3A_823 = arith.mulf %convert_element_type3A_685, %convert_element_type3A_524 : vector<1x1xf32>
    %add3A_824 = arith.addf %mul3A_822, %mul3A_823 : vector<1x1xf32>
    %mul3A_825 = arith.mulf %convert_element_type3A_689, %convert_element_type3A_538 : vector<1x1xf32>
    %add3A_826 = arith.addf %add3A_824, %mul3A_825 : vector<1x1xf32>
    %mul3A_827 = arith.mulf %convert_element_type3A_693, %convert_element_type3A_552 : vector<1x1xf32>
    %add3A_828 = arith.addf %add3A_826, %mul3A_827 : vector<1x1xf32>
    %mul3A_829 = arith.mulf %convert_element_type3A_697, %convert_element_type3A_566 : vector<1x1xf32>
    %add3A_830 = arith.addf %add3A_828, %mul3A_829 : vector<1x1xf32>
    %mul3A_831 = arith.mulf %convert_element_type3A_701, %convert_element_type3A_580 : vector<1x1xf32>
    %add3A_832 = arith.addf %add3A_830, %mul3A_831 : vector<1x1xf32>
    %mul3A_833 = arith.mulf %convert_element_type3A_705, %convert_element_type3A_510 : vector<1x1xf32>
    %mul3A_834 = arith.mulf %convert_element_type3A_709, %convert_element_type3A_524 : vector<1x1xf32>
    %add3A_835 = arith.addf %mul3A_833, %mul3A_834 : vector<1x1xf32>
    %mul3A_836 = arith.mulf %convert_element_type3A_713, %convert_element_type3A_538 : vector<1x1xf32>
    %add3A_837 = arith.addf %add3A_835, %mul3A_836 : vector<1x1xf32>
    %mul3A_838 = arith.mulf %convert_element_type3A_717, %convert_element_type3A_552 : vector<1x1xf32>
    %add3A_839 = arith.addf %add3A_837, %mul3A_838 : vector<1x1xf32>
    %mul3A_840 = arith.mulf %convert_element_type3A_721, %convert_element_type3A_566 : vector<1x1xf32>
    %add3A_841 = arith.addf %add3A_839, %mul3A_840 : vector<1x1xf32>
    %mul3A_842 = arith.mulf %convert_element_type3A_725, %convert_element_type3A_580 : vector<1x1xf32>
    %add3A_843 = arith.addf %add3A_841, %mul3A_842 : vector<1x1xf32>
    %mul3A_844 = arith.mulf %convert_element_type3A_729, %convert_element_type3A_510 : vector<1x1xf32>
    %mul3A_845 = arith.mulf %convert_element_type3A_733, %convert_element_type3A_524 : vector<1x1xf32>
    %add3A_846 = arith.addf %mul3A_844, %mul3A_845 : vector<1x1xf32>
    %mul3A_847 = arith.mulf %convert_element_type3A_737, %convert_element_type3A_538 : vector<1x1xf32>
    %add3A_848 = arith.addf %add3A_846, %mul3A_847 : vector<1x1xf32>
    %mul3A_849 = arith.mulf %convert_element_type3A_741, %convert_element_type3A_552 : vector<1x1xf32>
    %add3A_850 = arith.addf %add3A_848, %mul3A_849 : vector<1x1xf32>
    %mul3A_851 = arith.mulf %convert_element_type3A_745, %convert_element_type3A_566 : vector<1x1xf32>
    %add3A_852 = arith.addf %add3A_850, %mul3A_851 : vector<1x1xf32>
    %mul3A_853 = arith.mulf %convert_element_type3A_749, %convert_element_type3A_580 : vector<1x1xf32>
    %add3A_854 = arith.addf %add3A_852, %mul3A_853 : vector<1x1xf32>
    %mul3A_855 = arith.mulf %convert_element_type3A_753, %convert_element_type3A_510 : vector<1x1xf32>
    %mul3A_856 = arith.mulf %convert_element_type3A_757, %convert_element_type3A_524 : vector<1x1xf32>
    %add3A_857 = arith.addf %mul3A_855, %mul3A_856 : vector<1x1xf32>
    %mul3A_858 = arith.mulf %convert_element_type3A_761, %convert_element_type3A_538 : vector<1x1xf32>
    %add3A_859 = arith.addf %add3A_857, %mul3A_858 : vector<1x1xf32>
    %mul3A_860 = arith.mulf %convert_element_type3A_765, %convert_element_type3A_552 : vector<1x1xf32>
    %add3A_861 = arith.addf %add3A_859, %mul3A_860 : vector<1x1xf32>
    %mul3A_862 = arith.mulf %convert_element_type3A_769, %convert_element_type3A_566 : vector<1x1xf32>
    %add3A_863 = arith.addf %add3A_861, %mul3A_862 : vector<1x1xf32>
    %mul3A_864 = arith.mulf %convert_element_type3A_773, %convert_element_type3A_580 : vector<1x1xf32>
    %add3A_865 = arith.addf %add3A_863, %mul3A_864 : vector<1x1xf32>
    %mul3A_866 = arith.mulf %convert_element_type3A_777, %convert_element_type3A_510 : vector<1x1xf32>
    %mul3A_867 = arith.mulf %convert_element_type3A_781, %convert_element_type3A_524 : vector<1x1xf32>
    %add3A_868 = arith.addf %mul3A_866, %mul3A_867 : vector<1x1xf32>
    %mul3A_869 = arith.mulf %convert_element_type3A_785, %convert_element_type3A_538 : vector<1x1xf32>
    %add3A_870 = arith.addf %add3A_868, %mul3A_869 : vector<1x1xf32>
    %mul3A_871 = arith.mulf %convert_element_type3A_789, %convert_element_type3A_552 : vector<1x1xf32>
    %add3A_872 = arith.addf %add3A_870, %mul3A_871 : vector<1x1xf32>
    %mul3A_873 = arith.mulf %convert_element_type3A_793, %convert_element_type3A_566 : vector<1x1xf32>
    %add3A_874 = arith.addf %add3A_872, %mul3A_873 : vector<1x1xf32>
    %mul3A_875 = arith.mulf %convert_element_type3A_797, %convert_element_type3A_580 : vector<1x1xf32>
    %add3A_876 = arith.addf %add3A_874, %mul3A_875 : vector<1x1xf32>
    %mul3A_877 = arith.mulf %convert_element_type3A_801, %convert_element_type3A_510 : vector<1x1xf32>
    %mul3A_878 = arith.mulf %convert_element_type3A_805, %convert_element_type3A_524 : vector<1x1xf32>
    %add3A_879 = arith.addf %mul3A_877, %mul3A_878 : vector<1x1xf32>
    %mul3A_880 = arith.mulf %convert_element_type3A_809, %convert_element_type3A_538 : vector<1x1xf32>
    %add3A_881 = arith.addf %add3A_879, %mul3A_880 : vector<1x1xf32>
    %mul3A_882 = arith.mulf %convert_element_type3A_813, %convert_element_type3A_552 : vector<1x1xf32>
    %add3A_883 = arith.addf %add3A_881, %mul3A_882 : vector<1x1xf32>
    %mul3A_884 = arith.mulf %convert_element_type3A_817, %convert_element_type3A_566 : vector<1x1xf32>
    %add3A_885 = arith.addf %add3A_883, %mul3A_884 : vector<1x1xf32>
    %mul3A_886 = arith.mulf %convert_element_type3A_821, %convert_element_type3A_580 : vector<1x1xf32>
    %add3A_887 = arith.addf %add3A_885, %mul3A_886 : vector<1x1xf32>
    %mul3A_888 = arith.mulf %convert_element_type3A_681, %convert_element_type3A_512 : vector<1x1xf32>
    %mul3A_889 = arith.mulf %convert_element_type3A_685, %convert_element_type3A_526 : vector<1x1xf32>
    %add3A_890 = arith.addf %mul3A_888, %mul3A_889 : vector<1x1xf32>
    %mul3A_891 = arith.mulf %convert_element_type3A_689, %convert_element_type3A_540 : vector<1x1xf32>
    %add3A_892 = arith.addf %add3A_890, %mul3A_891 : vector<1x1xf32>
    %mul3A_893 = arith.mulf %convert_element_type3A_693, %convert_element_type3A_554 : vector<1x1xf32>
    %add3A_894 = arith.addf %add3A_892, %mul3A_893 : vector<1x1xf32>
    %mul3A_895 = arith.mulf %convert_element_type3A_697, %convert_element_type3A_568 : vector<1x1xf32>
    %add3A_896 = arith.addf %add3A_894, %mul3A_895 : vector<1x1xf32>
    %mul3A_897 = arith.mulf %convert_element_type3A_701, %convert_element_type3A_582 : vector<1x1xf32>
    %add3A_898 = arith.addf %add3A_896, %mul3A_897 : vector<1x1xf32>
    %mul3A_899 = arith.mulf %convert_element_type3A_705, %convert_element_type3A_512 : vector<1x1xf32>
    %mul3A_900 = arith.mulf %convert_element_type3A_709, %convert_element_type3A_526 : vector<1x1xf32>
    %add3A_901 = arith.addf %mul3A_899, %mul3A_900 : vector<1x1xf32>
    %mul3A_902 = arith.mulf %convert_element_type3A_713, %convert_element_type3A_540 : vector<1x1xf32>
    %add3A_903 = arith.addf %add3A_901, %mul3A_902 : vector<1x1xf32>
    %mul3A_904 = arith.mulf %convert_element_type3A_717, %convert_element_type3A_554 : vector<1x1xf32>
    %add3A_905 = arith.addf %add3A_903, %mul3A_904 : vector<1x1xf32>
    %mul3A_906 = arith.mulf %convert_element_type3A_721, %convert_element_type3A_568 : vector<1x1xf32>
    %add3A_907 = arith.addf %add3A_905, %mul3A_906 : vector<1x1xf32>
    %mul3A_908 = arith.mulf %convert_element_type3A_725, %convert_element_type3A_582 : vector<1x1xf32>
    %add3A_909 = arith.addf %add3A_907, %mul3A_908 : vector<1x1xf32>
    %mul3A_910 = arith.mulf %convert_element_type3A_729, %convert_element_type3A_512 : vector<1x1xf32>
    %mul3A_911 = arith.mulf %convert_element_type3A_733, %convert_element_type3A_526 : vector<1x1xf32>
    %add3A_912 = arith.addf %mul3A_910, %mul3A_911 : vector<1x1xf32>
    %mul3A_913 = arith.mulf %convert_element_type3A_737, %convert_element_type3A_540 : vector<1x1xf32>
    %add3A_914 = arith.addf %add3A_912, %mul3A_913 : vector<1x1xf32>
    %mul3A_915 = arith.mulf %convert_element_type3A_741, %convert_element_type3A_554 : vector<1x1xf32>
    %add3A_916 = arith.addf %add3A_914, %mul3A_915 : vector<1x1xf32>
    %mul3A_917 = arith.mulf %convert_element_type3A_745, %convert_element_type3A_568 : vector<1x1xf32>
    %add3A_918 = arith.addf %add3A_916, %mul3A_917 : vector<1x1xf32>
    %mul3A_919 = arith.mulf %convert_element_type3A_749, %convert_element_type3A_582 : vector<1x1xf32>
    %add3A_920 = arith.addf %add3A_918, %mul3A_919 : vector<1x1xf32>
    %mul3A_921 = arith.mulf %convert_element_type3A_753, %convert_element_type3A_512 : vector<1x1xf32>
    %mul3A_922 = arith.mulf %convert_element_type3A_757, %convert_element_type3A_526 : vector<1x1xf32>
    %add3A_923 = arith.addf %mul3A_921, %mul3A_922 : vector<1x1xf32>
    %mul3A_924 = arith.mulf %convert_element_type3A_761, %convert_element_type3A_540 : vector<1x1xf32>
    %add3A_925 = arith.addf %add3A_923, %mul3A_924 : vector<1x1xf32>
    %mul3A_926 = arith.mulf %convert_element_type3A_765, %convert_element_type3A_554 : vector<1x1xf32>
    %add3A_927 = arith.addf %add3A_925, %mul3A_926 : vector<1x1xf32>
    %mul3A_928 = arith.mulf %convert_element_type3A_769, %convert_element_type3A_568 : vector<1x1xf32>
    %add3A_929 = arith.addf %add3A_927, %mul3A_928 : vector<1x1xf32>
    %mul3A_930 = arith.mulf %convert_element_type3A_773, %convert_element_type3A_582 : vector<1x1xf32>
    %add3A_931 = arith.addf %add3A_929, %mul3A_930 : vector<1x1xf32>
    %mul3A_932 = arith.mulf %convert_element_type3A_777, %convert_element_type3A_512 : vector<1x1xf32>
    %mul3A_933 = arith.mulf %convert_element_type3A_781, %convert_element_type3A_526 : vector<1x1xf32>
    %add3A_934 = arith.addf %mul3A_932, %mul3A_933 : vector<1x1xf32>
    %mul3A_935 = arith.mulf %convert_element_type3A_785, %convert_element_type3A_540 : vector<1x1xf32>
    %add3A_936 = arith.addf %add3A_934, %mul3A_935 : vector<1x1xf32>
    %mul3A_937 = arith.mulf %convert_element_type3A_789, %convert_element_type3A_554 : vector<1x1xf32>
    %add3A_938 = arith.addf %add3A_936, %mul3A_937 : vector<1x1xf32>
    %mul3A_939 = arith.mulf %convert_element_type3A_793, %convert_element_type3A_568 : vector<1x1xf32>
    %add3A_940 = arith.addf %add3A_938, %mul3A_939 : vector<1x1xf32>
    %mul3A_941 = arith.mulf %convert_element_type3A_797, %convert_element_type3A_582 : vector<1x1xf32>
    %add3A_942 = arith.addf %add3A_940, %mul3A_941 : vector<1x1xf32>
    %mul3A_943 = arith.mulf %convert_element_type3A_801, %convert_element_type3A_512 : vector<1x1xf32>
    %mul3A_944 = arith.mulf %convert_element_type3A_805, %convert_element_type3A_526 : vector<1x1xf32>
    %add3A_945 = arith.addf %mul3A_943, %mul3A_944 : vector<1x1xf32>
    %mul3A_946 = arith.mulf %convert_element_type3A_809, %convert_element_type3A_540 : vector<1x1xf32>
    %add3A_947 = arith.addf %add3A_945, %mul3A_946 : vector<1x1xf32>
    %mul3A_948 = arith.mulf %convert_element_type3A_813, %convert_element_type3A_554 : vector<1x1xf32>
    %add3A_949 = arith.addf %add3A_947, %mul3A_948 : vector<1x1xf32>
    %mul3A_950 = arith.mulf %convert_element_type3A_817, %convert_element_type3A_568 : vector<1x1xf32>
    %add3A_951 = arith.addf %add3A_949, %mul3A_950 : vector<1x1xf32>
    %mul3A_952 = arith.mulf %convert_element_type3A_821, %convert_element_type3A_582 : vector<1x1xf32>
    %add3A_953 = arith.addf %add3A_951, %mul3A_952 : vector<1x1xf32>
    %mul3A_954 = arith.mulf %convert_element_type3A_681, %convert_element_type3A_514 : vector<1x1xf32>
    %mul3A_955 = arith.mulf %convert_element_type3A_685, %convert_element_type3A_528 : vector<1x1xf32>
    %add3A_956 = arith.addf %mul3A_954, %mul3A_955 : vector<1x1xf32>
    %mul3A_957 = arith.mulf %convert_element_type3A_689, %convert_element_type3A_542 : vector<1x1xf32>
    %add3A_958 = arith.addf %add3A_956, %mul3A_957 : vector<1x1xf32>
    %mul3A_959 = arith.mulf %convert_element_type3A_693, %convert_element_type3A_556 : vector<1x1xf32>
    %add3A_960 = arith.addf %add3A_958, %mul3A_959 : vector<1x1xf32>
    %mul3A_961 = arith.mulf %convert_element_type3A_697, %convert_element_type3A_570 : vector<1x1xf32>
    %add3A_962 = arith.addf %add3A_960, %mul3A_961 : vector<1x1xf32>
    %mul3A_963 = arith.mulf %convert_element_type3A_701, %convert_element_type3A_584 : vector<1x1xf32>
    %add3A_964 = arith.addf %add3A_962, %mul3A_963 : vector<1x1xf32>
    %mul3A_965 = arith.mulf %convert_element_type3A_705, %convert_element_type3A_514 : vector<1x1xf32>
    %mul3A_966 = arith.mulf %convert_element_type3A_709, %convert_element_type3A_528 : vector<1x1xf32>
    %add3A_967 = arith.addf %mul3A_965, %mul3A_966 : vector<1x1xf32>
    %mul3A_968 = arith.mulf %convert_element_type3A_713, %convert_element_type3A_542 : vector<1x1xf32>
    %add3A_969 = arith.addf %add3A_967, %mul3A_968 : vector<1x1xf32>
    %mul3A_970 = arith.mulf %convert_element_type3A_717, %convert_element_type3A_556 : vector<1x1xf32>
    %add3A_971 = arith.addf %add3A_969, %mul3A_970 : vector<1x1xf32>
    %mul3A_972 = arith.mulf %convert_element_type3A_721, %convert_element_type3A_570 : vector<1x1xf32>
    %add3A_973 = arith.addf %add3A_971, %mul3A_972 : vector<1x1xf32>
    %mul3A_974 = arith.mulf %convert_element_type3A_725, %convert_element_type3A_584 : vector<1x1xf32>
    %add3A_975 = arith.addf %add3A_973, %mul3A_974 : vector<1x1xf32>
    %mul3A_976 = arith.mulf %convert_element_type3A_729, %convert_element_type3A_514 : vector<1x1xf32>
    %mul3A_977 = arith.mulf %convert_element_type3A_733, %convert_element_type3A_528 : vector<1x1xf32>
    %add3A_978 = arith.addf %mul3A_976, %mul3A_977 : vector<1x1xf32>
    %mul3A_979 = arith.mulf %convert_element_type3A_737, %convert_element_type3A_542 : vector<1x1xf32>
    %add3A_980 = arith.addf %add3A_978, %mul3A_979 : vector<1x1xf32>
    %mul3A_981 = arith.mulf %convert_element_type3A_741, %convert_element_type3A_556 : vector<1x1xf32>
    %add3A_982 = arith.addf %add3A_980, %mul3A_981 : vector<1x1xf32>
    %mul3A_983 = arith.mulf %convert_element_type3A_745, %convert_element_type3A_570 : vector<1x1xf32>
    %add3A_984 = arith.addf %add3A_982, %mul3A_983 : vector<1x1xf32>
    %mul3A_985 = arith.mulf %convert_element_type3A_749, %convert_element_type3A_584 : vector<1x1xf32>
    %add3A_986 = arith.addf %add3A_984, %mul3A_985 : vector<1x1xf32>
    %mul3A_987 = arith.mulf %convert_element_type3A_753, %convert_element_type3A_514 : vector<1x1xf32>
    %mul3A_988 = arith.mulf %convert_element_type3A_757, %convert_element_type3A_528 : vector<1x1xf32>
    %add3A_989 = arith.addf %mul3A_987, %mul3A_988 : vector<1x1xf32>
    %mul3A_990 = arith.mulf %convert_element_type3A_761, %convert_element_type3A_542 : vector<1x1xf32>
    %add3A_991 = arith.addf %add3A_989, %mul3A_990 : vector<1x1xf32>
    %mul3A_992 = arith.mulf %convert_element_type3A_765, %convert_element_type3A_556 : vector<1x1xf32>
    %add3A_993 = arith.addf %add3A_991, %mul3A_992 : vector<1x1xf32>
    %mul3A_994 = arith.mulf %convert_element_type3A_769, %convert_element_type3A_570 : vector<1x1xf32>
    %add3A_995 = arith.addf %add3A_993, %mul3A_994 : vector<1x1xf32>
    %mul3A_996 = arith.mulf %convert_element_type3A_773, %convert_element_type3A_584 : vector<1x1xf32>
    %add3A_997 = arith.addf %add3A_995, %mul3A_996 : vector<1x1xf32>
    %mul3A_998 = arith.mulf %convert_element_type3A_777, %convert_element_type3A_514 : vector<1x1xf32>
    %mul3A_999 = arith.mulf %convert_element_type3A_781, %convert_element_type3A_528 : vector<1x1xf32>
    %add3A_1000 = arith.addf %mul3A_998, %mul3A_999 : vector<1x1xf32>
    %mul3A_1001 = arith.mulf %convert_element_type3A_785, %convert_element_type3A_542 : vector<1x1xf32>
    %add3A_1002 = arith.addf %add3A_1000, %mul3A_1001 : vector<1x1xf32>
    %mul3A_1003 = arith.mulf %convert_element_type3A_789, %convert_element_type3A_556 : vector<1x1xf32>
    %add3A_1004 = arith.addf %add3A_1002, %mul3A_1003 : vector<1x1xf32>
    %mul3A_1005 = arith.mulf %convert_element_type3A_793, %convert_element_type3A_570 : vector<1x1xf32>
    %add3A_1006 = arith.addf %add3A_1004, %mul3A_1005 : vector<1x1xf32>
    %mul3A_1007 = arith.mulf %convert_element_type3A_797, %convert_element_type3A_584 : vector<1x1xf32>
    %add3A_1008 = arith.addf %add3A_1006, %mul3A_1007 : vector<1x1xf32>
    %mul3A_1009 = arith.mulf %convert_element_type3A_801, %convert_element_type3A_514 : vector<1x1xf32>
    %mul3A_1010 = arith.mulf %convert_element_type3A_805, %convert_element_type3A_528 : vector<1x1xf32>
    %add3A_1011 = arith.addf %mul3A_1009, %mul3A_1010 : vector<1x1xf32>
    %mul3A_1012 = arith.mulf %convert_element_type3A_809, %convert_element_type3A_542 : vector<1x1xf32>
    %add3A_1013 = arith.addf %add3A_1011, %mul3A_1012 : vector<1x1xf32>
    %mul3A_1014 = arith.mulf %convert_element_type3A_813, %convert_element_type3A_556 : vector<1x1xf32>
    %add3A_1015 = arith.addf %add3A_1013, %mul3A_1014 : vector<1x1xf32>
    %mul3A_1016 = arith.mulf %convert_element_type3A_817, %convert_element_type3A_570 : vector<1x1xf32>
    %add3A_1017 = arith.addf %add3A_1015, %mul3A_1016 : vector<1x1xf32>
    %mul3A_1018 = arith.mulf %convert_element_type3A_821, %convert_element_type3A_584 : vector<1x1xf32>
    %add3A_1019 = arith.addf %add3A_1017, %mul3A_1018 : vector<1x1xf32>
    %mul3A_1020 = arith.mulf %convert_element_type3A_681, %convert_element_type3A_516 : vector<1x1xf32>
    %mul3A_1021 = arith.mulf %convert_element_type3A_685, %convert_element_type3A_530 : vector<1x1xf32>
    %add3A_1022 = arith.addf %mul3A_1020, %mul3A_1021 : vector<1x1xf32>
    %mul3A_1023 = arith.mulf %convert_element_type3A_689, %convert_element_type3A_544 : vector<1x1xf32>
    %add3A_1024 = arith.addf %add3A_1022, %mul3A_1023 : vector<1x1xf32>
    %mul3A_1025 = arith.mulf %convert_element_type3A_693, %convert_element_type3A_558 : vector<1x1xf32>
    %add3A_1026 = arith.addf %add3A_1024, %mul3A_1025 : vector<1x1xf32>
    %mul3A_1027 = arith.mulf %convert_element_type3A_697, %convert_element_type3A_572 : vector<1x1xf32>
    %add3A_1028 = arith.addf %add3A_1026, %mul3A_1027 : vector<1x1xf32>
    %mul3A_1029 = arith.mulf %convert_element_type3A_701, %convert_element_type3A_586 : vector<1x1xf32>
    %add3A_1030 = arith.addf %add3A_1028, %mul3A_1029 : vector<1x1xf32>
    %mul3A_1031 = arith.mulf %convert_element_type3A_705, %convert_element_type3A_516 : vector<1x1xf32>
    %mul3A_1032 = arith.mulf %convert_element_type3A_709, %convert_element_type3A_530 : vector<1x1xf32>
    %add3A_1033 = arith.addf %mul3A_1031, %mul3A_1032 : vector<1x1xf32>
    %mul3A_1034 = arith.mulf %convert_element_type3A_713, %convert_element_type3A_544 : vector<1x1xf32>
    %add3A_1035 = arith.addf %add3A_1033, %mul3A_1034 : vector<1x1xf32>
    %mul3A_1036 = arith.mulf %convert_element_type3A_717, %convert_element_type3A_558 : vector<1x1xf32>
    %add3A_1037 = arith.addf %add3A_1035, %mul3A_1036 : vector<1x1xf32>
    %mul3A_1038 = arith.mulf %convert_element_type3A_721, %convert_element_type3A_572 : vector<1x1xf32>
    %add3A_1039 = arith.addf %add3A_1037, %mul3A_1038 : vector<1x1xf32>
    %mul3A_1040 = arith.mulf %convert_element_type3A_725, %convert_element_type3A_586 : vector<1x1xf32>
    %add3A_1041 = arith.addf %add3A_1039, %mul3A_1040 : vector<1x1xf32>
    %mul3A_1042 = arith.mulf %convert_element_type3A_729, %convert_element_type3A_516 : vector<1x1xf32>
    %mul3A_1043 = arith.mulf %convert_element_type3A_733, %convert_element_type3A_530 : vector<1x1xf32>
    %add3A_1044 = arith.addf %mul3A_1042, %mul3A_1043 : vector<1x1xf32>
    %mul3A_1045 = arith.mulf %convert_element_type3A_737, %convert_element_type3A_544 : vector<1x1xf32>
    %add3A_1046 = arith.addf %add3A_1044, %mul3A_1045 : vector<1x1xf32>
    %mul3A_1047 = arith.mulf %convert_element_type3A_741, %convert_element_type3A_558 : vector<1x1xf32>
    %add3A_1048 = arith.addf %add3A_1046, %mul3A_1047 : vector<1x1xf32>
    %mul3A_1049 = arith.mulf %convert_element_type3A_745, %convert_element_type3A_572 : vector<1x1xf32>
    %add3A_1050 = arith.addf %add3A_1048, %mul3A_1049 : vector<1x1xf32>
    %mul3A_1051 = arith.mulf %convert_element_type3A_749, %convert_element_type3A_586 : vector<1x1xf32>
    %add3A_1052 = arith.addf %add3A_1050, %mul3A_1051 : vector<1x1xf32>
    %mul3A_1053 = arith.mulf %convert_element_type3A_753, %convert_element_type3A_516 : vector<1x1xf32>
    %mul3A_1054 = arith.mulf %convert_element_type3A_757, %convert_element_type3A_530 : vector<1x1xf32>
    %add3A_1055 = arith.addf %mul3A_1053, %mul3A_1054 : vector<1x1xf32>
    %mul3A_1056 = arith.mulf %convert_element_type3A_761, %convert_element_type3A_544 : vector<1x1xf32>
    %add3A_1057 = arith.addf %add3A_1055, %mul3A_1056 : vector<1x1xf32>
    %mul3A_1058 = arith.mulf %convert_element_type3A_765, %convert_element_type3A_558 : vector<1x1xf32>
    %add3A_1059 = arith.addf %add3A_1057, %mul3A_1058 : vector<1x1xf32>
    %mul3A_1060 = arith.mulf %convert_element_type3A_769, %convert_element_type3A_572 : vector<1x1xf32>
    %add3A_1061 = arith.addf %add3A_1059, %mul3A_1060 : vector<1x1xf32>
    %mul3A_1062 = arith.mulf %convert_element_type3A_773, %convert_element_type3A_586 : vector<1x1xf32>
    %add3A_1063 = arith.addf %add3A_1061, %mul3A_1062 : vector<1x1xf32>
    %mul3A_1064 = arith.mulf %convert_element_type3A_777, %convert_element_type3A_516 : vector<1x1xf32>
    %mul3A_1065 = arith.mulf %convert_element_type3A_781, %convert_element_type3A_530 : vector<1x1xf32>
    %add3A_1066 = arith.addf %mul3A_1064, %mul3A_1065 : vector<1x1xf32>
    %mul3A_1067 = arith.mulf %convert_element_type3A_785, %convert_element_type3A_544 : vector<1x1xf32>
    %add3A_1068 = arith.addf %add3A_1066, %mul3A_1067 : vector<1x1xf32>
    %mul3A_1069 = arith.mulf %convert_element_type3A_789, %convert_element_type3A_558 : vector<1x1xf32>
    %add3A_1070 = arith.addf %add3A_1068, %mul3A_1069 : vector<1x1xf32>
    %mul3A_1071 = arith.mulf %convert_element_type3A_793, %convert_element_type3A_572 : vector<1x1xf32>
    %add3A_1072 = arith.addf %add3A_1070, %mul3A_1071 : vector<1x1xf32>
    %mul3A_1073 = arith.mulf %convert_element_type3A_797, %convert_element_type3A_586 : vector<1x1xf32>
    %add3A_1074 = arith.addf %add3A_1072, %mul3A_1073 : vector<1x1xf32>
    %mul3A_1075 = arith.mulf %convert_element_type3A_801, %convert_element_type3A_516 : vector<1x1xf32>
    %mul3A_1076 = arith.mulf %convert_element_type3A_805, %convert_element_type3A_530 : vector<1x1xf32>
    %add3A_1077 = arith.addf %mul3A_1075, %mul3A_1076 : vector<1x1xf32>
    %mul3A_1078 = arith.mulf %convert_element_type3A_809, %convert_element_type3A_544 : vector<1x1xf32>
    %add3A_1079 = arith.addf %add3A_1077, %mul3A_1078 : vector<1x1xf32>
    %mul3A_1080 = arith.mulf %convert_element_type3A_813, %convert_element_type3A_558 : vector<1x1xf32>
    %add3A_1081 = arith.addf %add3A_1079, %mul3A_1080 : vector<1x1xf32>
    %mul3A_1082 = arith.mulf %convert_element_type3A_817, %convert_element_type3A_572 : vector<1x1xf32>
    %add3A_1083 = arith.addf %add3A_1081, %mul3A_1082 : vector<1x1xf32>
    %mul3A_1084 = arith.mulf %convert_element_type3A_821, %convert_element_type3A_586 : vector<1x1xf32>
    %add3A_1085 = arith.addf %add3A_1083, %mul3A_1084 : vector<1x1xf32>
    %mul3A_1086 = arith.mulf %convert_element_type3A_681, %convert_element_type3A_518 : vector<1x1xf32>
    %mul3A_1087 = arith.mulf %convert_element_type3A_685, %convert_element_type3A_532 : vector<1x1xf32>
    %add3A_1088 = arith.addf %mul3A_1086, %mul3A_1087 : vector<1x1xf32>
    %mul3A_1089 = arith.mulf %convert_element_type3A_689, %convert_element_type3A_546 : vector<1x1xf32>
    %add3A_1090 = arith.addf %add3A_1088, %mul3A_1089 : vector<1x1xf32>
    %mul3A_1091 = arith.mulf %convert_element_type3A_693, %convert_element_type3A_560 : vector<1x1xf32>
    %add3A_1092 = arith.addf %add3A_1090, %mul3A_1091 : vector<1x1xf32>
    %mul3A_1093 = arith.mulf %convert_element_type3A_697, %convert_element_type3A_574 : vector<1x1xf32>
    %add3A_1094 = arith.addf %add3A_1092, %mul3A_1093 : vector<1x1xf32>
    %mul3A_1095 = arith.mulf %convert_element_type3A_701, %convert_element_type3A_588 : vector<1x1xf32>
    %add3A_1096 = arith.addf %add3A_1094, %mul3A_1095 : vector<1x1xf32>
    %mul3A_1097 = arith.mulf %convert_element_type3A_705, %convert_element_type3A_518 : vector<1x1xf32>
    %mul3A_1098 = arith.mulf %convert_element_type3A_709, %convert_element_type3A_532 : vector<1x1xf32>
    %add3A_1099 = arith.addf %mul3A_1097, %mul3A_1098 : vector<1x1xf32>
    %mul3A_1100 = arith.mulf %convert_element_type3A_713, %convert_element_type3A_546 : vector<1x1xf32>
    %add3A_1101 = arith.addf %add3A_1099, %mul3A_1100 : vector<1x1xf32>
    %mul3A_1102 = arith.mulf %convert_element_type3A_717, %convert_element_type3A_560 : vector<1x1xf32>
    %add3A_1103 = arith.addf %add3A_1101, %mul3A_1102 : vector<1x1xf32>
    %mul3A_1104 = arith.mulf %convert_element_type3A_721, %convert_element_type3A_574 : vector<1x1xf32>
    %add3A_1105 = arith.addf %add3A_1103, %mul3A_1104 : vector<1x1xf32>
    %mul3A_1106 = arith.mulf %convert_element_type3A_725, %convert_element_type3A_588 : vector<1x1xf32>
    %add3A_1107 = arith.addf %add3A_1105, %mul3A_1106 : vector<1x1xf32>
    %mul3A_1108 = arith.mulf %convert_element_type3A_729, %convert_element_type3A_518 : vector<1x1xf32>
    %mul3A_1109 = arith.mulf %convert_element_type3A_733, %convert_element_type3A_532 : vector<1x1xf32>
    %add3A_1110 = arith.addf %mul3A_1108, %mul3A_1109 : vector<1x1xf32>
    %mul3A_1111 = arith.mulf %convert_element_type3A_737, %convert_element_type3A_546 : vector<1x1xf32>
    %add3A_1112 = arith.addf %add3A_1110, %mul3A_1111 : vector<1x1xf32>
    %mul3A_1113 = arith.mulf %convert_element_type3A_741, %convert_element_type3A_560 : vector<1x1xf32>
    %add3A_1114 = arith.addf %add3A_1112, %mul3A_1113 : vector<1x1xf32>
    %mul3A_1115 = arith.mulf %convert_element_type3A_745, %convert_element_type3A_574 : vector<1x1xf32>
    %add3A_1116 = arith.addf %add3A_1114, %mul3A_1115 : vector<1x1xf32>
    %mul3A_1117 = arith.mulf %convert_element_type3A_749, %convert_element_type3A_588 : vector<1x1xf32>
    %add3A_1118 = arith.addf %add3A_1116, %mul3A_1117 : vector<1x1xf32>
    %mul3A_1119 = arith.mulf %convert_element_type3A_753, %convert_element_type3A_518 : vector<1x1xf32>
    %mul3A_1120 = arith.mulf %convert_element_type3A_757, %convert_element_type3A_532 : vector<1x1xf32>
    %add3A_1121 = arith.addf %mul3A_1119, %mul3A_1120 : vector<1x1xf32>
    %mul3A_1122 = arith.mulf %convert_element_type3A_761, %convert_element_type3A_546 : vector<1x1xf32>
    %add3A_1123 = arith.addf %add3A_1121, %mul3A_1122 : vector<1x1xf32>
    %mul3A_1124 = arith.mulf %convert_element_type3A_765, %convert_element_type3A_560 : vector<1x1xf32>
    %add3A_1125 = arith.addf %add3A_1123, %mul3A_1124 : vector<1x1xf32>
    %mul3A_1126 = arith.mulf %convert_element_type3A_769, %convert_element_type3A_574 : vector<1x1xf32>
    %add3A_1127 = arith.addf %add3A_1125, %mul3A_1126 : vector<1x1xf32>
    %mul3A_1128 = arith.mulf %convert_element_type3A_773, %convert_element_type3A_588 : vector<1x1xf32>
    %add3A_1129 = arith.addf %add3A_1127, %mul3A_1128 : vector<1x1xf32>
    %mul3A_1130 = arith.mulf %convert_element_type3A_777, %convert_element_type3A_518 : vector<1x1xf32>
    %mul3A_1131 = arith.mulf %convert_element_type3A_781, %convert_element_type3A_532 : vector<1x1xf32>
    %add3A_1132 = arith.addf %mul3A_1130, %mul3A_1131 : vector<1x1xf32>
    %mul3A_1133 = arith.mulf %convert_element_type3A_785, %convert_element_type3A_546 : vector<1x1xf32>
    %add3A_1134 = arith.addf %add3A_1132, %mul3A_1133 : vector<1x1xf32>
    %mul3A_1135 = arith.mulf %convert_element_type3A_789, %convert_element_type3A_560 : vector<1x1xf32>
    %add3A_1136 = arith.addf %add3A_1134, %mul3A_1135 : vector<1x1xf32>
    %mul3A_1137 = arith.mulf %convert_element_type3A_793, %convert_element_type3A_574 : vector<1x1xf32>
    %add3A_1138 = arith.addf %add3A_1136, %mul3A_1137 : vector<1x1xf32>
    %mul3A_1139 = arith.mulf %convert_element_type3A_797, %convert_element_type3A_588 : vector<1x1xf32>
    %add3A_1140 = arith.addf %add3A_1138, %mul3A_1139 : vector<1x1xf32>
    %mul3A_1141 = arith.mulf %convert_element_type3A_801, %convert_element_type3A_518 : vector<1x1xf32>
    %mul3A_1142 = arith.mulf %convert_element_type3A_805, %convert_element_type3A_532 : vector<1x1xf32>
    %add3A_1143 = arith.addf %mul3A_1141, %mul3A_1142 : vector<1x1xf32>
    %mul3A_1144 = arith.mulf %convert_element_type3A_809, %convert_element_type3A_546 : vector<1x1xf32>
    %add3A_1145 = arith.addf %add3A_1143, %mul3A_1144 : vector<1x1xf32>
    %mul3A_1146 = arith.mulf %convert_element_type3A_813, %convert_element_type3A_560 : vector<1x1xf32>
    %add3A_1147 = arith.addf %add3A_1145, %mul3A_1146 : vector<1x1xf32>
    %mul3A_1148 = arith.mulf %convert_element_type3A_817, %convert_element_type3A_574 : vector<1x1xf32>
    %add3A_1149 = arith.addf %add3A_1147, %mul3A_1148 : vector<1x1xf32>
    %mul3A_1150 = arith.mulf %convert_element_type3A_821, %convert_element_type3A_588 : vector<1x1xf32>
    %add3A_1151 = arith.addf %add3A_1149, %mul3A_1150 : vector<1x1xf32>
    %mul3A_1152 = arith.mulf %convert_element_type3A_681, %convert_element_type3A_520 : vector<1x1xf32>
    %mul3A_1153 = arith.mulf %convert_element_type3A_685, %convert_element_type3A_534 : vector<1x1xf32>
    %add3A_1154 = arith.addf %mul3A_1152, %mul3A_1153 : vector<1x1xf32>
    %mul3A_1155 = arith.mulf %convert_element_type3A_689, %convert_element_type3A_548 : vector<1x1xf32>
    %add3A_1156 = arith.addf %add3A_1154, %mul3A_1155 : vector<1x1xf32>
    %mul3A_1157 = arith.mulf %convert_element_type3A_693, %convert_element_type3A_562 : vector<1x1xf32>
    %add3A_1158 = arith.addf %add3A_1156, %mul3A_1157 : vector<1x1xf32>
    %mul3A_1159 = arith.mulf %convert_element_type3A_697, %convert_element_type3A_576 : vector<1x1xf32>
    %add3A_1160 = arith.addf %add3A_1158, %mul3A_1159 : vector<1x1xf32>
    %mul3A_1161 = arith.mulf %convert_element_type3A_701, %convert_element_type3A_590 : vector<1x1xf32>
    %add3A_1162 = arith.addf %add3A_1160, %mul3A_1161 : vector<1x1xf32>
    %mul3A_1163 = arith.mulf %convert_element_type3A_705, %convert_element_type3A_520 : vector<1x1xf32>
    %mul3A_1164 = arith.mulf %convert_element_type3A_709, %convert_element_type3A_534 : vector<1x1xf32>
    %add3A_1165 = arith.addf %mul3A_1163, %mul3A_1164 : vector<1x1xf32>
    %mul3A_1166 = arith.mulf %convert_element_type3A_713, %convert_element_type3A_548 : vector<1x1xf32>
    %add3A_1167 = arith.addf %add3A_1165, %mul3A_1166 : vector<1x1xf32>
    %mul3A_1168 = arith.mulf %convert_element_type3A_717, %convert_element_type3A_562 : vector<1x1xf32>
    %add3A_1169 = arith.addf %add3A_1167, %mul3A_1168 : vector<1x1xf32>
    %mul3A_1170 = arith.mulf %convert_element_type3A_721, %convert_element_type3A_576 : vector<1x1xf32>
    %add3A_1171 = arith.addf %add3A_1169, %mul3A_1170 : vector<1x1xf32>
    %mul3A_1172 = arith.mulf %convert_element_type3A_725, %convert_element_type3A_590 : vector<1x1xf32>
    %add3A_1173 = arith.addf %add3A_1171, %mul3A_1172 : vector<1x1xf32>
    %mul3A_1174 = arith.mulf %convert_element_type3A_729, %convert_element_type3A_520 : vector<1x1xf32>
    %mul3A_1175 = arith.mulf %convert_element_type3A_733, %convert_element_type3A_534 : vector<1x1xf32>
    %add3A_1176 = arith.addf %mul3A_1174, %mul3A_1175 : vector<1x1xf32>
    %mul3A_1177 = arith.mulf %convert_element_type3A_737, %convert_element_type3A_548 : vector<1x1xf32>
    %add3A_1178 = arith.addf %add3A_1176, %mul3A_1177 : vector<1x1xf32>
    %mul3A_1179 = arith.mulf %convert_element_type3A_741, %convert_element_type3A_562 : vector<1x1xf32>
    %add3A_1180 = arith.addf %add3A_1178, %mul3A_1179 : vector<1x1xf32>
    %mul3A_1181 = arith.mulf %convert_element_type3A_745, %convert_element_type3A_576 : vector<1x1xf32>
    %add3A_1182 = arith.addf %add3A_1180, %mul3A_1181 : vector<1x1xf32>
    %mul3A_1183 = arith.mulf %convert_element_type3A_749, %convert_element_type3A_590 : vector<1x1xf32>
    %add3A_1184 = arith.addf %add3A_1182, %mul3A_1183 : vector<1x1xf32>
    %mul3A_1185 = arith.mulf %convert_element_type3A_753, %convert_element_type3A_520 : vector<1x1xf32>
    %mul3A_1186 = arith.mulf %convert_element_type3A_757, %convert_element_type3A_534 : vector<1x1xf32>
    %add3A_1187 = arith.addf %mul3A_1185, %mul3A_1186 : vector<1x1xf32>
    %mul3A_1188 = arith.mulf %convert_element_type3A_761, %convert_element_type3A_548 : vector<1x1xf32>
    %add3A_1189 = arith.addf %add3A_1187, %mul3A_1188 : vector<1x1xf32>
    %mul3A_1190 = arith.mulf %convert_element_type3A_765, %convert_element_type3A_562 : vector<1x1xf32>
    %add3A_1191 = arith.addf %add3A_1189, %mul3A_1190 : vector<1x1xf32>
    %mul3A_1192 = arith.mulf %convert_element_type3A_769, %convert_element_type3A_576 : vector<1x1xf32>
    %add3A_1193 = arith.addf %add3A_1191, %mul3A_1192 : vector<1x1xf32>
    %mul3A_1194 = arith.mulf %convert_element_type3A_773, %convert_element_type3A_590 : vector<1x1xf32>
    %add3A_1195 = arith.addf %add3A_1193, %mul3A_1194 : vector<1x1xf32>
    %mul3A_1196 = arith.mulf %convert_element_type3A_777, %convert_element_type3A_520 : vector<1x1xf32>
    %mul3A_1197 = arith.mulf %convert_element_type3A_781, %convert_element_type3A_534 : vector<1x1xf32>
    %add3A_1198 = arith.addf %mul3A_1196, %mul3A_1197 : vector<1x1xf32>
    %mul3A_1199 = arith.mulf %convert_element_type3A_785, %convert_element_type3A_548 : vector<1x1xf32>
    %add3A_1200 = arith.addf %add3A_1198, %mul3A_1199 : vector<1x1xf32>
    %mul3A_1201 = arith.mulf %convert_element_type3A_789, %convert_element_type3A_562 : vector<1x1xf32>
    %add3A_1202 = arith.addf %add3A_1200, %mul3A_1201 : vector<1x1xf32>
    %mul3A_1203 = arith.mulf %convert_element_type3A_793, %convert_element_type3A_576 : vector<1x1xf32>
    %add3A_1204 = arith.addf %add3A_1202, %mul3A_1203 : vector<1x1xf32>
    %mul3A_1205 = arith.mulf %convert_element_type3A_797, %convert_element_type3A_590 : vector<1x1xf32>
    %add3A_1206 = arith.addf %add3A_1204, %mul3A_1205 : vector<1x1xf32>
    %mul3A_1207 = arith.mulf %convert_element_type3A_801, %convert_element_type3A_520 : vector<1x1xf32>
    %mul3A_1208 = arith.mulf %convert_element_type3A_805, %convert_element_type3A_534 : vector<1x1xf32>
    %add3A_1209 = arith.addf %mul3A_1207, %mul3A_1208 : vector<1x1xf32>
    %mul3A_1210 = arith.mulf %convert_element_type3A_809, %convert_element_type3A_548 : vector<1x1xf32>
    %add3A_1211 = arith.addf %add3A_1209, %mul3A_1210 : vector<1x1xf32>
    %mul3A_1212 = arith.mulf %convert_element_type3A_813, %convert_element_type3A_562 : vector<1x1xf32>
    %add3A_1213 = arith.addf %add3A_1211, %mul3A_1212 : vector<1x1xf32>
    %mul3A_1214 = arith.mulf %convert_element_type3A_817, %convert_element_type3A_576 : vector<1x1xf32>
    %add3A_1215 = arith.addf %add3A_1213, %mul3A_1214 : vector<1x1xf32>
    %mul3A_1216 = arith.mulf %convert_element_type3A_821, %convert_element_type3A_590 : vector<1x1xf32>
    %add3A_1217 = arith.addf %add3A_1215, %mul3A_1216 : vector<1x1xf32>
    %broadcast_in_dim3A_1218 = arith.constant 0 : i32
    %broadcast_in_dim3A_1219 = vector.broadcast %broadcast_in_dim3A_1218 : i32 to vector<1x1xi32>
    %broadcast_in_dim3A_1220 = arith.constant 1 : i32
    %broadcast_in_dim3A_1221 = vector.broadcast %broadcast_in_dim3A_1220 : i32 to vector<1x1xi32>
    %broadcast_in_dim3A_1222 = arith.constant 2 : i32
    %broadcast_in_dim3A_1223 = vector.broadcast %broadcast_in_dim3A_1222 : i32 to vector<1x1xi32>
    %broadcast_in_dim3A_1224 = arith.constant 3 : i32
    %broadcast_in_dim3A_1225 = vector.broadcast %broadcast_in_dim3A_1224 : i32 to vector<1x1xi32>
    %broadcast_in_dim3A_1226 = arith.constant 4 : i32
    %broadcast_in_dim3A_1227 = vector.broadcast %broadcast_in_dim3A_1226 : i32 to vector<1x1xi32>
    %broadcast_in_dim3A_1228 = arith.constant 5 : i32
    %broadcast_in_dim3A_1229 = vector.broadcast %broadcast_in_dim3A_1228 : i32 to vector<1x1xi32>
    %abs3A = math.absf %add3A_832 : vector<1x1xf32>
    %abs3A_1230 = math.absf %add3A_898 : vector<1x1xf32>
    %abs3A_1231 = math.absf %add3A_964 : vector<1x1xf32>
    %abs3A_1232 = math.absf %add3A_1030 : vector<1x1xf32>
    %abs3A_1233 = math.absf %add3A_1096 : vector<1x1xf32>
    %abs3A_1234 = math.absf %add3A_1162 : vector<1x1xf32>
    %gt3A = arith.cmpf ogt, %abs3A_1230, %abs3A : vector<1x1xf32>
    %select_n3A_1235 = arith.select %gt3A, %abs3A_1230, %abs3A : vector<1x1xi1>, vector<1x1xf32>
    %select_n3A_1236 = arith.select %gt3A, %broadcast_in_dim3A_1221, %broadcast_in_dim3A_1219 : vector<1x1xi1>, vector<1x1xi32>
    %gt3A_1237 = arith.cmpf ogt, %abs3A_1231, %select_n3A_1235 : vector<1x1xf32>
    %select_n3A_1238 = arith.select %gt3A_1237, %abs3A_1231, %select_n3A_1235 : vector<1x1xi1>, vector<1x1xf32>
    %select_n3A_1239 = arith.select %gt3A_1237, %broadcast_in_dim3A_1223, %select_n3A_1236 : vector<1x1xi1>, vector<1x1xi32>
    %gt3A_1240 = arith.cmpf ogt, %abs3A_1232, %select_n3A_1238 : vector<1x1xf32>
    %select_n3A_1241 = arith.select %gt3A_1240, %abs3A_1232, %select_n3A_1238 : vector<1x1xi1>, vector<1x1xf32>
    %select_n3A_1242 = arith.select %gt3A_1240, %broadcast_in_dim3A_1225, %select_n3A_1239 : vector<1x1xi1>, vector<1x1xi32>
    %gt3A_1243 = arith.cmpf ogt, %abs3A_1233, %select_n3A_1241 : vector<1x1xf32>
    %select_n3A_1244 = arith.select %gt3A_1243, %abs3A_1233, %select_n3A_1241 : vector<1x1xi1>, vector<1x1xf32>
    %select_n3A_1245 = arith.select %gt3A_1243, %broadcast_in_dim3A_1227, %select_n3A_1242 : vector<1x1xi1>, vector<1x1xi32>
    %gt3A_1246 = arith.cmpf ogt, %abs3A_1234, %select_n3A_1244 : vector<1x1xf32>
    %select_n3A_1247 = arith.select %gt3A_1246, %broadcast_in_dim3A_1229, %select_n3A_1245 : vector<1x1xi1>, vector<1x1xi32>
    %eq3A_1248 = arith.cmpi eq, %select_n3A_1247, %broadcast_in_dim3A_1221 : vector<1x1xi32>
    %select_n3A_1249 = arith.select %eq3A_1248, %add3A_898, %add3A_832 : vector<1x1xi1>, vector<1x1xf32>
    %eq3A_1250 = arith.cmpi eq, %select_n3A_1247, %broadcast_in_dim3A_1223 : vector<1x1xi32>
    %select_n3A_1251 = arith.select %eq3A_1250, %add3A_964, %select_n3A_1249 : vector<1x1xi1>, vector<1x1xf32>
    %eq3A_1252 = arith.cmpi eq, %select_n3A_1247, %broadcast_in_dim3A_1225 : vector<1x1xi32>
    %select_n3A_1253 = arith.select %eq3A_1252, %add3A_1030, %select_n3A_1251 : vector<1x1xi1>, vector<1x1xf32>
    %eq3A_1254 = arith.cmpi eq, %select_n3A_1247, %broadcast_in_dim3A_1227 : vector<1x1xi32>
    %select_n3A_1255 = arith.select %eq3A_1254, %add3A_1096, %select_n3A_1253 : vector<1x1xi1>, vector<1x1xf32>
    %eq3A_1256 = arith.cmpi eq, %select_n3A_1247, %broadcast_in_dim3A_1229 : vector<1x1xi32>
    %select_n3A_1257 = arith.select %eq3A_1256, %add3A_1162, %select_n3A_1255 : vector<1x1xi1>, vector<1x1xf32>
    %eq3A_1258 = arith.cmpi eq, %select_n3A_1247, %broadcast_in_dim3A_1221 : vector<1x1xi32>
    %select_n3A_1259 = arith.select %eq3A_1258, %add3A_909, %add3A_843 : vector<1x1xi1>, vector<1x1xf32>
    %eq3A_1260 = arith.cmpi eq, %select_n3A_1247, %broadcast_in_dim3A_1223 : vector<1x1xi32>
    %select_n3A_1261 = arith.select %eq3A_1260, %add3A_975, %select_n3A_1259 : vector<1x1xi1>, vector<1x1xf32>
    %eq3A_1262 = arith.cmpi eq, %select_n3A_1247, %broadcast_in_dim3A_1225 : vector<1x1xi32>
    %select_n3A_1263 = arith.select %eq3A_1262, %add3A_1041, %select_n3A_1261 : vector<1x1xi1>, vector<1x1xf32>
    %eq3A_1264 = arith.cmpi eq, %select_n3A_1247, %broadcast_in_dim3A_1227 : vector<1x1xi32>
    %select_n3A_1265 = arith.select %eq3A_1264, %add3A_1107, %select_n3A_1263 : vector<1x1xi1>, vector<1x1xf32>
    %eq3A_1266 = arith.cmpi eq, %select_n3A_1247, %broadcast_in_dim3A_1229 : vector<1x1xi32>
    %select_n3A_1267 = arith.select %eq3A_1266, %add3A_1173, %select_n3A_1265 : vector<1x1xi1>, vector<1x1xf32>
    %eq3A_1268 = arith.cmpi eq, %select_n3A_1247, %broadcast_in_dim3A_1221 : vector<1x1xi32>
    %select_n3A_1269 = arith.select %eq3A_1268, %add3A_920, %add3A_854 : vector<1x1xi1>, vector<1x1xf32>
    %eq3A_1270 = arith.cmpi eq, %select_n3A_1247, %broadcast_in_dim3A_1223 : vector<1x1xi32>
    %select_n3A_1271 = arith.select %eq3A_1270, %add3A_986, %select_n3A_1269 : vector<1x1xi1>, vector<1x1xf32>
    %eq3A_1272 = arith.cmpi eq, %select_n3A_1247, %broadcast_in_dim3A_1225 : vector<1x1xi32>
    %select_n3A_1273 = arith.select %eq3A_1272, %add3A_1052, %select_n3A_1271 : vector<1x1xi1>, vector<1x1xf32>
    %eq3A_1274 = arith.cmpi eq, %select_n3A_1247, %broadcast_in_dim3A_1227 : vector<1x1xi32>
    %select_n3A_1275 = arith.select %eq3A_1274, %add3A_1118, %select_n3A_1273 : vector<1x1xi1>, vector<1x1xf32>
    %eq3A_1276 = arith.cmpi eq, %select_n3A_1247, %broadcast_in_dim3A_1229 : vector<1x1xi32>
    %select_n3A_1277 = arith.select %eq3A_1276, %add3A_1184, %select_n3A_1275 : vector<1x1xi1>, vector<1x1xf32>
    %eq3A_1278 = arith.cmpi eq, %select_n3A_1247, %broadcast_in_dim3A_1221 : vector<1x1xi32>
    %select_n3A_1279 = arith.select %eq3A_1278, %add3A_931, %add3A_865 : vector<1x1xi1>, vector<1x1xf32>
    %eq3A_1280 = arith.cmpi eq, %select_n3A_1247, %broadcast_in_dim3A_1223 : vector<1x1xi32>
    %select_n3A_1281 = arith.select %eq3A_1280, %add3A_997, %select_n3A_1279 : vector<1x1xi1>, vector<1x1xf32>
    %eq3A_1282 = arith.cmpi eq, %select_n3A_1247, %broadcast_in_dim3A_1225 : vector<1x1xi32>
    %select_n3A_1283 = arith.select %eq3A_1282, %add3A_1063, %select_n3A_1281 : vector<1x1xi1>, vector<1x1xf32>
    %eq3A_1284 = arith.cmpi eq, %select_n3A_1247, %broadcast_in_dim3A_1227 : vector<1x1xi32>
    %select_n3A_1285 = arith.select %eq3A_1284, %add3A_1129, %select_n3A_1283 : vector<1x1xi1>, vector<1x1xf32>
    %eq3A_1286 = arith.cmpi eq, %select_n3A_1247, %broadcast_in_dim3A_1229 : vector<1x1xi32>
    %select_n3A_1287 = arith.select %eq3A_1286, %add3A_1195, %select_n3A_1285 : vector<1x1xi1>, vector<1x1xf32>
    %eq3A_1288 = arith.cmpi eq, %select_n3A_1247, %broadcast_in_dim3A_1221 : vector<1x1xi32>
    %select_n3A_1289 = arith.select %eq3A_1288, %add3A_942, %add3A_876 : vector<1x1xi1>, vector<1x1xf32>
    %eq3A_1290 = arith.cmpi eq, %select_n3A_1247, %broadcast_in_dim3A_1223 : vector<1x1xi32>
    %select_n3A_1291 = arith.select %eq3A_1290, %add3A_1008, %select_n3A_1289 : vector<1x1xi1>, vector<1x1xf32>
    %eq3A_1292 = arith.cmpi eq, %select_n3A_1247, %broadcast_in_dim3A_1225 : vector<1x1xi32>
    %select_n3A_1293 = arith.select %eq3A_1292, %add3A_1074, %select_n3A_1291 : vector<1x1xi1>, vector<1x1xf32>
    %eq3A_1294 = arith.cmpi eq, %select_n3A_1247, %broadcast_in_dim3A_1227 : vector<1x1xi32>
    %select_n3A_1295 = arith.select %eq3A_1294, %add3A_1140, %select_n3A_1293 : vector<1x1xi1>, vector<1x1xf32>
    %eq3A_1296 = arith.cmpi eq, %select_n3A_1247, %broadcast_in_dim3A_1229 : vector<1x1xi32>
    %select_n3A_1297 = arith.select %eq3A_1296, %add3A_1206, %select_n3A_1295 : vector<1x1xi1>, vector<1x1xf32>
    %eq3A_1298 = arith.cmpi eq, %select_n3A_1247, %broadcast_in_dim3A_1221 : vector<1x1xi32>
    %select_n3A_1299 = arith.select %eq3A_1298, %add3A_953, %add3A_887 : vector<1x1xi1>, vector<1x1xf32>
    %eq3A_1300 = arith.cmpi eq, %select_n3A_1247, %broadcast_in_dim3A_1223 : vector<1x1xi32>
    %select_n3A_1301 = arith.select %eq3A_1300, %add3A_1019, %select_n3A_1299 : vector<1x1xi1>, vector<1x1xf32>
    %eq3A_1302 = arith.cmpi eq, %select_n3A_1247, %broadcast_in_dim3A_1225 : vector<1x1xi32>
    %select_n3A_1303 = arith.select %eq3A_1302, %add3A_1085, %select_n3A_1301 : vector<1x1xi1>, vector<1x1xf32>
    %eq3A_1304 = arith.cmpi eq, %select_n3A_1247, %broadcast_in_dim3A_1227 : vector<1x1xi32>
    %select_n3A_1305 = arith.select %eq3A_1304, %add3A_1151, %select_n3A_1303 : vector<1x1xi1>, vector<1x1xf32>
    %eq3A_1306 = arith.cmpi eq, %select_n3A_1247, %broadcast_in_dim3A_1229 : vector<1x1xi32>
    %select_n3A_1307 = arith.select %eq3A_1306, %add3A_1217, %select_n3A_1305 : vector<1x1xi1>, vector<1x1xf32>
    %eq3A_1308 = arith.cmpi eq, %select_n3A_1247, %broadcast_in_dim3A_1221 : vector<1x1xi32>
    %select_n3A_1309 = arith.select %eq3A_1308, %broadcast_in_dim3A_1221, %broadcast_in_dim3A_1219 : vector<1x1xi1>, vector<1x1xi32>
    %eq3A_1310 = arith.cmpi eq, %select_n3A_1247, %broadcast_in_dim3A_1223 : vector<1x1xi32>
    %select_n3A_1311 = arith.select %eq3A_1310, %broadcast_in_dim3A_1223, %select_n3A_1309 : vector<1x1xi1>, vector<1x1xi32>
    %eq3A_1312 = arith.cmpi eq, %select_n3A_1247, %broadcast_in_dim3A_1225 : vector<1x1xi32>
    %select_n3A_1313 = arith.select %eq3A_1312, %broadcast_in_dim3A_1225, %select_n3A_1311 : vector<1x1xi1>, vector<1x1xi32>
    %eq3A_1314 = arith.cmpi eq, %select_n3A_1247, %broadcast_in_dim3A_1227 : vector<1x1xi32>
    %select_n3A_1315 = arith.select %eq3A_1314, %broadcast_in_dim3A_1227, %select_n3A_1313 : vector<1x1xi1>, vector<1x1xi32>
    %eq3A_1316 = arith.cmpi eq, %select_n3A_1247, %broadcast_in_dim3A_1229 : vector<1x1xi32>
    %select_n3A_1317 = arith.select %eq3A_1316, %broadcast_in_dim3A_1229, %select_n3A_1315 : vector<1x1xi1>, vector<1x1xi32>
    %eq3A_1318 = arith.cmpi eq, %select_n3A_1247, %broadcast_in_dim3A_1221 : vector<1x1xi32>
    %select_n3A_1319 = arith.select %eq3A_1318, %add3A_832, %add3A_898 : vector<1x1xi1>, vector<1x1xf32>
    %select_n3A_1320 = arith.select %eq3A_1318, %add3A_843, %add3A_909 : vector<1x1xi1>, vector<1x1xf32>
    %select_n3A_1321 = arith.select %eq3A_1318, %add3A_854, %add3A_920 : vector<1x1xi1>, vector<1x1xf32>
    %select_n3A_1322 = arith.select %eq3A_1318, %add3A_865, %add3A_931 : vector<1x1xi1>, vector<1x1xf32>
    %select_n3A_1323 = arith.select %eq3A_1318, %add3A_876, %add3A_942 : vector<1x1xi1>, vector<1x1xf32>
    %select_n3A_1324 = arith.select %eq3A_1318, %add3A_887, %add3A_953 : vector<1x1xi1>, vector<1x1xf32>
    %select_n3A_1325 = arith.select %eq3A_1318, %broadcast_in_dim3A_1219, %broadcast_in_dim3A_1221 : vector<1x1xi1>, vector<1x1xi32>
    %eq3A_1326 = arith.cmpi eq, %select_n3A_1247, %broadcast_in_dim3A_1223 : vector<1x1xi32>
    %select_n3A_1327 = arith.select %eq3A_1326, %add3A_832, %add3A_964 : vector<1x1xi1>, vector<1x1xf32>
    %select_n3A_1328 = arith.select %eq3A_1326, %add3A_843, %add3A_975 : vector<1x1xi1>, vector<1x1xf32>
    %select_n3A_1329 = arith.select %eq3A_1326, %add3A_854, %add3A_986 : vector<1x1xi1>, vector<1x1xf32>
    %select_n3A_1330 = arith.select %eq3A_1326, %add3A_865, %add3A_997 : vector<1x1xi1>, vector<1x1xf32>
    %select_n3A_1331 = arith.select %eq3A_1326, %add3A_876, %add3A_1008 : vector<1x1xi1>, vector<1x1xf32>
    %select_n3A_1332 = arith.select %eq3A_1326, %add3A_887, %add3A_1019 : vector<1x1xi1>, vector<1x1xf32>
    %select_n3A_1333 = arith.select %eq3A_1326, %broadcast_in_dim3A_1219, %broadcast_in_dim3A_1223 : vector<1x1xi1>, vector<1x1xi32>
    %eq3A_1334 = arith.cmpi eq, %select_n3A_1247, %broadcast_in_dim3A_1225 : vector<1x1xi32>
    %select_n3A_1335 = arith.select %eq3A_1334, %add3A_832, %add3A_1030 : vector<1x1xi1>, vector<1x1xf32>
    %select_n3A_1336 = arith.select %eq3A_1334, %add3A_843, %add3A_1041 : vector<1x1xi1>, vector<1x1xf32>
    %select_n3A_1337 = arith.select %eq3A_1334, %add3A_854, %add3A_1052 : vector<1x1xi1>, vector<1x1xf32>
    %select_n3A_1338 = arith.select %eq3A_1334, %add3A_865, %add3A_1063 : vector<1x1xi1>, vector<1x1xf32>
    %select_n3A_1339 = arith.select %eq3A_1334, %add3A_876, %add3A_1074 : vector<1x1xi1>, vector<1x1xf32>
    %select_n3A_1340 = arith.select %eq3A_1334, %add3A_887, %add3A_1085 : vector<1x1xi1>, vector<1x1xf32>
    %select_n3A_1341 = arith.select %eq3A_1334, %broadcast_in_dim3A_1219, %broadcast_in_dim3A_1225 : vector<1x1xi1>, vector<1x1xi32>
    %eq3A_1342 = arith.cmpi eq, %select_n3A_1247, %broadcast_in_dim3A_1227 : vector<1x1xi32>
    %select_n3A_1343 = arith.select %eq3A_1342, %add3A_832, %add3A_1096 : vector<1x1xi1>, vector<1x1xf32>
    %select_n3A_1344 = arith.select %eq3A_1342, %add3A_843, %add3A_1107 : vector<1x1xi1>, vector<1x1xf32>
    %select_n3A_1345 = arith.select %eq3A_1342, %add3A_854, %add3A_1118 : vector<1x1xi1>, vector<1x1xf32>
    %select_n3A_1346 = arith.select %eq3A_1342, %add3A_865, %add3A_1129 : vector<1x1xi1>, vector<1x1xf32>
    %select_n3A_1347 = arith.select %eq3A_1342, %add3A_876, %add3A_1140 : vector<1x1xi1>, vector<1x1xf32>
    %select_n3A_1348 = arith.select %eq3A_1342, %add3A_887, %add3A_1151 : vector<1x1xi1>, vector<1x1xf32>
    %select_n3A_1349 = arith.select %eq3A_1342, %broadcast_in_dim3A_1219, %broadcast_in_dim3A_1227 : vector<1x1xi1>, vector<1x1xi32>
    %eq3A_1350 = arith.cmpi eq, %select_n3A_1247, %broadcast_in_dim3A_1229 : vector<1x1xi32>
    %select_n3A_1351 = arith.select %eq3A_1350, %add3A_832, %add3A_1162 : vector<1x1xi1>, vector<1x1xf32>
    %select_n3A_1352 = arith.select %eq3A_1350, %add3A_843, %add3A_1173 : vector<1x1xi1>, vector<1x1xf32>
    %select_n3A_1353 = arith.select %eq3A_1350, %add3A_854, %add3A_1184 : vector<1x1xi1>, vector<1x1xf32>
    %select_n3A_1354 = arith.select %eq3A_1350, %add3A_865, %add3A_1195 : vector<1x1xi1>, vector<1x1xf32>
    %select_n3A_1355 = arith.select %eq3A_1350, %add3A_876, %add3A_1206 : vector<1x1xi1>, vector<1x1xf32>
    %select_n3A_1356 = arith.select %eq3A_1350, %add3A_887, %add3A_1217 : vector<1x1xi1>, vector<1x1xf32>
    %select_n3A_1357 = arith.select %eq3A_1350, %broadcast_in_dim3A_1219, %broadcast_in_dim3A_1229 : vector<1x1xi1>, vector<1x1xi32>
    %broadcast_in_dim3A_1358 = arith.constant 0.000000e+00 : f32
    %broadcast_in_dim3A_1359 = vector.broadcast %broadcast_in_dim3A_1358 : f32 to vector<1x1xf32>
    %ne3A = arith.cmpf one, %select_n3A_1257, %broadcast_in_dim3A_1359 : vector<1x1xf32>
    %div3A_1360 = arith.divf %select_n3A_1319, %select_n3A_1257 : vector<1x1xf32>
    %select_n3A_1361 = arith.select %ne3A, %div3A_1360, %select_n3A_1319 : vector<1x1xi1>, vector<1x1xf32>
    %div3A_1362 = arith.divf %select_n3A_1327, %select_n3A_1257 : vector<1x1xf32>
    %select_n3A_1363 = arith.select %ne3A, %div3A_1362, %select_n3A_1327 : vector<1x1xi1>, vector<1x1xf32>
    %div3A_1364 = arith.divf %select_n3A_1335, %select_n3A_1257 : vector<1x1xf32>
    %select_n3A_1365 = arith.select %ne3A, %div3A_1364, %select_n3A_1335 : vector<1x1xi1>, vector<1x1xf32>
    %div3A_1366 = arith.divf %select_n3A_1343, %select_n3A_1257 : vector<1x1xf32>
    %select_n3A_1367 = arith.select %ne3A, %div3A_1366, %select_n3A_1343 : vector<1x1xi1>, vector<1x1xf32>
    %div3A_1368 = arith.divf %select_n3A_1351, %select_n3A_1257 : vector<1x1xf32>
    %select_n3A_1369 = arith.select %ne3A, %div3A_1368, %select_n3A_1351 : vector<1x1xi1>, vector<1x1xf32>
    %mul3A_1370 = arith.mulf %select_n3A_1361, %select_n3A_1267 : vector<1x1xf32>
    %sub3A = arith.subf %select_n3A_1320, %mul3A_1370 : vector<1x1xf32>
    %mul3A_1371 = arith.mulf %select_n3A_1361, %select_n3A_1277 : vector<1x1xf32>
    %sub3A_1372 = arith.subf %select_n3A_1321, %mul3A_1371 : vector<1x1xf32>
    %mul3A_1373 = arith.mulf %select_n3A_1361, %select_n3A_1287 : vector<1x1xf32>
    %sub3A_1374 = arith.subf %select_n3A_1322, %mul3A_1373 : vector<1x1xf32>
    %mul3A_1375 = arith.mulf %select_n3A_1361, %select_n3A_1297 : vector<1x1xf32>
    %sub3A_1376 = arith.subf %select_n3A_1323, %mul3A_1375 : vector<1x1xf32>
    %mul3A_1377 = arith.mulf %select_n3A_1361, %select_n3A_1307 : vector<1x1xf32>
    %sub3A_1378 = arith.subf %select_n3A_1324, %mul3A_1377 : vector<1x1xf32>
    %mul3A_1379 = arith.mulf %select_n3A_1363, %select_n3A_1267 : vector<1x1xf32>
    %sub3A_1380 = arith.subf %select_n3A_1328, %mul3A_1379 : vector<1x1xf32>
    %mul3A_1381 = arith.mulf %select_n3A_1363, %select_n3A_1277 : vector<1x1xf32>
    %sub3A_1382 = arith.subf %select_n3A_1329, %mul3A_1381 : vector<1x1xf32>
    %mul3A_1383 = arith.mulf %select_n3A_1363, %select_n3A_1287 : vector<1x1xf32>
    %sub3A_1384 = arith.subf %select_n3A_1330, %mul3A_1383 : vector<1x1xf32>
    %mul3A_1385 = arith.mulf %select_n3A_1363, %select_n3A_1297 : vector<1x1xf32>
    %sub3A_1386 = arith.subf %select_n3A_1331, %mul3A_1385 : vector<1x1xf32>
    %mul3A_1387 = arith.mulf %select_n3A_1363, %select_n3A_1307 : vector<1x1xf32>
    %sub3A_1388 = arith.subf %select_n3A_1332, %mul3A_1387 : vector<1x1xf32>
    %mul3A_1389 = arith.mulf %select_n3A_1365, %select_n3A_1267 : vector<1x1xf32>
    %sub3A_1390 = arith.subf %select_n3A_1336, %mul3A_1389 : vector<1x1xf32>
    %mul3A_1391 = arith.mulf %select_n3A_1365, %select_n3A_1277 : vector<1x1xf32>
    %sub3A_1392 = arith.subf %select_n3A_1337, %mul3A_1391 : vector<1x1xf32>
    %mul3A_1393 = arith.mulf %select_n3A_1365, %select_n3A_1287 : vector<1x1xf32>
    %sub3A_1394 = arith.subf %select_n3A_1338, %mul3A_1393 : vector<1x1xf32>
    %mul3A_1395 = arith.mulf %select_n3A_1365, %select_n3A_1297 : vector<1x1xf32>
    %sub3A_1396 = arith.subf %select_n3A_1339, %mul3A_1395 : vector<1x1xf32>
    %mul3A_1397 = arith.mulf %select_n3A_1365, %select_n3A_1307 : vector<1x1xf32>
    %sub3A_1398 = arith.subf %select_n3A_1340, %mul3A_1397 : vector<1x1xf32>
    %mul3A_1399 = arith.mulf %select_n3A_1367, %select_n3A_1267 : vector<1x1xf32>
    %sub3A_1400 = arith.subf %select_n3A_1344, %mul3A_1399 : vector<1x1xf32>
    %mul3A_1401 = arith.mulf %select_n3A_1367, %select_n3A_1277 : vector<1x1xf32>
    %sub3A_1402 = arith.subf %select_n3A_1345, %mul3A_1401 : vector<1x1xf32>
    %mul3A_1403 = arith.mulf %select_n3A_1367, %select_n3A_1287 : vector<1x1xf32>
    %sub3A_1404 = arith.subf %select_n3A_1346, %mul3A_1403 : vector<1x1xf32>
    %mul3A_1405 = arith.mulf %select_n3A_1367, %select_n3A_1297 : vector<1x1xf32>
    %sub3A_1406 = arith.subf %select_n3A_1347, %mul3A_1405 : vector<1x1xf32>
    %mul3A_1407 = arith.mulf %select_n3A_1367, %select_n3A_1307 : vector<1x1xf32>
    %sub3A_1408 = arith.subf %select_n3A_1348, %mul3A_1407 : vector<1x1xf32>
    %mul3A_1409 = arith.mulf %select_n3A_1369, %select_n3A_1267 : vector<1x1xf32>
    %sub3A_1410 = arith.subf %select_n3A_1352, %mul3A_1409 : vector<1x1xf32>
    %mul3A_1411 = arith.mulf %select_n3A_1369, %select_n3A_1277 : vector<1x1xf32>
    %sub3A_1412 = arith.subf %select_n3A_1353, %mul3A_1411 : vector<1x1xf32>
    %mul3A_1413 = arith.mulf %select_n3A_1369, %select_n3A_1287 : vector<1x1xf32>
    %sub3A_1414 = arith.subf %select_n3A_1354, %mul3A_1413 : vector<1x1xf32>
    %mul3A_1415 = arith.mulf %select_n3A_1369, %select_n3A_1297 : vector<1x1xf32>
    %sub3A_1416 = arith.subf %select_n3A_1355, %mul3A_1415 : vector<1x1xf32>
    %mul3A_1417 = arith.mulf %select_n3A_1369, %select_n3A_1307 : vector<1x1xf32>
    %sub3A_1418 = arith.subf %select_n3A_1356, %mul3A_1417 : vector<1x1xf32>
    %abs3A_1419 = math.absf %sub3A : vector<1x1xf32>
    %abs3A_1420 = math.absf %sub3A_1380 : vector<1x1xf32>
    %abs3A_1421 = math.absf %sub3A_1390 : vector<1x1xf32>
    %abs3A_1422 = math.absf %sub3A_1400 : vector<1x1xf32>
    %abs3A_1423 = math.absf %sub3A_1410 : vector<1x1xf32>
    %gt3A_1424 = arith.cmpf ogt, %abs3A_1420, %abs3A_1419 : vector<1x1xf32>
    %select_n3A_1425 = arith.select %gt3A_1424, %abs3A_1420, %abs3A_1419 : vector<1x1xi1>, vector<1x1xf32>
    %select_n3A_1426 = arith.select %gt3A_1424, %broadcast_in_dim3A_1223, %broadcast_in_dim3A_1221 : vector<1x1xi1>, vector<1x1xi32>
    %gt3A_1427 = arith.cmpf ogt, %abs3A_1421, %select_n3A_1425 : vector<1x1xf32>
    %select_n3A_1428 = arith.select %gt3A_1427, %abs3A_1421, %select_n3A_1425 : vector<1x1xi1>, vector<1x1xf32>
    %select_n3A_1429 = arith.select %gt3A_1427, %broadcast_in_dim3A_1225, %select_n3A_1426 : vector<1x1xi1>, vector<1x1xi32>
    %gt3A_1430 = arith.cmpf ogt, %abs3A_1422, %select_n3A_1428 : vector<1x1xf32>
    %select_n3A_1431 = arith.select %gt3A_1430, %abs3A_1422, %select_n3A_1428 : vector<1x1xi1>, vector<1x1xf32>
    %select_n3A_1432 = arith.select %gt3A_1430, %broadcast_in_dim3A_1227, %select_n3A_1429 : vector<1x1xi1>, vector<1x1xi32>
    %gt3A_1433 = arith.cmpf ogt, %abs3A_1423, %select_n3A_1431 : vector<1x1xf32>
    %select_n3A_1434 = arith.select %gt3A_1433, %broadcast_in_dim3A_1229, %select_n3A_1432 : vector<1x1xi1>, vector<1x1xi32>
    %eq3A_1435 = arith.cmpi eq, %select_n3A_1434, %broadcast_in_dim3A_1223 : vector<1x1xi32>
    %select_n3A_1436 = arith.select %eq3A_1435, %select_n3A_1363, %select_n3A_1361 : vector<1x1xi1>, vector<1x1xf32>
    %eq3A_1437 = arith.cmpi eq, %select_n3A_1434, %broadcast_in_dim3A_1225 : vector<1x1xi32>
    %select_n3A_1438 = arith.select %eq3A_1437, %select_n3A_1365, %select_n3A_1436 : vector<1x1xi1>, vector<1x1xf32>
    %eq3A_1439 = arith.cmpi eq, %select_n3A_1434, %broadcast_in_dim3A_1227 : vector<1x1xi32>
    %select_n3A_1440 = arith.select %eq3A_1439, %select_n3A_1367, %select_n3A_1438 : vector<1x1xi1>, vector<1x1xf32>
    %eq3A_1441 = arith.cmpi eq, %select_n3A_1434, %broadcast_in_dim3A_1229 : vector<1x1xi32>
    %select_n3A_1442 = arith.select %eq3A_1441, %select_n3A_1369, %select_n3A_1440 : vector<1x1xi1>, vector<1x1xf32>
    %eq3A_1443 = arith.cmpi eq, %select_n3A_1434, %broadcast_in_dim3A_1223 : vector<1x1xi32>
    %select_n3A_1444 = arith.select %eq3A_1443, %sub3A_1380, %sub3A : vector<1x1xi1>, vector<1x1xf32>
    %eq3A_1445 = arith.cmpi eq, %select_n3A_1434, %broadcast_in_dim3A_1225 : vector<1x1xi32>
    %select_n3A_1446 = arith.select %eq3A_1445, %sub3A_1390, %select_n3A_1444 : vector<1x1xi1>, vector<1x1xf32>
    %eq3A_1447 = arith.cmpi eq, %select_n3A_1434, %broadcast_in_dim3A_1227 : vector<1x1xi32>
    %select_n3A_1448 = arith.select %eq3A_1447, %sub3A_1400, %select_n3A_1446 : vector<1x1xi1>, vector<1x1xf32>
    %eq3A_1449 = arith.cmpi eq, %select_n3A_1434, %broadcast_in_dim3A_1229 : vector<1x1xi32>
    %select_n3A_1450 = arith.select %eq3A_1449, %sub3A_1410, %select_n3A_1448 : vector<1x1xi1>, vector<1x1xf32>
    %eq3A_1451 = arith.cmpi eq, %select_n3A_1434, %broadcast_in_dim3A_1223 : vector<1x1xi32>
    %select_n3A_1452 = arith.select %eq3A_1451, %sub3A_1382, %sub3A_1372 : vector<1x1xi1>, vector<1x1xf32>
    %eq3A_1453 = arith.cmpi eq, %select_n3A_1434, %broadcast_in_dim3A_1225 : vector<1x1xi32>
    %select_n3A_1454 = arith.select %eq3A_1453, %sub3A_1392, %select_n3A_1452 : vector<1x1xi1>, vector<1x1xf32>
    %eq3A_1455 = arith.cmpi eq, %select_n3A_1434, %broadcast_in_dim3A_1227 : vector<1x1xi32>
    %select_n3A_1456 = arith.select %eq3A_1455, %sub3A_1402, %select_n3A_1454 : vector<1x1xi1>, vector<1x1xf32>
    %eq3A_1457 = arith.cmpi eq, %select_n3A_1434, %broadcast_in_dim3A_1229 : vector<1x1xi32>
    %select_n3A_1458 = arith.select %eq3A_1457, %sub3A_1412, %select_n3A_1456 : vector<1x1xi1>, vector<1x1xf32>
    %eq3A_1459 = arith.cmpi eq, %select_n3A_1434, %broadcast_in_dim3A_1223 : vector<1x1xi32>
    %select_n3A_1460 = arith.select %eq3A_1459, %sub3A_1384, %sub3A_1374 : vector<1x1xi1>, vector<1x1xf32>
    %eq3A_1461 = arith.cmpi eq, %select_n3A_1434, %broadcast_in_dim3A_1225 : vector<1x1xi32>
    %select_n3A_1462 = arith.select %eq3A_1461, %sub3A_1394, %select_n3A_1460 : vector<1x1xi1>, vector<1x1xf32>
    %eq3A_1463 = arith.cmpi eq, %select_n3A_1434, %broadcast_in_dim3A_1227 : vector<1x1xi32>
    %select_n3A_1464 = arith.select %eq3A_1463, %sub3A_1404, %select_n3A_1462 : vector<1x1xi1>, vector<1x1xf32>
    %eq3A_1465 = arith.cmpi eq, %select_n3A_1434, %broadcast_in_dim3A_1229 : vector<1x1xi32>
    %select_n3A_1466 = arith.select %eq3A_1465, %sub3A_1414, %select_n3A_1464 : vector<1x1xi1>, vector<1x1xf32>
    %eq3A_1467 = arith.cmpi eq, %select_n3A_1434, %broadcast_in_dim3A_1223 : vector<1x1xi32>
    %select_n3A_1468 = arith.select %eq3A_1467, %sub3A_1386, %sub3A_1376 : vector<1x1xi1>, vector<1x1xf32>
    %eq3A_1469 = arith.cmpi eq, %select_n3A_1434, %broadcast_in_dim3A_1225 : vector<1x1xi32>
    %select_n3A_1470 = arith.select %eq3A_1469, %sub3A_1396, %select_n3A_1468 : vector<1x1xi1>, vector<1x1xf32>
    %eq3A_1471 = arith.cmpi eq, %select_n3A_1434, %broadcast_in_dim3A_1227 : vector<1x1xi32>
    %select_n3A_1472 = arith.select %eq3A_1471, %sub3A_1406, %select_n3A_1470 : vector<1x1xi1>, vector<1x1xf32>
    %eq3A_1473 = arith.cmpi eq, %select_n3A_1434, %broadcast_in_dim3A_1229 : vector<1x1xi32>
    %select_n3A_1474 = arith.select %eq3A_1473, %sub3A_1416, %select_n3A_1472 : vector<1x1xi1>, vector<1x1xf32>
    %eq3A_1475 = arith.cmpi eq, %select_n3A_1434, %broadcast_in_dim3A_1223 : vector<1x1xi32>
    %select_n3A_1476 = arith.select %eq3A_1475, %sub3A_1388, %sub3A_1378 : vector<1x1xi1>, vector<1x1xf32>
    %eq3A_1477 = arith.cmpi eq, %select_n3A_1434, %broadcast_in_dim3A_1225 : vector<1x1xi32>
    %select_n3A_1478 = arith.select %eq3A_1477, %sub3A_1398, %select_n3A_1476 : vector<1x1xi1>, vector<1x1xf32>
    %eq3A_1479 = arith.cmpi eq, %select_n3A_1434, %broadcast_in_dim3A_1227 : vector<1x1xi32>
    %select_n3A_1480 = arith.select %eq3A_1479, %sub3A_1408, %select_n3A_1478 : vector<1x1xi1>, vector<1x1xf32>
    %eq3A_1481 = arith.cmpi eq, %select_n3A_1434, %broadcast_in_dim3A_1229 : vector<1x1xi32>
    %select_n3A_1482 = arith.select %eq3A_1481, %sub3A_1418, %select_n3A_1480 : vector<1x1xi1>, vector<1x1xf32>
    %eq3A_1483 = arith.cmpi eq, %select_n3A_1434, %broadcast_in_dim3A_1223 : vector<1x1xi32>
    %select_n3A_1484 = arith.select %eq3A_1483, %select_n3A_1333, %select_n3A_1325 : vector<1x1xi1>, vector<1x1xi32>
    %eq3A_1485 = arith.cmpi eq, %select_n3A_1434, %broadcast_in_dim3A_1225 : vector<1x1xi32>
    %select_n3A_1486 = arith.select %eq3A_1485, %select_n3A_1341, %select_n3A_1484 : vector<1x1xi1>, vector<1x1xi32>
    %eq3A_1487 = arith.cmpi eq, %select_n3A_1434, %broadcast_in_dim3A_1227 : vector<1x1xi32>
    %select_n3A_1488 = arith.select %eq3A_1487, %select_n3A_1349, %select_n3A_1486 : vector<1x1xi1>, vector<1x1xi32>
    %eq3A_1489 = arith.cmpi eq, %select_n3A_1434, %broadcast_in_dim3A_1229 : vector<1x1xi32>
    %select_n3A_1490 = arith.select %eq3A_1489, %select_n3A_1357, %select_n3A_1488 : vector<1x1xi1>, vector<1x1xi32>
    %eq3A_1491 = arith.cmpi eq, %select_n3A_1434, %broadcast_in_dim3A_1223 : vector<1x1xi32>
    %select_n3A_1492 = arith.select %eq3A_1491, %select_n3A_1361, %select_n3A_1363 : vector<1x1xi1>, vector<1x1xf32>
    %select_n3A_1493 = arith.select %eq3A_1491, %sub3A, %sub3A_1380 : vector<1x1xi1>, vector<1x1xf32>
    %select_n3A_1494 = arith.select %eq3A_1491, %sub3A_1372, %sub3A_1382 : vector<1x1xi1>, vector<1x1xf32>
    %select_n3A_1495 = arith.select %eq3A_1491, %sub3A_1374, %sub3A_1384 : vector<1x1xi1>, vector<1x1xf32>
    %select_n3A_1496 = arith.select %eq3A_1491, %sub3A_1376, %sub3A_1386 : vector<1x1xi1>, vector<1x1xf32>
    %select_n3A_1497 = arith.select %eq3A_1491, %sub3A_1378, %sub3A_1388 : vector<1x1xi1>, vector<1x1xf32>
    %select_n3A_1498 = arith.select %eq3A_1491, %select_n3A_1325, %select_n3A_1333 : vector<1x1xi1>, vector<1x1xi32>
    %eq3A_1499 = arith.cmpi eq, %select_n3A_1434, %broadcast_in_dim3A_1225 : vector<1x1xi32>
    %select_n3A_1500 = arith.select %eq3A_1499, %select_n3A_1361, %select_n3A_1365 : vector<1x1xi1>, vector<1x1xf32>
    %select_n3A_1501 = arith.select %eq3A_1499, %sub3A, %sub3A_1390 : vector<1x1xi1>, vector<1x1xf32>
    %select_n3A_1502 = arith.select %eq3A_1499, %sub3A_1372, %sub3A_1392 : vector<1x1xi1>, vector<1x1xf32>
    %select_n3A_1503 = arith.select %eq3A_1499, %sub3A_1374, %sub3A_1394 : vector<1x1xi1>, vector<1x1xf32>
    %select_n3A_1504 = arith.select %eq3A_1499, %sub3A_1376, %sub3A_1396 : vector<1x1xi1>, vector<1x1xf32>
    %select_n3A_1505 = arith.select %eq3A_1499, %sub3A_1378, %sub3A_1398 : vector<1x1xi1>, vector<1x1xf32>
    %select_n3A_1506 = arith.select %eq3A_1499, %select_n3A_1325, %select_n3A_1341 : vector<1x1xi1>, vector<1x1xi32>
    %eq3A_1507 = arith.cmpi eq, %select_n3A_1434, %broadcast_in_dim3A_1227 : vector<1x1xi32>
    %select_n3A_1508 = arith.select %eq3A_1507, %select_n3A_1361, %select_n3A_1367 : vector<1x1xi1>, vector<1x1xf32>
    %select_n3A_1509 = arith.select %eq3A_1507, %sub3A, %sub3A_1400 : vector<1x1xi1>, vector<1x1xf32>
    %select_n3A_1510 = arith.select %eq3A_1507, %sub3A_1372, %sub3A_1402 : vector<1x1xi1>, vector<1x1xf32>
    %select_n3A_1511 = arith.select %eq3A_1507, %sub3A_1374, %sub3A_1404 : vector<1x1xi1>, vector<1x1xf32>
    %select_n3A_1512 = arith.select %eq3A_1507, %sub3A_1376, %sub3A_1406 : vector<1x1xi1>, vector<1x1xf32>
    %select_n3A_1513 = arith.select %eq3A_1507, %sub3A_1378, %sub3A_1408 : vector<1x1xi1>, vector<1x1xf32>
    %select_n3A_1514 = arith.select %eq3A_1507, %select_n3A_1325, %select_n3A_1349 : vector<1x1xi1>, vector<1x1xi32>
    %eq3A_1515 = arith.cmpi eq, %select_n3A_1434, %broadcast_in_dim3A_1229 : vector<1x1xi32>
    %select_n3A_1516 = arith.select %eq3A_1515, %select_n3A_1361, %select_n3A_1369 : vector<1x1xi1>, vector<1x1xf32>
    %select_n3A_1517 = arith.select %eq3A_1515, %sub3A, %sub3A_1410 : vector<1x1xi1>, vector<1x1xf32>
    %select_n3A_1518 = arith.select %eq3A_1515, %sub3A_1372, %sub3A_1412 : vector<1x1xi1>, vector<1x1xf32>
    %select_n3A_1519 = arith.select %eq3A_1515, %sub3A_1374, %sub3A_1414 : vector<1x1xi1>, vector<1x1xf32>
    %select_n3A_1520 = arith.select %eq3A_1515, %sub3A_1376, %sub3A_1416 : vector<1x1xi1>, vector<1x1xf32>
    %select_n3A_1521 = arith.select %eq3A_1515, %sub3A_1378, %sub3A_1418 : vector<1x1xi1>, vector<1x1xf32>
    %select_n3A_1522 = arith.select %eq3A_1515, %select_n3A_1325, %select_n3A_1357 : vector<1x1xi1>, vector<1x1xi32>
    %broadcast_in_dim3A_1523 = arith.constant 0.000000e+00 : f32
    %broadcast_in_dim3A_1524 = vector.broadcast %broadcast_in_dim3A_1523 : f32 to vector<1x1xf32>
    %ne3A_1525 = arith.cmpf one, %select_n3A_1450, %broadcast_in_dim3A_1524 : vector<1x1xf32>
    %div3A_1526 = arith.divf %select_n3A_1493, %select_n3A_1450 : vector<1x1xf32>
    %select_n3A_1527 = arith.select %ne3A_1525, %div3A_1526, %select_n3A_1493 : vector<1x1xi1>, vector<1x1xf32>
    %div3A_1528 = arith.divf %select_n3A_1501, %select_n3A_1450 : vector<1x1xf32>
    %select_n3A_1529 = arith.select %ne3A_1525, %div3A_1528, %select_n3A_1501 : vector<1x1xi1>, vector<1x1xf32>
    %div3A_1530 = arith.divf %select_n3A_1509, %select_n3A_1450 : vector<1x1xf32>
    %select_n3A_1531 = arith.select %ne3A_1525, %div3A_1530, %select_n3A_1509 : vector<1x1xi1>, vector<1x1xf32>
    %div3A_1532 = arith.divf %select_n3A_1517, %select_n3A_1450 : vector<1x1xf32>
    %select_n3A_1533 = arith.select %ne3A_1525, %div3A_1532, %select_n3A_1517 : vector<1x1xi1>, vector<1x1xf32>
    %mul3A_1534 = arith.mulf %select_n3A_1527, %select_n3A_1458 : vector<1x1xf32>
    %sub3A_1535 = arith.subf %select_n3A_1494, %mul3A_1534 : vector<1x1xf32>
    %mul3A_1536 = arith.mulf %select_n3A_1527, %select_n3A_1466 : vector<1x1xf32>
    %sub3A_1537 = arith.subf %select_n3A_1495, %mul3A_1536 : vector<1x1xf32>
    %mul3A_1538 = arith.mulf %select_n3A_1527, %select_n3A_1474 : vector<1x1xf32>
    %sub3A_1539 = arith.subf %select_n3A_1496, %mul3A_1538 : vector<1x1xf32>
    %mul3A_1540 = arith.mulf %select_n3A_1527, %select_n3A_1482 : vector<1x1xf32>
    %sub3A_1541 = arith.subf %select_n3A_1497, %mul3A_1540 : vector<1x1xf32>
    %mul3A_1542 = arith.mulf %select_n3A_1529, %select_n3A_1458 : vector<1x1xf32>
    %sub3A_1543 = arith.subf %select_n3A_1502, %mul3A_1542 : vector<1x1xf32>
    %mul3A_1544 = arith.mulf %select_n3A_1529, %select_n3A_1466 : vector<1x1xf32>
    %sub3A_1545 = arith.subf %select_n3A_1503, %mul3A_1544 : vector<1x1xf32>
    %mul3A_1546 = arith.mulf %select_n3A_1529, %select_n3A_1474 : vector<1x1xf32>
    %sub3A_1547 = arith.subf %select_n3A_1504, %mul3A_1546 : vector<1x1xf32>
    %mul3A_1548 = arith.mulf %select_n3A_1529, %select_n3A_1482 : vector<1x1xf32>
    %sub3A_1549 = arith.subf %select_n3A_1505, %mul3A_1548 : vector<1x1xf32>
    %mul3A_1550 = arith.mulf %select_n3A_1531, %select_n3A_1458 : vector<1x1xf32>
    %sub3A_1551 = arith.subf %select_n3A_1510, %mul3A_1550 : vector<1x1xf32>
    %mul3A_1552 = arith.mulf %select_n3A_1531, %select_n3A_1466 : vector<1x1xf32>
    %sub3A_1553 = arith.subf %select_n3A_1511, %mul3A_1552 : vector<1x1xf32>
    %mul3A_1554 = arith.mulf %select_n3A_1531, %select_n3A_1474 : vector<1x1xf32>
    %sub3A_1555 = arith.subf %select_n3A_1512, %mul3A_1554 : vector<1x1xf32>
    %mul3A_1556 = arith.mulf %select_n3A_1531, %select_n3A_1482 : vector<1x1xf32>
    %sub3A_1557 = arith.subf %select_n3A_1513, %mul3A_1556 : vector<1x1xf32>
    %mul3A_1558 = arith.mulf %select_n3A_1533, %select_n3A_1458 : vector<1x1xf32>
    %sub3A_1559 = arith.subf %select_n3A_1518, %mul3A_1558 : vector<1x1xf32>
    %mul3A_1560 = arith.mulf %select_n3A_1533, %select_n3A_1466 : vector<1x1xf32>
    %sub3A_1561 = arith.subf %select_n3A_1519, %mul3A_1560 : vector<1x1xf32>
    %mul3A_1562 = arith.mulf %select_n3A_1533, %select_n3A_1474 : vector<1x1xf32>
    %sub3A_1563 = arith.subf %select_n3A_1520, %mul3A_1562 : vector<1x1xf32>
    %mul3A_1564 = arith.mulf %select_n3A_1533, %select_n3A_1482 : vector<1x1xf32>
    %sub3A_1565 = arith.subf %select_n3A_1521, %mul3A_1564 : vector<1x1xf32>
    %abs3A_1566 = math.absf %sub3A_1535 : vector<1x1xf32>
    %abs3A_1567 = math.absf %sub3A_1543 : vector<1x1xf32>
    %abs3A_1568 = math.absf %sub3A_1551 : vector<1x1xf32>
    %abs3A_1569 = math.absf %sub3A_1559 : vector<1x1xf32>
    %gt3A_1570 = arith.cmpf ogt, %abs3A_1567, %abs3A_1566 : vector<1x1xf32>
    %select_n3A_1571 = arith.select %gt3A_1570, %abs3A_1567, %abs3A_1566 : vector<1x1xi1>, vector<1x1xf32>
    %select_n3A_1572 = arith.select %gt3A_1570, %broadcast_in_dim3A_1225, %broadcast_in_dim3A_1223 : vector<1x1xi1>, vector<1x1xi32>
    %gt3A_1573 = arith.cmpf ogt, %abs3A_1568, %select_n3A_1571 : vector<1x1xf32>
    %select_n3A_1574 = arith.select %gt3A_1573, %abs3A_1568, %select_n3A_1571 : vector<1x1xi1>, vector<1x1xf32>
    %select_n3A_1575 = arith.select %gt3A_1573, %broadcast_in_dim3A_1227, %select_n3A_1572 : vector<1x1xi1>, vector<1x1xi32>
    %gt3A_1576 = arith.cmpf ogt, %abs3A_1569, %select_n3A_1574 : vector<1x1xf32>
    %select_n3A_1577 = arith.select %gt3A_1576, %broadcast_in_dim3A_1229, %select_n3A_1575 : vector<1x1xi1>, vector<1x1xi32>
    %eq3A_1578 = arith.cmpi eq, %select_n3A_1577, %broadcast_in_dim3A_1225 : vector<1x1xi32>
    %select_n3A_1579 = arith.select %eq3A_1578, %select_n3A_1500, %select_n3A_1492 : vector<1x1xi1>, vector<1x1xf32>
    %eq3A_1580 = arith.cmpi eq, %select_n3A_1577, %broadcast_in_dim3A_1227 : vector<1x1xi32>
    %select_n3A_1581 = arith.select %eq3A_1580, %select_n3A_1508, %select_n3A_1579 : vector<1x1xi1>, vector<1x1xf32>
    %eq3A_1582 = arith.cmpi eq, %select_n3A_1577, %broadcast_in_dim3A_1229 : vector<1x1xi32>
    %select_n3A_1583 = arith.select %eq3A_1582, %select_n3A_1516, %select_n3A_1581 : vector<1x1xi1>, vector<1x1xf32>
    %eq3A_1584 = arith.cmpi eq, %select_n3A_1577, %broadcast_in_dim3A_1225 : vector<1x1xi32>
    %select_n3A_1585 = arith.select %eq3A_1584, %select_n3A_1529, %select_n3A_1527 : vector<1x1xi1>, vector<1x1xf32>
    %eq3A_1586 = arith.cmpi eq, %select_n3A_1577, %broadcast_in_dim3A_1227 : vector<1x1xi32>
    %select_n3A_1587 = arith.select %eq3A_1586, %select_n3A_1531, %select_n3A_1585 : vector<1x1xi1>, vector<1x1xf32>
    %eq3A_1588 = arith.cmpi eq, %select_n3A_1577, %broadcast_in_dim3A_1229 : vector<1x1xi32>
    %select_n3A_1589 = arith.select %eq3A_1588, %select_n3A_1533, %select_n3A_1587 : vector<1x1xi1>, vector<1x1xf32>
    %eq3A_1590 = arith.cmpi eq, %select_n3A_1577, %broadcast_in_dim3A_1225 : vector<1x1xi32>
    %select_n3A_1591 = arith.select %eq3A_1590, %sub3A_1543, %sub3A_1535 : vector<1x1xi1>, vector<1x1xf32>
    %eq3A_1592 = arith.cmpi eq, %select_n3A_1577, %broadcast_in_dim3A_1227 : vector<1x1xi32>
    %select_n3A_1593 = arith.select %eq3A_1592, %sub3A_1551, %select_n3A_1591 : vector<1x1xi1>, vector<1x1xf32>
    %eq3A_1594 = arith.cmpi eq, %select_n3A_1577, %broadcast_in_dim3A_1229 : vector<1x1xi32>
    %select_n3A_1595 = arith.select %eq3A_1594, %sub3A_1559, %select_n3A_1593 : vector<1x1xi1>, vector<1x1xf32>
    %eq3A_1596 = arith.cmpi eq, %select_n3A_1577, %broadcast_in_dim3A_1225 : vector<1x1xi32>
    %select_n3A_1597 = arith.select %eq3A_1596, %sub3A_1545, %sub3A_1537 : vector<1x1xi1>, vector<1x1xf32>
    %eq3A_1598 = arith.cmpi eq, %select_n3A_1577, %broadcast_in_dim3A_1227 : vector<1x1xi32>
    %select_n3A_1599 = arith.select %eq3A_1598, %sub3A_1553, %select_n3A_1597 : vector<1x1xi1>, vector<1x1xf32>
    %eq3A_1600 = arith.cmpi eq, %select_n3A_1577, %broadcast_in_dim3A_1229 : vector<1x1xi32>
    %select_n3A_1601 = arith.select %eq3A_1600, %sub3A_1561, %select_n3A_1599 : vector<1x1xi1>, vector<1x1xf32>
    %eq3A_1602 = arith.cmpi eq, %select_n3A_1577, %broadcast_in_dim3A_1225 : vector<1x1xi32>
    %select_n3A_1603 = arith.select %eq3A_1602, %sub3A_1547, %sub3A_1539 : vector<1x1xi1>, vector<1x1xf32>
    %eq3A_1604 = arith.cmpi eq, %select_n3A_1577, %broadcast_in_dim3A_1227 : vector<1x1xi32>
    %select_n3A_1605 = arith.select %eq3A_1604, %sub3A_1555, %select_n3A_1603 : vector<1x1xi1>, vector<1x1xf32>
    %eq3A_1606 = arith.cmpi eq, %select_n3A_1577, %broadcast_in_dim3A_1229 : vector<1x1xi32>
    %select_n3A_1607 = arith.select %eq3A_1606, %sub3A_1563, %select_n3A_1605 : vector<1x1xi1>, vector<1x1xf32>
    %eq3A_1608 = arith.cmpi eq, %select_n3A_1577, %broadcast_in_dim3A_1225 : vector<1x1xi32>
    %select_n3A_1609 = arith.select %eq3A_1608, %sub3A_1549, %sub3A_1541 : vector<1x1xi1>, vector<1x1xf32>
    %eq3A_1610 = arith.cmpi eq, %select_n3A_1577, %broadcast_in_dim3A_1227 : vector<1x1xi32>
    %select_n3A_1611 = arith.select %eq3A_1610, %sub3A_1557, %select_n3A_1609 : vector<1x1xi1>, vector<1x1xf32>
    %eq3A_1612 = arith.cmpi eq, %select_n3A_1577, %broadcast_in_dim3A_1229 : vector<1x1xi32>
    %select_n3A_1613 = arith.select %eq3A_1612, %sub3A_1565, %select_n3A_1611 : vector<1x1xi1>, vector<1x1xf32>
    %eq3A_1614 = arith.cmpi eq, %select_n3A_1577, %broadcast_in_dim3A_1225 : vector<1x1xi32>
    %select_n3A_1615 = arith.select %eq3A_1614, %select_n3A_1506, %select_n3A_1498 : vector<1x1xi1>, vector<1x1xi32>
    %eq3A_1616 = arith.cmpi eq, %select_n3A_1577, %broadcast_in_dim3A_1227 : vector<1x1xi32>
    %select_n3A_1617 = arith.select %eq3A_1616, %select_n3A_1514, %select_n3A_1615 : vector<1x1xi1>, vector<1x1xi32>
    %eq3A_1618 = arith.cmpi eq, %select_n3A_1577, %broadcast_in_dim3A_1229 : vector<1x1xi32>
    %select_n3A_1619 = arith.select %eq3A_1618, %select_n3A_1522, %select_n3A_1617 : vector<1x1xi1>, vector<1x1xi32>
    %eq3A_1620 = arith.cmpi eq, %select_n3A_1577, %broadcast_in_dim3A_1225 : vector<1x1xi32>
    %select_n3A_1621 = arith.select %eq3A_1620, %select_n3A_1492, %select_n3A_1500 : vector<1x1xi1>, vector<1x1xf32>
    %select_n3A_1622 = arith.select %eq3A_1620, %select_n3A_1527, %select_n3A_1529 : vector<1x1xi1>, vector<1x1xf32>
    %select_n3A_1623 = arith.select %eq3A_1620, %sub3A_1535, %sub3A_1543 : vector<1x1xi1>, vector<1x1xf32>
    %select_n3A_1624 = arith.select %eq3A_1620, %sub3A_1537, %sub3A_1545 : vector<1x1xi1>, vector<1x1xf32>
    %select_n3A_1625 = arith.select %eq3A_1620, %sub3A_1539, %sub3A_1547 : vector<1x1xi1>, vector<1x1xf32>
    %select_n3A_1626 = arith.select %eq3A_1620, %sub3A_1541, %sub3A_1549 : vector<1x1xi1>, vector<1x1xf32>
    %select_n3A_1627 = arith.select %eq3A_1620, %select_n3A_1498, %select_n3A_1506 : vector<1x1xi1>, vector<1x1xi32>
    %eq3A_1628 = arith.cmpi eq, %select_n3A_1577, %broadcast_in_dim3A_1227 : vector<1x1xi32>
    %select_n3A_1629 = arith.select %eq3A_1628, %select_n3A_1492, %select_n3A_1508 : vector<1x1xi1>, vector<1x1xf32>
    %select_n3A_1630 = arith.select %eq3A_1628, %select_n3A_1527, %select_n3A_1531 : vector<1x1xi1>, vector<1x1xf32>
    %select_n3A_1631 = arith.select %eq3A_1628, %sub3A_1535, %sub3A_1551 : vector<1x1xi1>, vector<1x1xf32>
    %select_n3A_1632 = arith.select %eq3A_1628, %sub3A_1537, %sub3A_1553 : vector<1x1xi1>, vector<1x1xf32>
    %select_n3A_1633 = arith.select %eq3A_1628, %sub3A_1539, %sub3A_1555 : vector<1x1xi1>, vector<1x1xf32>
    %select_n3A_1634 = arith.select %eq3A_1628, %sub3A_1541, %sub3A_1557 : vector<1x1xi1>, vector<1x1xf32>
    %select_n3A_1635 = arith.select %eq3A_1628, %select_n3A_1498, %select_n3A_1514 : vector<1x1xi1>, vector<1x1xi32>
    %eq3A_1636 = arith.cmpi eq, %select_n3A_1577, %broadcast_in_dim3A_1229 : vector<1x1xi32>
    %select_n3A_1637 = arith.select %eq3A_1636, %select_n3A_1492, %select_n3A_1516 : vector<1x1xi1>, vector<1x1xf32>
    %select_n3A_1638 = arith.select %eq3A_1636, %select_n3A_1527, %select_n3A_1533 : vector<1x1xi1>, vector<1x1xf32>
    %select_n3A_1639 = arith.select %eq3A_1636, %sub3A_1535, %sub3A_1559 : vector<1x1xi1>, vector<1x1xf32>
    %select_n3A_1640 = arith.select %eq3A_1636, %sub3A_1537, %sub3A_1561 : vector<1x1xi1>, vector<1x1xf32>
    %select_n3A_1641 = arith.select %eq3A_1636, %sub3A_1539, %sub3A_1563 : vector<1x1xi1>, vector<1x1xf32>
    %select_n3A_1642 = arith.select %eq3A_1636, %sub3A_1541, %sub3A_1565 : vector<1x1xi1>, vector<1x1xf32>
    %select_n3A_1643 = arith.select %eq3A_1636, %select_n3A_1498, %select_n3A_1522 : vector<1x1xi1>, vector<1x1xi32>
    %broadcast_in_dim3A_1644 = arith.constant 0.000000e+00 : f32
    %broadcast_in_dim3A_1645 = vector.broadcast %broadcast_in_dim3A_1644 : f32 to vector<1x1xf32>
    %ne3A_1646 = arith.cmpf one, %select_n3A_1595, %broadcast_in_dim3A_1645 : vector<1x1xf32>
    %div3A_1647 = arith.divf %select_n3A_1623, %select_n3A_1595 : vector<1x1xf32>
    %select_n3A_1648 = arith.select %ne3A_1646, %div3A_1647, %select_n3A_1623 : vector<1x1xi1>, vector<1x1xf32>
    %div3A_1649 = arith.divf %select_n3A_1631, %select_n3A_1595 : vector<1x1xf32>
    %select_n3A_1650 = arith.select %ne3A_1646, %div3A_1649, %select_n3A_1631 : vector<1x1xi1>, vector<1x1xf32>
    %div3A_1651 = arith.divf %select_n3A_1639, %select_n3A_1595 : vector<1x1xf32>
    %select_n3A_1652 = arith.select %ne3A_1646, %div3A_1651, %select_n3A_1639 : vector<1x1xi1>, vector<1x1xf32>
    %mul3A_1653 = arith.mulf %select_n3A_1648, %select_n3A_1601 : vector<1x1xf32>
    %sub3A_1654 = arith.subf %select_n3A_1624, %mul3A_1653 : vector<1x1xf32>
    %mul3A_1655 = arith.mulf %select_n3A_1648, %select_n3A_1607 : vector<1x1xf32>
    %sub3A_1656 = arith.subf %select_n3A_1625, %mul3A_1655 : vector<1x1xf32>
    %mul3A_1657 = arith.mulf %select_n3A_1648, %select_n3A_1613 : vector<1x1xf32>
    %sub3A_1658 = arith.subf %select_n3A_1626, %mul3A_1657 : vector<1x1xf32>
    %mul3A_1659 = arith.mulf %select_n3A_1650, %select_n3A_1601 : vector<1x1xf32>
    %sub3A_1660 = arith.subf %select_n3A_1632, %mul3A_1659 : vector<1x1xf32>
    %mul3A_1661 = arith.mulf %select_n3A_1650, %select_n3A_1607 : vector<1x1xf32>
    %sub3A_1662 = arith.subf %select_n3A_1633, %mul3A_1661 : vector<1x1xf32>
    %mul3A_1663 = arith.mulf %select_n3A_1650, %select_n3A_1613 : vector<1x1xf32>
    %sub3A_1664 = arith.subf %select_n3A_1634, %mul3A_1663 : vector<1x1xf32>
    %mul3A_1665 = arith.mulf %select_n3A_1652, %select_n3A_1601 : vector<1x1xf32>
    %sub3A_1666 = arith.subf %select_n3A_1640, %mul3A_1665 : vector<1x1xf32>
    %mul3A_1667 = arith.mulf %select_n3A_1652, %select_n3A_1607 : vector<1x1xf32>
    %sub3A_1668 = arith.subf %select_n3A_1641, %mul3A_1667 : vector<1x1xf32>
    %mul3A_1669 = arith.mulf %select_n3A_1652, %select_n3A_1613 : vector<1x1xf32>
    %sub3A_1670 = arith.subf %select_n3A_1642, %mul3A_1669 : vector<1x1xf32>
    %abs3A_1671 = math.absf %sub3A_1654 : vector<1x1xf32>
    %abs3A_1672 = math.absf %sub3A_1660 : vector<1x1xf32>
    %abs3A_1673 = math.absf %sub3A_1666 : vector<1x1xf32>
    %gt3A_1674 = arith.cmpf ogt, %abs3A_1672, %abs3A_1671 : vector<1x1xf32>
    %select_n3A_1675 = arith.select %gt3A_1674, %abs3A_1672, %abs3A_1671 : vector<1x1xi1>, vector<1x1xf32>
    %select_n3A_1676 = arith.select %gt3A_1674, %broadcast_in_dim3A_1227, %broadcast_in_dim3A_1225 : vector<1x1xi1>, vector<1x1xi32>
    %gt3A_1677 = arith.cmpf ogt, %abs3A_1673, %select_n3A_1675 : vector<1x1xf32>
    %select_n3A_1678 = arith.select %gt3A_1677, %broadcast_in_dim3A_1229, %select_n3A_1676 : vector<1x1xi1>, vector<1x1xi32>
    %eq3A_1679 = arith.cmpi eq, %select_n3A_1678, %broadcast_in_dim3A_1227 : vector<1x1xi32>
    %select_n3A_1680 = arith.select %eq3A_1679, %select_n3A_1629, %select_n3A_1621 : vector<1x1xi1>, vector<1x1xf32>
    %eq3A_1681 = arith.cmpi eq, %select_n3A_1678, %broadcast_in_dim3A_1229 : vector<1x1xi32>
    %select_n3A_1682 = arith.select %eq3A_1681, %select_n3A_1637, %select_n3A_1680 : vector<1x1xi1>, vector<1x1xf32>
    %eq3A_1683 = arith.cmpi eq, %select_n3A_1678, %broadcast_in_dim3A_1227 : vector<1x1xi32>
    %select_n3A_1684 = arith.select %eq3A_1683, %select_n3A_1630, %select_n3A_1622 : vector<1x1xi1>, vector<1x1xf32>
    %eq3A_1685 = arith.cmpi eq, %select_n3A_1678, %broadcast_in_dim3A_1229 : vector<1x1xi32>
    %select_n3A_1686 = arith.select %eq3A_1685, %select_n3A_1638, %select_n3A_1684 : vector<1x1xi1>, vector<1x1xf32>
    %eq3A_1687 = arith.cmpi eq, %select_n3A_1678, %broadcast_in_dim3A_1227 : vector<1x1xi32>
    %select_n3A_1688 = arith.select %eq3A_1687, %select_n3A_1650, %select_n3A_1648 : vector<1x1xi1>, vector<1x1xf32>
    %eq3A_1689 = arith.cmpi eq, %select_n3A_1678, %broadcast_in_dim3A_1229 : vector<1x1xi32>
    %select_n3A_1690 = arith.select %eq3A_1689, %select_n3A_1652, %select_n3A_1688 : vector<1x1xi1>, vector<1x1xf32>
    %eq3A_1691 = arith.cmpi eq, %select_n3A_1678, %broadcast_in_dim3A_1227 : vector<1x1xi32>
    %select_n3A_1692 = arith.select %eq3A_1691, %sub3A_1660, %sub3A_1654 : vector<1x1xi1>, vector<1x1xf32>
    %eq3A_1693 = arith.cmpi eq, %select_n3A_1678, %broadcast_in_dim3A_1229 : vector<1x1xi32>
    %select_n3A_1694 = arith.select %eq3A_1693, %sub3A_1666, %select_n3A_1692 : vector<1x1xi1>, vector<1x1xf32>
    %eq3A_1695 = arith.cmpi eq, %select_n3A_1678, %broadcast_in_dim3A_1227 : vector<1x1xi32>
    %select_n3A_1696 = arith.select %eq3A_1695, %sub3A_1662, %sub3A_1656 : vector<1x1xi1>, vector<1x1xf32>
    %eq3A_1697 = arith.cmpi eq, %select_n3A_1678, %broadcast_in_dim3A_1229 : vector<1x1xi32>
    %select_n3A_1698 = arith.select %eq3A_1697, %sub3A_1668, %select_n3A_1696 : vector<1x1xi1>, vector<1x1xf32>
    %eq3A_1699 = arith.cmpi eq, %select_n3A_1678, %broadcast_in_dim3A_1227 : vector<1x1xi32>
    %select_n3A_1700 = arith.select %eq3A_1699, %sub3A_1664, %sub3A_1658 : vector<1x1xi1>, vector<1x1xf32>
    %eq3A_1701 = arith.cmpi eq, %select_n3A_1678, %broadcast_in_dim3A_1229 : vector<1x1xi32>
    %select_n3A_1702 = arith.select %eq3A_1701, %sub3A_1670, %select_n3A_1700 : vector<1x1xi1>, vector<1x1xf32>
    %eq3A_1703 = arith.cmpi eq, %select_n3A_1678, %broadcast_in_dim3A_1227 : vector<1x1xi32>
    %select_n3A_1704 = arith.select %eq3A_1703, %select_n3A_1635, %select_n3A_1627 : vector<1x1xi1>, vector<1x1xi32>
    %eq3A_1705 = arith.cmpi eq, %select_n3A_1678, %broadcast_in_dim3A_1229 : vector<1x1xi32>
    %select_n3A_1706 = arith.select %eq3A_1705, %select_n3A_1643, %select_n3A_1704 : vector<1x1xi1>, vector<1x1xi32>
    %eq3A_1707 = arith.cmpi eq, %select_n3A_1678, %broadcast_in_dim3A_1227 : vector<1x1xi32>
    %select_n3A_1708 = arith.select %eq3A_1707, %select_n3A_1621, %select_n3A_1629 : vector<1x1xi1>, vector<1x1xf32>
    %select_n3A_1709 = arith.select %eq3A_1707, %select_n3A_1622, %select_n3A_1630 : vector<1x1xi1>, vector<1x1xf32>
    %select_n3A_1710 = arith.select %eq3A_1707, %select_n3A_1648, %select_n3A_1650 : vector<1x1xi1>, vector<1x1xf32>
    %select_n3A_1711 = arith.select %eq3A_1707, %sub3A_1654, %sub3A_1660 : vector<1x1xi1>, vector<1x1xf32>
    %select_n3A_1712 = arith.select %eq3A_1707, %sub3A_1656, %sub3A_1662 : vector<1x1xi1>, vector<1x1xf32>
    %select_n3A_1713 = arith.select %eq3A_1707, %sub3A_1658, %sub3A_1664 : vector<1x1xi1>, vector<1x1xf32>
    %select_n3A_1714 = arith.select %eq3A_1707, %select_n3A_1627, %select_n3A_1635 : vector<1x1xi1>, vector<1x1xi32>
    %eq3A_1715 = arith.cmpi eq, %select_n3A_1678, %broadcast_in_dim3A_1229 : vector<1x1xi32>
    %select_n3A_1716 = arith.select %eq3A_1715, %select_n3A_1621, %select_n3A_1637 : vector<1x1xi1>, vector<1x1xf32>
    %select_n3A_1717 = arith.select %eq3A_1715, %select_n3A_1622, %select_n3A_1638 : vector<1x1xi1>, vector<1x1xf32>
    %select_n3A_1718 = arith.select %eq3A_1715, %select_n3A_1648, %select_n3A_1652 : vector<1x1xi1>, vector<1x1xf32>
    %select_n3A_1719 = arith.select %eq3A_1715, %sub3A_1654, %sub3A_1666 : vector<1x1xi1>, vector<1x1xf32>
    %select_n3A_1720 = arith.select %eq3A_1715, %sub3A_1656, %sub3A_1668 : vector<1x1xi1>, vector<1x1xf32>
    %select_n3A_1721 = arith.select %eq3A_1715, %sub3A_1658, %sub3A_1670 : vector<1x1xi1>, vector<1x1xf32>
    %select_n3A_1722 = arith.select %eq3A_1715, %select_n3A_1627, %select_n3A_1643 : vector<1x1xi1>, vector<1x1xi32>
    %broadcast_in_dim3A_1723 = arith.constant 0.000000e+00 : f32
    %broadcast_in_dim3A_1724 = vector.broadcast %broadcast_in_dim3A_1723 : f32 to vector<1x1xf32>
    %ne3A_1725 = arith.cmpf one, %select_n3A_1694, %broadcast_in_dim3A_1724 : vector<1x1xf32>
    %div3A_1726 = arith.divf %select_n3A_1711, %select_n3A_1694 : vector<1x1xf32>
    %select_n3A_1727 = arith.select %ne3A_1725, %div3A_1726, %select_n3A_1711 : vector<1x1xi1>, vector<1x1xf32>
    %div3A_1728 = arith.divf %select_n3A_1719, %select_n3A_1694 : vector<1x1xf32>
    %select_n3A_1729 = arith.select %ne3A_1725, %div3A_1728, %select_n3A_1719 : vector<1x1xi1>, vector<1x1xf32>
    %mul3A_1730 = arith.mulf %select_n3A_1727, %select_n3A_1698 : vector<1x1xf32>
    %sub3A_1731 = arith.subf %select_n3A_1712, %mul3A_1730 : vector<1x1xf32>
    %mul3A_1732 = arith.mulf %select_n3A_1727, %select_n3A_1702 : vector<1x1xf32>
    %sub3A_1733 = arith.subf %select_n3A_1713, %mul3A_1732 : vector<1x1xf32>
    %mul3A_1734 = arith.mulf %select_n3A_1729, %select_n3A_1698 : vector<1x1xf32>
    %sub3A_1735 = arith.subf %select_n3A_1720, %mul3A_1734 : vector<1x1xf32>
    %mul3A_1736 = arith.mulf %select_n3A_1729, %select_n3A_1702 : vector<1x1xf32>
    %sub3A_1737 = arith.subf %select_n3A_1721, %mul3A_1736 : vector<1x1xf32>
    %abs3A_1738 = math.absf %sub3A_1731 : vector<1x1xf32>
    %abs3A_1739 = math.absf %sub3A_1735 : vector<1x1xf32>
    %gt3A_1740 = arith.cmpf ogt, %abs3A_1739, %abs3A_1738 : vector<1x1xf32>
    %select_n3A_1741 = arith.select %gt3A_1740, %broadcast_in_dim3A_1229, %broadcast_in_dim3A_1227 : vector<1x1xi1>, vector<1x1xi32>
    %eq3A_1742 = arith.cmpi eq, %select_n3A_1741, %broadcast_in_dim3A_1229 : vector<1x1xi32>
    %select_n3A_1743 = arith.select %eq3A_1742, %select_n3A_1716, %select_n3A_1708 : vector<1x1xi1>, vector<1x1xf32>
    %eq3A_1744 = arith.cmpi eq, %select_n3A_1741, %broadcast_in_dim3A_1229 : vector<1x1xi32>
    %select_n3A_1745 = arith.select %eq3A_1744, %select_n3A_1717, %select_n3A_1709 : vector<1x1xi1>, vector<1x1xf32>
    %eq3A_1746 = arith.cmpi eq, %select_n3A_1741, %broadcast_in_dim3A_1229 : vector<1x1xi32>
    %select_n3A_1747 = arith.select %eq3A_1746, %select_n3A_1718, %select_n3A_1710 : vector<1x1xi1>, vector<1x1xf32>
    %eq3A_1748 = arith.cmpi eq, %select_n3A_1741, %broadcast_in_dim3A_1229 : vector<1x1xi32>
    %select_n3A_1749 = arith.select %eq3A_1748, %select_n3A_1729, %select_n3A_1727 : vector<1x1xi1>, vector<1x1xf32>
    %eq3A_1750 = arith.cmpi eq, %select_n3A_1741, %broadcast_in_dim3A_1229 : vector<1x1xi32>
    %select_n3A_1751 = arith.select %eq3A_1750, %sub3A_1735, %sub3A_1731 : vector<1x1xi1>, vector<1x1xf32>
    %eq3A_1752 = arith.cmpi eq, %select_n3A_1741, %broadcast_in_dim3A_1229 : vector<1x1xi32>
    %select_n3A_1753 = arith.select %eq3A_1752, %sub3A_1737, %sub3A_1733 : vector<1x1xi1>, vector<1x1xf32>
    %eq3A_1754 = arith.cmpi eq, %select_n3A_1741, %broadcast_in_dim3A_1229 : vector<1x1xi32>
    %select_n3A_1755 = arith.select %eq3A_1754, %select_n3A_1722, %select_n3A_1714 : vector<1x1xi1>, vector<1x1xi32>
    %eq3A_1756 = arith.cmpi eq, %select_n3A_1741, %broadcast_in_dim3A_1229 : vector<1x1xi32>
    %select_n3A_1757 = arith.select %eq3A_1756, %select_n3A_1708, %select_n3A_1716 : vector<1x1xi1>, vector<1x1xf32>
    %select_n3A_1758 = arith.select %eq3A_1756, %select_n3A_1709, %select_n3A_1717 : vector<1x1xi1>, vector<1x1xf32>
    %select_n3A_1759 = arith.select %eq3A_1756, %select_n3A_1710, %select_n3A_1718 : vector<1x1xi1>, vector<1x1xf32>
    %select_n3A_1760 = arith.select %eq3A_1756, %select_n3A_1727, %select_n3A_1729 : vector<1x1xi1>, vector<1x1xf32>
    %select_n3A_1761 = arith.select %eq3A_1756, %sub3A_1731, %sub3A_1735 : vector<1x1xi1>, vector<1x1xf32>
    %select_n3A_1762 = arith.select %eq3A_1756, %sub3A_1733, %sub3A_1737 : vector<1x1xi1>, vector<1x1xf32>
    %select_n3A_1763 = arith.select %eq3A_1756, %select_n3A_1714, %select_n3A_1722 : vector<1x1xi1>, vector<1x1xi32>
    %broadcast_in_dim3A_1764 = arith.constant 0.000000e+00 : f32
    %broadcast_in_dim3A_1765 = vector.broadcast %broadcast_in_dim3A_1764 : f32 to vector<1x1xf32>
    %ne3A_1766 = arith.cmpf one, %select_n3A_1751, %broadcast_in_dim3A_1765 : vector<1x1xf32>
    %div3A_1767 = arith.divf %select_n3A_1761, %select_n3A_1751 : vector<1x1xf32>
    %select_n3A_1768 = arith.select %ne3A_1766, %div3A_1767, %select_n3A_1761 : vector<1x1xi1>, vector<1x1xf32>
    %mul3A_1769 = arith.mulf %select_n3A_1768, %select_n3A_1753 : vector<1x1xf32>
    %sub3A_1770 = arith.subf %select_n3A_1762, %mul3A_1769 : vector<1x1xf32>
    %broadcast_in_dim3A_1771 = arith.constant 0.000000e+00 : f32
    %broadcast_in_dim3A_1772 = vector.broadcast %broadcast_in_dim3A_1771 : f32 to vector<1x1xf32>
    %eq3A_1773 = arith.cmpi eq, %select_n3A_1317, %broadcast_in_dim3A_1219 : vector<1x1xi32>
    %select_n3A_1774 = arith.select %eq3A_1773, %broadcast_in_dim3A_4, %broadcast_in_dim3A_1772 : vector<1x1xi1>, vector<1x1xf32>
    %eq3A_1775 = arith.cmpi eq, %select_n3A_1317, %broadcast_in_dim3A_1221 : vector<1x1xi32>
    %select_n3A_1776 = arith.select %eq3A_1775, %broadcast_in_dim3A_4, %broadcast_in_dim3A_1772 : vector<1x1xi1>, vector<1x1xf32>
    %eq3A_1777 = arith.cmpi eq, %select_n3A_1317, %broadcast_in_dim3A_1223 : vector<1x1xi32>
    %select_n3A_1778 = arith.select %eq3A_1777, %broadcast_in_dim3A_4, %broadcast_in_dim3A_1772 : vector<1x1xi1>, vector<1x1xf32>
    %eq3A_1779 = arith.cmpi eq, %select_n3A_1317, %broadcast_in_dim3A_1225 : vector<1x1xi32>
    %select_n3A_1780 = arith.select %eq3A_1779, %broadcast_in_dim3A_4, %broadcast_in_dim3A_1772 : vector<1x1xi1>, vector<1x1xf32>
    %eq3A_1781 = arith.cmpi eq, %select_n3A_1317, %broadcast_in_dim3A_1227 : vector<1x1xi32>
    %select_n3A_1782 = arith.select %eq3A_1781, %broadcast_in_dim3A_4, %broadcast_in_dim3A_1772 : vector<1x1xi1>, vector<1x1xf32>
    %eq3A_1783 = arith.cmpi eq, %select_n3A_1317, %broadcast_in_dim3A_1229 : vector<1x1xi32>
    %select_n3A_1784 = arith.select %eq3A_1783, %broadcast_in_dim3A_4, %broadcast_in_dim3A_1772 : vector<1x1xi1>, vector<1x1xf32>
    %eq3A_1785 = arith.cmpi eq, %select_n3A_1490, %broadcast_in_dim3A_1219 : vector<1x1xi32>
    %select_n3A_1786 = arith.select %eq3A_1785, %broadcast_in_dim3A_4, %broadcast_in_dim3A_1772 : vector<1x1xi1>, vector<1x1xf32>
    %eq3A_1787 = arith.cmpi eq, %select_n3A_1490, %broadcast_in_dim3A_1221 : vector<1x1xi32>
    %select_n3A_1788 = arith.select %eq3A_1787, %broadcast_in_dim3A_4, %broadcast_in_dim3A_1772 : vector<1x1xi1>, vector<1x1xf32>
    %eq3A_1789 = arith.cmpi eq, %select_n3A_1490, %broadcast_in_dim3A_1223 : vector<1x1xi32>
    %select_n3A_1790 = arith.select %eq3A_1789, %broadcast_in_dim3A_4, %broadcast_in_dim3A_1772 : vector<1x1xi1>, vector<1x1xf32>
    %eq3A_1791 = arith.cmpi eq, %select_n3A_1490, %broadcast_in_dim3A_1225 : vector<1x1xi32>
    %select_n3A_1792 = arith.select %eq3A_1791, %broadcast_in_dim3A_4, %broadcast_in_dim3A_1772 : vector<1x1xi1>, vector<1x1xf32>
    %eq3A_1793 = arith.cmpi eq, %select_n3A_1490, %broadcast_in_dim3A_1227 : vector<1x1xi32>
    %select_n3A_1794 = arith.select %eq3A_1793, %broadcast_in_dim3A_4, %broadcast_in_dim3A_1772 : vector<1x1xi1>, vector<1x1xf32>
    %eq3A_1795 = arith.cmpi eq, %select_n3A_1490, %broadcast_in_dim3A_1229 : vector<1x1xi32>
    %select_n3A_1796 = arith.select %eq3A_1795, %broadcast_in_dim3A_4, %broadcast_in_dim3A_1772 : vector<1x1xi1>, vector<1x1xf32>
    %eq3A_1797 = arith.cmpi eq, %select_n3A_1619, %broadcast_in_dim3A_1219 : vector<1x1xi32>
    %select_n3A_1798 = arith.select %eq3A_1797, %broadcast_in_dim3A_4, %broadcast_in_dim3A_1772 : vector<1x1xi1>, vector<1x1xf32>
    %eq3A_1799 = arith.cmpi eq, %select_n3A_1619, %broadcast_in_dim3A_1221 : vector<1x1xi32>
    %select_n3A_1800 = arith.select %eq3A_1799, %broadcast_in_dim3A_4, %broadcast_in_dim3A_1772 : vector<1x1xi1>, vector<1x1xf32>
    %eq3A_1801 = arith.cmpi eq, %select_n3A_1619, %broadcast_in_dim3A_1223 : vector<1x1xi32>
    %select_n3A_1802 = arith.select %eq3A_1801, %broadcast_in_dim3A_4, %broadcast_in_dim3A_1772 : vector<1x1xi1>, vector<1x1xf32>
    %eq3A_1803 = arith.cmpi eq, %select_n3A_1619, %broadcast_in_dim3A_1225 : vector<1x1xi32>
    %select_n3A_1804 = arith.select %eq3A_1803, %broadcast_in_dim3A_4, %broadcast_in_dim3A_1772 : vector<1x1xi1>, vector<1x1xf32>
    %eq3A_1805 = arith.cmpi eq, %select_n3A_1619, %broadcast_in_dim3A_1227 : vector<1x1xi32>
    %select_n3A_1806 = arith.select %eq3A_1805, %broadcast_in_dim3A_4, %broadcast_in_dim3A_1772 : vector<1x1xi1>, vector<1x1xf32>
    %eq3A_1807 = arith.cmpi eq, %select_n3A_1619, %broadcast_in_dim3A_1229 : vector<1x1xi32>
    %select_n3A_1808 = arith.select %eq3A_1807, %broadcast_in_dim3A_4, %broadcast_in_dim3A_1772 : vector<1x1xi1>, vector<1x1xf32>
    %eq3A_1809 = arith.cmpi eq, %select_n3A_1706, %broadcast_in_dim3A_1219 : vector<1x1xi32>
    %select_n3A_1810 = arith.select %eq3A_1809, %broadcast_in_dim3A_4, %broadcast_in_dim3A_1772 : vector<1x1xi1>, vector<1x1xf32>
    %eq3A_1811 = arith.cmpi eq, %select_n3A_1706, %broadcast_in_dim3A_1221 : vector<1x1xi32>
    %select_n3A_1812 = arith.select %eq3A_1811, %broadcast_in_dim3A_4, %broadcast_in_dim3A_1772 : vector<1x1xi1>, vector<1x1xf32>
    %eq3A_1813 = arith.cmpi eq, %select_n3A_1706, %broadcast_in_dim3A_1223 : vector<1x1xi32>
    %select_n3A_1814 = arith.select %eq3A_1813, %broadcast_in_dim3A_4, %broadcast_in_dim3A_1772 : vector<1x1xi1>, vector<1x1xf32>
    %eq3A_1815 = arith.cmpi eq, %select_n3A_1706, %broadcast_in_dim3A_1225 : vector<1x1xi32>
    %select_n3A_1816 = arith.select %eq3A_1815, %broadcast_in_dim3A_4, %broadcast_in_dim3A_1772 : vector<1x1xi1>, vector<1x1xf32>
    %eq3A_1817 = arith.cmpi eq, %select_n3A_1706, %broadcast_in_dim3A_1227 : vector<1x1xi32>
    %select_n3A_1818 = arith.select %eq3A_1817, %broadcast_in_dim3A_4, %broadcast_in_dim3A_1772 : vector<1x1xi1>, vector<1x1xf32>
    %eq3A_1819 = arith.cmpi eq, %select_n3A_1706, %broadcast_in_dim3A_1229 : vector<1x1xi32>
    %select_n3A_1820 = arith.select %eq3A_1819, %broadcast_in_dim3A_4, %broadcast_in_dim3A_1772 : vector<1x1xi1>, vector<1x1xf32>
    %eq3A_1821 = arith.cmpi eq, %select_n3A_1755, %broadcast_in_dim3A_1219 : vector<1x1xi32>
    %select_n3A_1822 = arith.select %eq3A_1821, %broadcast_in_dim3A_4, %broadcast_in_dim3A_1772 : vector<1x1xi1>, vector<1x1xf32>
    %eq3A_1823 = arith.cmpi eq, %select_n3A_1755, %broadcast_in_dim3A_1221 : vector<1x1xi32>
    %select_n3A_1824 = arith.select %eq3A_1823, %broadcast_in_dim3A_4, %broadcast_in_dim3A_1772 : vector<1x1xi1>, vector<1x1xf32>
    %eq3A_1825 = arith.cmpi eq, %select_n3A_1755, %broadcast_in_dim3A_1223 : vector<1x1xi32>
    %select_n3A_1826 = arith.select %eq3A_1825, %broadcast_in_dim3A_4, %broadcast_in_dim3A_1772 : vector<1x1xi1>, vector<1x1xf32>
    %eq3A_1827 = arith.cmpi eq, %select_n3A_1755, %broadcast_in_dim3A_1225 : vector<1x1xi32>
    %select_n3A_1828 = arith.select %eq3A_1827, %broadcast_in_dim3A_4, %broadcast_in_dim3A_1772 : vector<1x1xi1>, vector<1x1xf32>
    %eq3A_1829 = arith.cmpi eq, %select_n3A_1755, %broadcast_in_dim3A_1227 : vector<1x1xi32>
    %select_n3A_1830 = arith.select %eq3A_1829, %broadcast_in_dim3A_4, %broadcast_in_dim3A_1772 : vector<1x1xi1>, vector<1x1xf32>
    %eq3A_1831 = arith.cmpi eq, %select_n3A_1755, %broadcast_in_dim3A_1229 : vector<1x1xi32>
    %select_n3A_1832 = arith.select %eq3A_1831, %broadcast_in_dim3A_4, %broadcast_in_dim3A_1772 : vector<1x1xi1>, vector<1x1xf32>
    %eq3A_1833 = arith.cmpi eq, %select_n3A_1763, %broadcast_in_dim3A_1219 : vector<1x1xi32>
    %select_n3A_1834 = arith.select %eq3A_1833, %broadcast_in_dim3A_4, %broadcast_in_dim3A_1772 : vector<1x1xi1>, vector<1x1xf32>
    %eq3A_1835 = arith.cmpi eq, %select_n3A_1763, %broadcast_in_dim3A_1221 : vector<1x1xi32>
    %select_n3A_1836 = arith.select %eq3A_1835, %broadcast_in_dim3A_4, %broadcast_in_dim3A_1772 : vector<1x1xi1>, vector<1x1xf32>
    %eq3A_1837 = arith.cmpi eq, %select_n3A_1763, %broadcast_in_dim3A_1223 : vector<1x1xi32>
    %select_n3A_1838 = arith.select %eq3A_1837, %broadcast_in_dim3A_4, %broadcast_in_dim3A_1772 : vector<1x1xi1>, vector<1x1xf32>
    %eq3A_1839 = arith.cmpi eq, %select_n3A_1763, %broadcast_in_dim3A_1225 : vector<1x1xi32>
    %select_n3A_1840 = arith.select %eq3A_1839, %broadcast_in_dim3A_4, %broadcast_in_dim3A_1772 : vector<1x1xi1>, vector<1x1xf32>
    %eq3A_1841 = arith.cmpi eq, %select_n3A_1763, %broadcast_in_dim3A_1227 : vector<1x1xi32>
    %select_n3A_1842 = arith.select %eq3A_1841, %broadcast_in_dim3A_4, %broadcast_in_dim3A_1772 : vector<1x1xi1>, vector<1x1xf32>
    %eq3A_1843 = arith.cmpi eq, %select_n3A_1763, %broadcast_in_dim3A_1229 : vector<1x1xi32>
    %select_n3A_1844 = arith.select %eq3A_1843, %broadcast_in_dim3A_4, %broadcast_in_dim3A_1772 : vector<1x1xi1>, vector<1x1xf32>
    %mul3A_1845 = arith.mulf %select_n3A_1442, %select_n3A_1774 : vector<1x1xf32>
    %sub3A_1846 = arith.subf %select_n3A_1786, %mul3A_1845 : vector<1x1xf32>
    %mul3A_1847 = arith.mulf %select_n3A_1583, %select_n3A_1774 : vector<1x1xf32>
    %sub3A_1848 = arith.subf %select_n3A_1798, %mul3A_1847 : vector<1x1xf32>
    %mul3A_1849 = arith.mulf %select_n3A_1589, %sub3A_1846 : vector<1x1xf32>
    %sub3A_1850 = arith.subf %sub3A_1848, %mul3A_1849 : vector<1x1xf32>
    %mul3A_1851 = arith.mulf %select_n3A_1682, %select_n3A_1774 : vector<1x1xf32>
    %sub3A_1852 = arith.subf %select_n3A_1810, %mul3A_1851 : vector<1x1xf32>
    %mul3A_1853 = arith.mulf %select_n3A_1686, %sub3A_1846 : vector<1x1xf32>
    %sub3A_1854 = arith.subf %sub3A_1852, %mul3A_1853 : vector<1x1xf32>
    %mul3A_1855 = arith.mulf %select_n3A_1690, %sub3A_1850 : vector<1x1xf32>
    %sub3A_1856 = arith.subf %sub3A_1854, %mul3A_1855 : vector<1x1xf32>
    %mul3A_1857 = arith.mulf %select_n3A_1743, %select_n3A_1774 : vector<1x1xf32>
    %sub3A_1858 = arith.subf %select_n3A_1822, %mul3A_1857 : vector<1x1xf32>
    %mul3A_1859 = arith.mulf %select_n3A_1745, %sub3A_1846 : vector<1x1xf32>
    %sub3A_1860 = arith.subf %sub3A_1858, %mul3A_1859 : vector<1x1xf32>
    %mul3A_1861 = arith.mulf %select_n3A_1747, %sub3A_1850 : vector<1x1xf32>
    %sub3A_1862 = arith.subf %sub3A_1860, %mul3A_1861 : vector<1x1xf32>
    %mul3A_1863 = arith.mulf %select_n3A_1749, %sub3A_1856 : vector<1x1xf32>
    %sub3A_1864 = arith.subf %sub3A_1862, %mul3A_1863 : vector<1x1xf32>
    %mul3A_1865 = arith.mulf %select_n3A_1757, %select_n3A_1774 : vector<1x1xf32>
    %sub3A_1866 = arith.subf %select_n3A_1834, %mul3A_1865 : vector<1x1xf32>
    %mul3A_1867 = arith.mulf %select_n3A_1758, %sub3A_1846 : vector<1x1xf32>
    %sub3A_1868 = arith.subf %sub3A_1866, %mul3A_1867 : vector<1x1xf32>
    %mul3A_1869 = arith.mulf %select_n3A_1759, %sub3A_1850 : vector<1x1xf32>
    %sub3A_1870 = arith.subf %sub3A_1868, %mul3A_1869 : vector<1x1xf32>
    %mul3A_1871 = arith.mulf %select_n3A_1760, %sub3A_1856 : vector<1x1xf32>
    %sub3A_1872 = arith.subf %sub3A_1870, %mul3A_1871 : vector<1x1xf32>
    %mul3A_1873 = arith.mulf %select_n3A_1768, %sub3A_1864 : vector<1x1xf32>
    %sub3A_1874 = arith.subf %sub3A_1872, %mul3A_1873 : vector<1x1xf32>
    %mul3A_1875 = arith.mulf %select_n3A_1442, %select_n3A_1776 : vector<1x1xf32>
    %sub3A_1876 = arith.subf %select_n3A_1788, %mul3A_1875 : vector<1x1xf32>
    %mul3A_1877 = arith.mulf %select_n3A_1583, %select_n3A_1776 : vector<1x1xf32>
    %sub3A_1878 = arith.subf %select_n3A_1800, %mul3A_1877 : vector<1x1xf32>
    %mul3A_1879 = arith.mulf %select_n3A_1589, %sub3A_1876 : vector<1x1xf32>
    %sub3A_1880 = arith.subf %sub3A_1878, %mul3A_1879 : vector<1x1xf32>
    %mul3A_1881 = arith.mulf %select_n3A_1682, %select_n3A_1776 : vector<1x1xf32>
    %sub3A_1882 = arith.subf %select_n3A_1812, %mul3A_1881 : vector<1x1xf32>
    %mul3A_1883 = arith.mulf %select_n3A_1686, %sub3A_1876 : vector<1x1xf32>
    %sub3A_1884 = arith.subf %sub3A_1882, %mul3A_1883 : vector<1x1xf32>
    %mul3A_1885 = arith.mulf %select_n3A_1690, %sub3A_1880 : vector<1x1xf32>
    %sub3A_1886 = arith.subf %sub3A_1884, %mul3A_1885 : vector<1x1xf32>
    %mul3A_1887 = arith.mulf %select_n3A_1743, %select_n3A_1776 : vector<1x1xf32>
    %sub3A_1888 = arith.subf %select_n3A_1824, %mul3A_1887 : vector<1x1xf32>
    %mul3A_1889 = arith.mulf %select_n3A_1745, %sub3A_1876 : vector<1x1xf32>
    %sub3A_1890 = arith.subf %sub3A_1888, %mul3A_1889 : vector<1x1xf32>
    %mul3A_1891 = arith.mulf %select_n3A_1747, %sub3A_1880 : vector<1x1xf32>
    %sub3A_1892 = arith.subf %sub3A_1890, %mul3A_1891 : vector<1x1xf32>
    %mul3A_1893 = arith.mulf %select_n3A_1749, %sub3A_1886 : vector<1x1xf32>
    %sub3A_1894 = arith.subf %sub3A_1892, %mul3A_1893 : vector<1x1xf32>
    %mul3A_1895 = arith.mulf %select_n3A_1757, %select_n3A_1776 : vector<1x1xf32>
    %sub3A_1896 = arith.subf %select_n3A_1836, %mul3A_1895 : vector<1x1xf32>
    %mul3A_1897 = arith.mulf %select_n3A_1758, %sub3A_1876 : vector<1x1xf32>
    %sub3A_1898 = arith.subf %sub3A_1896, %mul3A_1897 : vector<1x1xf32>
    %mul3A_1899 = arith.mulf %select_n3A_1759, %sub3A_1880 : vector<1x1xf32>
    %sub3A_1900 = arith.subf %sub3A_1898, %mul3A_1899 : vector<1x1xf32>
    %mul3A_1901 = arith.mulf %select_n3A_1760, %sub3A_1886 : vector<1x1xf32>
    %sub3A_1902 = arith.subf %sub3A_1900, %mul3A_1901 : vector<1x1xf32>
    %mul3A_1903 = arith.mulf %select_n3A_1768, %sub3A_1894 : vector<1x1xf32>
    %sub3A_1904 = arith.subf %sub3A_1902, %mul3A_1903 : vector<1x1xf32>
    %mul3A_1905 = arith.mulf %select_n3A_1442, %select_n3A_1778 : vector<1x1xf32>
    %sub3A_1906 = arith.subf %select_n3A_1790, %mul3A_1905 : vector<1x1xf32>
    %mul3A_1907 = arith.mulf %select_n3A_1583, %select_n3A_1778 : vector<1x1xf32>
    %sub3A_1908 = arith.subf %select_n3A_1802, %mul3A_1907 : vector<1x1xf32>
    %mul3A_1909 = arith.mulf %select_n3A_1589, %sub3A_1906 : vector<1x1xf32>
    %sub3A_1910 = arith.subf %sub3A_1908, %mul3A_1909 : vector<1x1xf32>
    %mul3A_1911 = arith.mulf %select_n3A_1682, %select_n3A_1778 : vector<1x1xf32>
    %sub3A_1912 = arith.subf %select_n3A_1814, %mul3A_1911 : vector<1x1xf32>
    %mul3A_1913 = arith.mulf %select_n3A_1686, %sub3A_1906 : vector<1x1xf32>
    %sub3A_1914 = arith.subf %sub3A_1912, %mul3A_1913 : vector<1x1xf32>
    %mul3A_1915 = arith.mulf %select_n3A_1690, %sub3A_1910 : vector<1x1xf32>
    %sub3A_1916 = arith.subf %sub3A_1914, %mul3A_1915 : vector<1x1xf32>
    %mul3A_1917 = arith.mulf %select_n3A_1743, %select_n3A_1778 : vector<1x1xf32>
    %sub3A_1918 = arith.subf %select_n3A_1826, %mul3A_1917 : vector<1x1xf32>
    %mul3A_1919 = arith.mulf %select_n3A_1745, %sub3A_1906 : vector<1x1xf32>
    %sub3A_1920 = arith.subf %sub3A_1918, %mul3A_1919 : vector<1x1xf32>
    %mul3A_1921 = arith.mulf %select_n3A_1747, %sub3A_1910 : vector<1x1xf32>
    %sub3A_1922 = arith.subf %sub3A_1920, %mul3A_1921 : vector<1x1xf32>
    %mul3A_1923 = arith.mulf %select_n3A_1749, %sub3A_1916 : vector<1x1xf32>
    %sub3A_1924 = arith.subf %sub3A_1922, %mul3A_1923 : vector<1x1xf32>
    %mul3A_1925 = arith.mulf %select_n3A_1757, %select_n3A_1778 : vector<1x1xf32>
    %sub3A_1926 = arith.subf %select_n3A_1838, %mul3A_1925 : vector<1x1xf32>
    %mul3A_1927 = arith.mulf %select_n3A_1758, %sub3A_1906 : vector<1x1xf32>
    %sub3A_1928 = arith.subf %sub3A_1926, %mul3A_1927 : vector<1x1xf32>
    %mul3A_1929 = arith.mulf %select_n3A_1759, %sub3A_1910 : vector<1x1xf32>
    %sub3A_1930 = arith.subf %sub3A_1928, %mul3A_1929 : vector<1x1xf32>
    %mul3A_1931 = arith.mulf %select_n3A_1760, %sub3A_1916 : vector<1x1xf32>
    %sub3A_1932 = arith.subf %sub3A_1930, %mul3A_1931 : vector<1x1xf32>
    %mul3A_1933 = arith.mulf %select_n3A_1768, %sub3A_1924 : vector<1x1xf32>
    %sub3A_1934 = arith.subf %sub3A_1932, %mul3A_1933 : vector<1x1xf32>
    %mul3A_1935 = arith.mulf %select_n3A_1442, %select_n3A_1780 : vector<1x1xf32>
    %sub3A_1936 = arith.subf %select_n3A_1792, %mul3A_1935 : vector<1x1xf32>
    %mul3A_1937 = arith.mulf %select_n3A_1583, %select_n3A_1780 : vector<1x1xf32>
    %sub3A_1938 = arith.subf %select_n3A_1804, %mul3A_1937 : vector<1x1xf32>
    %mul3A_1939 = arith.mulf %select_n3A_1589, %sub3A_1936 : vector<1x1xf32>
    %sub3A_1940 = arith.subf %sub3A_1938, %mul3A_1939 : vector<1x1xf32>
    %mul3A_1941 = arith.mulf %select_n3A_1682, %select_n3A_1780 : vector<1x1xf32>
    %sub3A_1942 = arith.subf %select_n3A_1816, %mul3A_1941 : vector<1x1xf32>
    %mul3A_1943 = arith.mulf %select_n3A_1686, %sub3A_1936 : vector<1x1xf32>
    %sub3A_1944 = arith.subf %sub3A_1942, %mul3A_1943 : vector<1x1xf32>
    %mul3A_1945 = arith.mulf %select_n3A_1690, %sub3A_1940 : vector<1x1xf32>
    %sub3A_1946 = arith.subf %sub3A_1944, %mul3A_1945 : vector<1x1xf32>
    %mul3A_1947 = arith.mulf %select_n3A_1743, %select_n3A_1780 : vector<1x1xf32>
    %sub3A_1948 = arith.subf %select_n3A_1828, %mul3A_1947 : vector<1x1xf32>
    %mul3A_1949 = arith.mulf %select_n3A_1745, %sub3A_1936 : vector<1x1xf32>
    %sub3A_1950 = arith.subf %sub3A_1948, %mul3A_1949 : vector<1x1xf32>
    %mul3A_1951 = arith.mulf %select_n3A_1747, %sub3A_1940 : vector<1x1xf32>
    %sub3A_1952 = arith.subf %sub3A_1950, %mul3A_1951 : vector<1x1xf32>
    %mul3A_1953 = arith.mulf %select_n3A_1749, %sub3A_1946 : vector<1x1xf32>
    %sub3A_1954 = arith.subf %sub3A_1952, %mul3A_1953 : vector<1x1xf32>
    %mul3A_1955 = arith.mulf %select_n3A_1757, %select_n3A_1780 : vector<1x1xf32>
    %sub3A_1956 = arith.subf %select_n3A_1840, %mul3A_1955 : vector<1x1xf32>
    %mul3A_1957 = arith.mulf %select_n3A_1758, %sub3A_1936 : vector<1x1xf32>
    %sub3A_1958 = arith.subf %sub3A_1956, %mul3A_1957 : vector<1x1xf32>
    %mul3A_1959 = arith.mulf %select_n3A_1759, %sub3A_1940 : vector<1x1xf32>
    %sub3A_1960 = arith.subf %sub3A_1958, %mul3A_1959 : vector<1x1xf32>
    %mul3A_1961 = arith.mulf %select_n3A_1760, %sub3A_1946 : vector<1x1xf32>
    %sub3A_1962 = arith.subf %sub3A_1960, %mul3A_1961 : vector<1x1xf32>
    %mul3A_1963 = arith.mulf %select_n3A_1768, %sub3A_1954 : vector<1x1xf32>
    %sub3A_1964 = arith.subf %sub3A_1962, %mul3A_1963 : vector<1x1xf32>
    %mul3A_1965 = arith.mulf %select_n3A_1442, %select_n3A_1782 : vector<1x1xf32>
    %sub3A_1966 = arith.subf %select_n3A_1794, %mul3A_1965 : vector<1x1xf32>
    %mul3A_1967 = arith.mulf %select_n3A_1583, %select_n3A_1782 : vector<1x1xf32>
    %sub3A_1968 = arith.subf %select_n3A_1806, %mul3A_1967 : vector<1x1xf32>
    %mul3A_1969 = arith.mulf %select_n3A_1589, %sub3A_1966 : vector<1x1xf32>
    %sub3A_1970 = arith.subf %sub3A_1968, %mul3A_1969 : vector<1x1xf32>
    %mul3A_1971 = arith.mulf %select_n3A_1682, %select_n3A_1782 : vector<1x1xf32>
    %sub3A_1972 = arith.subf %select_n3A_1818, %mul3A_1971 : vector<1x1xf32>
    %mul3A_1973 = arith.mulf %select_n3A_1686, %sub3A_1966 : vector<1x1xf32>
    %sub3A_1974 = arith.subf %sub3A_1972, %mul3A_1973 : vector<1x1xf32>
    %mul3A_1975 = arith.mulf %select_n3A_1690, %sub3A_1970 : vector<1x1xf32>
    %sub3A_1976 = arith.subf %sub3A_1974, %mul3A_1975 : vector<1x1xf32>
    %mul3A_1977 = arith.mulf %select_n3A_1743, %select_n3A_1782 : vector<1x1xf32>
    %sub3A_1978 = arith.subf %select_n3A_1830, %mul3A_1977 : vector<1x1xf32>
    %mul3A_1979 = arith.mulf %select_n3A_1745, %sub3A_1966 : vector<1x1xf32>
    %sub3A_1980 = arith.subf %sub3A_1978, %mul3A_1979 : vector<1x1xf32>
    %mul3A_1981 = arith.mulf %select_n3A_1747, %sub3A_1970 : vector<1x1xf32>
    %sub3A_1982 = arith.subf %sub3A_1980, %mul3A_1981 : vector<1x1xf32>
    %mul3A_1983 = arith.mulf %select_n3A_1749, %sub3A_1976 : vector<1x1xf32>
    %sub3A_1984 = arith.subf %sub3A_1982, %mul3A_1983 : vector<1x1xf32>
    %mul3A_1985 = arith.mulf %select_n3A_1757, %select_n3A_1782 : vector<1x1xf32>
    %sub3A_1986 = arith.subf %select_n3A_1842, %mul3A_1985 : vector<1x1xf32>
    %mul3A_1987 = arith.mulf %select_n3A_1758, %sub3A_1966 : vector<1x1xf32>
    %sub3A_1988 = arith.subf %sub3A_1986, %mul3A_1987 : vector<1x1xf32>
    %mul3A_1989 = arith.mulf %select_n3A_1759, %sub3A_1970 : vector<1x1xf32>
    %sub3A_1990 = arith.subf %sub3A_1988, %mul3A_1989 : vector<1x1xf32>
    %mul3A_1991 = arith.mulf %select_n3A_1760, %sub3A_1976 : vector<1x1xf32>
    %sub3A_1992 = arith.subf %sub3A_1990, %mul3A_1991 : vector<1x1xf32>
    %mul3A_1993 = arith.mulf %select_n3A_1768, %sub3A_1984 : vector<1x1xf32>
    %sub3A_1994 = arith.subf %sub3A_1992, %mul3A_1993 : vector<1x1xf32>
    %mul3A_1995 = arith.mulf %select_n3A_1442, %select_n3A_1784 : vector<1x1xf32>
    %sub3A_1996 = arith.subf %select_n3A_1796, %mul3A_1995 : vector<1x1xf32>
    %mul3A_1997 = arith.mulf %select_n3A_1583, %select_n3A_1784 : vector<1x1xf32>
    %sub3A_1998 = arith.subf %select_n3A_1808, %mul3A_1997 : vector<1x1xf32>
    %mul3A_1999 = arith.mulf %select_n3A_1589, %sub3A_1996 : vector<1x1xf32>
    %sub3A_2000 = arith.subf %sub3A_1998, %mul3A_1999 : vector<1x1xf32>
    %mul3A_2001 = arith.mulf %select_n3A_1682, %select_n3A_1784 : vector<1x1xf32>
    %sub3A_2002 = arith.subf %select_n3A_1820, %mul3A_2001 : vector<1x1xf32>
    %mul3A_2003 = arith.mulf %select_n3A_1686, %sub3A_1996 : vector<1x1xf32>
    %sub3A_2004 = arith.subf %sub3A_2002, %mul3A_2003 : vector<1x1xf32>
    %mul3A_2005 = arith.mulf %select_n3A_1690, %sub3A_2000 : vector<1x1xf32>
    %sub3A_2006 = arith.subf %sub3A_2004, %mul3A_2005 : vector<1x1xf32>
    %mul3A_2007 = arith.mulf %select_n3A_1743, %select_n3A_1784 : vector<1x1xf32>
    %sub3A_2008 = arith.subf %select_n3A_1832, %mul3A_2007 : vector<1x1xf32>
    %mul3A_2009 = arith.mulf %select_n3A_1745, %sub3A_1996 : vector<1x1xf32>
    %sub3A_2010 = arith.subf %sub3A_2008, %mul3A_2009 : vector<1x1xf32>
    %mul3A_2011 = arith.mulf %select_n3A_1747, %sub3A_2000 : vector<1x1xf32>
    %sub3A_2012 = arith.subf %sub3A_2010, %mul3A_2011 : vector<1x1xf32>
    %mul3A_2013 = arith.mulf %select_n3A_1749, %sub3A_2006 : vector<1x1xf32>
    %sub3A_2014 = arith.subf %sub3A_2012, %mul3A_2013 : vector<1x1xf32>
    %mul3A_2015 = arith.mulf %select_n3A_1757, %select_n3A_1784 : vector<1x1xf32>
    %sub3A_2016 = arith.subf %select_n3A_1844, %mul3A_2015 : vector<1x1xf32>
    %mul3A_2017 = arith.mulf %select_n3A_1758, %sub3A_1996 : vector<1x1xf32>
    %sub3A_2018 = arith.subf %sub3A_2016, %mul3A_2017 : vector<1x1xf32>
    %mul3A_2019 = arith.mulf %select_n3A_1759, %sub3A_2000 : vector<1x1xf32>
    %sub3A_2020 = arith.subf %sub3A_2018, %mul3A_2019 : vector<1x1xf32>
    %mul3A_2021 = arith.mulf %select_n3A_1760, %sub3A_2006 : vector<1x1xf32>
    %sub3A_2022 = arith.subf %sub3A_2020, %mul3A_2021 : vector<1x1xf32>
    %mul3A_2023 = arith.mulf %select_n3A_1768, %sub3A_2014 : vector<1x1xf32>
    %sub3A_2024 = arith.subf %sub3A_2022, %mul3A_2023 : vector<1x1xf32>
    %div3A_2025 = arith.divf %sub3A_1874, %sub3A_1770 : vector<1x1xf32>
    %mul3A_2026 = arith.mulf %select_n3A_1753, %div3A_2025 : vector<1x1xf32>
    %sub3A_2027 = arith.subf %sub3A_1864, %mul3A_2026 : vector<1x1xf32>
    %div3A_2028 = arith.divf %sub3A_2027, %select_n3A_1751 : vector<1x1xf32>
    %mul3A_2029 = arith.mulf %select_n3A_1698, %div3A_2028 : vector<1x1xf32>
    %sub3A_2030 = arith.subf %sub3A_1856, %mul3A_2029 : vector<1x1xf32>
    %mul3A_2031 = arith.mulf %select_n3A_1702, %div3A_2025 : vector<1x1xf32>
    %sub3A_2032 = arith.subf %sub3A_2030, %mul3A_2031 : vector<1x1xf32>
    %div3A_2033 = arith.divf %sub3A_2032, %select_n3A_1694 : vector<1x1xf32>
    %mul3A_2034 = arith.mulf %select_n3A_1601, %div3A_2033 : vector<1x1xf32>
    %sub3A_2035 = arith.subf %sub3A_1850, %mul3A_2034 : vector<1x1xf32>
    %mul3A_2036 = arith.mulf %select_n3A_1607, %div3A_2028 : vector<1x1xf32>
    %sub3A_2037 = arith.subf %sub3A_2035, %mul3A_2036 : vector<1x1xf32>
    %mul3A_2038 = arith.mulf %select_n3A_1613, %div3A_2025 : vector<1x1xf32>
    %sub3A_2039 = arith.subf %sub3A_2037, %mul3A_2038 : vector<1x1xf32>
    %div3A_2040 = arith.divf %sub3A_2039, %select_n3A_1595 : vector<1x1xf32>
    %mul3A_2041 = arith.mulf %select_n3A_1458, %div3A_2040 : vector<1x1xf32>
    %sub3A_2042 = arith.subf %sub3A_1846, %mul3A_2041 : vector<1x1xf32>
    %mul3A_2043 = arith.mulf %select_n3A_1466, %div3A_2033 : vector<1x1xf32>
    %sub3A_2044 = arith.subf %sub3A_2042, %mul3A_2043 : vector<1x1xf32>
    %mul3A_2045 = arith.mulf %select_n3A_1474, %div3A_2028 : vector<1x1xf32>
    %sub3A_2046 = arith.subf %sub3A_2044, %mul3A_2045 : vector<1x1xf32>
    %mul3A_2047 = arith.mulf %select_n3A_1482, %div3A_2025 : vector<1x1xf32>
    %sub3A_2048 = arith.subf %sub3A_2046, %mul3A_2047 : vector<1x1xf32>
    %div3A_2049 = arith.divf %sub3A_2048, %select_n3A_1450 : vector<1x1xf32>
    %mul3A_2050 = arith.mulf %select_n3A_1267, %div3A_2049 : vector<1x1xf32>
    %sub3A_2051 = arith.subf %select_n3A_1774, %mul3A_2050 : vector<1x1xf32>
    %mul3A_2052 = arith.mulf %select_n3A_1277, %div3A_2040 : vector<1x1xf32>
    %sub3A_2053 = arith.subf %sub3A_2051, %mul3A_2052 : vector<1x1xf32>
    %mul3A_2054 = arith.mulf %select_n3A_1287, %div3A_2033 : vector<1x1xf32>
    %sub3A_2055 = arith.subf %sub3A_2053, %mul3A_2054 : vector<1x1xf32>
    %mul3A_2056 = arith.mulf %select_n3A_1297, %div3A_2028 : vector<1x1xf32>
    %sub3A_2057 = arith.subf %sub3A_2055, %mul3A_2056 : vector<1x1xf32>
    %mul3A_2058 = arith.mulf %select_n3A_1307, %div3A_2025 : vector<1x1xf32>
    %sub3A_2059 = arith.subf %sub3A_2057, %mul3A_2058 : vector<1x1xf32>
    %div3A_2060 = arith.divf %sub3A_2059, %select_n3A_1257 : vector<1x1xf32>
    %div3A_2061 = arith.divf %sub3A_1904, %sub3A_1770 : vector<1x1xf32>
    %mul3A_2062 = arith.mulf %select_n3A_1753, %div3A_2061 : vector<1x1xf32>
    %sub3A_2063 = arith.subf %sub3A_1894, %mul3A_2062 : vector<1x1xf32>
    %div3A_2064 = arith.divf %sub3A_2063, %select_n3A_1751 : vector<1x1xf32>
    %mul3A_2065 = arith.mulf %select_n3A_1698, %div3A_2064 : vector<1x1xf32>
    %sub3A_2066 = arith.subf %sub3A_1886, %mul3A_2065 : vector<1x1xf32>
    %mul3A_2067 = arith.mulf %select_n3A_1702, %div3A_2061 : vector<1x1xf32>
    %sub3A_2068 = arith.subf %sub3A_2066, %mul3A_2067 : vector<1x1xf32>
    %div3A_2069 = arith.divf %sub3A_2068, %select_n3A_1694 : vector<1x1xf32>
    %mul3A_2070 = arith.mulf %select_n3A_1601, %div3A_2069 : vector<1x1xf32>
    %sub3A_2071 = arith.subf %sub3A_1880, %mul3A_2070 : vector<1x1xf32>
    %mul3A_2072 = arith.mulf %select_n3A_1607, %div3A_2064 : vector<1x1xf32>
    %sub3A_2073 = arith.subf %sub3A_2071, %mul3A_2072 : vector<1x1xf32>
    %mul3A_2074 = arith.mulf %select_n3A_1613, %div3A_2061 : vector<1x1xf32>
    %sub3A_2075 = arith.subf %sub3A_2073, %mul3A_2074 : vector<1x1xf32>
    %div3A_2076 = arith.divf %sub3A_2075, %select_n3A_1595 : vector<1x1xf32>
    %mul3A_2077 = arith.mulf %select_n3A_1458, %div3A_2076 : vector<1x1xf32>
    %sub3A_2078 = arith.subf %sub3A_1876, %mul3A_2077 : vector<1x1xf32>
    %mul3A_2079 = arith.mulf %select_n3A_1466, %div3A_2069 : vector<1x1xf32>
    %sub3A_2080 = arith.subf %sub3A_2078, %mul3A_2079 : vector<1x1xf32>
    %mul3A_2081 = arith.mulf %select_n3A_1474, %div3A_2064 : vector<1x1xf32>
    %sub3A_2082 = arith.subf %sub3A_2080, %mul3A_2081 : vector<1x1xf32>
    %mul3A_2083 = arith.mulf %select_n3A_1482, %div3A_2061 : vector<1x1xf32>
    %sub3A_2084 = arith.subf %sub3A_2082, %mul3A_2083 : vector<1x1xf32>
    %div3A_2085 = arith.divf %sub3A_2084, %select_n3A_1450 : vector<1x1xf32>
    %div3A_2086 = arith.divf %sub3A_1934, %sub3A_1770 : vector<1x1xf32>
    %mul3A_2087 = arith.mulf %select_n3A_1753, %div3A_2086 : vector<1x1xf32>
    %sub3A_2088 = arith.subf %sub3A_1924, %mul3A_2087 : vector<1x1xf32>
    %div3A_2089 = arith.divf %sub3A_2088, %select_n3A_1751 : vector<1x1xf32>
    %mul3A_2090 = arith.mulf %select_n3A_1698, %div3A_2089 : vector<1x1xf32>
    %sub3A_2091 = arith.subf %sub3A_1916, %mul3A_2090 : vector<1x1xf32>
    %mul3A_2092 = arith.mulf %select_n3A_1702, %div3A_2086 : vector<1x1xf32>
    %sub3A_2093 = arith.subf %sub3A_2091, %mul3A_2092 : vector<1x1xf32>
    %div3A_2094 = arith.divf %sub3A_2093, %select_n3A_1694 : vector<1x1xf32>
    %mul3A_2095 = arith.mulf %select_n3A_1601, %div3A_2094 : vector<1x1xf32>
    %sub3A_2096 = arith.subf %sub3A_1910, %mul3A_2095 : vector<1x1xf32>
    %mul3A_2097 = arith.mulf %select_n3A_1607, %div3A_2089 : vector<1x1xf32>
    %sub3A_2098 = arith.subf %sub3A_2096, %mul3A_2097 : vector<1x1xf32>
    %mul3A_2099 = arith.mulf %select_n3A_1613, %div3A_2086 : vector<1x1xf32>
    %sub3A_2100 = arith.subf %sub3A_2098, %mul3A_2099 : vector<1x1xf32>
    %div3A_2101 = arith.divf %sub3A_2100, %select_n3A_1595 : vector<1x1xf32>
    %div3A_2102 = arith.divf %sub3A_1964, %sub3A_1770 : vector<1x1xf32>
    %mul3A_2103 = arith.mulf %select_n3A_1753, %div3A_2102 : vector<1x1xf32>
    %sub3A_2104 = arith.subf %sub3A_1954, %mul3A_2103 : vector<1x1xf32>
    %div3A_2105 = arith.divf %sub3A_2104, %select_n3A_1751 : vector<1x1xf32>
    %mul3A_2106 = arith.mulf %select_n3A_1698, %div3A_2105 : vector<1x1xf32>
    %sub3A_2107 = arith.subf %sub3A_1946, %mul3A_2106 : vector<1x1xf32>
    %mul3A_2108 = arith.mulf %select_n3A_1702, %div3A_2102 : vector<1x1xf32>
    %sub3A_2109 = arith.subf %sub3A_2107, %mul3A_2108 : vector<1x1xf32>
    %div3A_2110 = arith.divf %sub3A_2109, %select_n3A_1694 : vector<1x1xf32>
    %div3A_2111 = arith.divf %sub3A_1994, %sub3A_1770 : vector<1x1xf32>
    %mul3A_2112 = arith.mulf %select_n3A_1753, %div3A_2111 : vector<1x1xf32>
    %sub3A_2113 = arith.subf %sub3A_1984, %mul3A_2112 : vector<1x1xf32>
    %div3A_2114 = arith.divf %sub3A_2113, %select_n3A_1751 : vector<1x1xf32>
    %div3A_2115 = arith.divf %sub3A_2024, %sub3A_1770 : vector<1x1xf32>
    %add3A_2116 = arith.addf %div3A_2060, %div3A_2085 : vector<1x1xf32>
    %add3A_2117 = arith.addf %add3A_2116, %div3A_2101 : vector<1x1xf32>
    %add3A_2118 = arith.addf %add3A_2117, %div3A_2110 : vector<1x1xf32>
    %add3A_2119 = arith.addf %add3A_2118, %div3A_2114 : vector<1x1xf32>
    %add3A_2120 = arith.addf %add3A_2119, %div3A_2115 : vector<1x1xf32>
    %broadcast_in_dim3A_2121 = arith.constant 5.000000e-01 : f32
    %broadcast_in_dim3A_2122 = vector.broadcast %broadcast_in_dim3A_2121 : f32 to vector<1x1xf32>
    %pow3A = math.powf %add3A_2120, %broadcast_in_dim3A_2122 : vector<1x1xf32>
    %swap3A = arith.constant 0 : index
    %swap3A_2123 = arith.constant 0 : index
    %swap3A_2124 = vector.load %arg1[%swap3A, %swap3A_2123] : memref<1x1xf32, #tpu.memory_space<vmem>>, vector<1x1xf32>
    tpu.vector_store %arg1[%swap3A, %swap3A_2123], %pow3A {strides = array<i32>} : memref<1x1xf32, #tpu.memory_space<vmem>>, vector<1x1xf32>,
    return
  }
}

</mosaic_0001>

<sc_bundles>
// kernel: kernel.5.cloned.1.call-start
scs
__scs_entry_jumppad:
0x0: {  	(pc) =	sbr.rel $0x88, $3  }
0x1: {  	(tag) =	ssettag $0x0;
	lr =	simm.s32 $0x1  }
0x2: {  	[smem:$0x3F9F] =	sst lr;
	_ =	strace $0xD0000000  }
0x3: {  	_ = 	snop  }
0x4: {  	_ = 	snop  }
0x5: {  	_ = 	snop  }
0x6: {  	_ = 	snop  }
0x7: {  	_ = 	snop  }
__scs_overlays_trampoline_lowered:
0x8: {  	[smem:$0x3FAE] =	sst s0  }
0x9: {  	[smem:$0x3FAF] =	sst s1  }
0xa: {  	[smem:$0x3FB0] =	sst s2  }
0xb: {  	[smem:$0x3FB1] =	sst s3  }
0xc: {  	[smem:$0x3FB2] =	sst s4  }
0xd: {  	[smem:$0x3FB3] =	sst s5  }
0xe: {  	[smem:$0x3FB4] =	sst s6  }
0xf: {  	[smem:$0x3FB5] =	sst s7  }
0x10: {  	[smem:$0x3FB6] =	sst s8  }
0x11: {  	[smem:$0x3FB7] =	sst s9;
	s0 =	simm.s32 @!p0 $0x0  }
0x12: {  	s1 =	sld [smem:$0x3F9D];
	s0 =	simm.s32 @p0 $0x1  }
0x13: {  	[smem:$0x3FB8] =	sst s0;
	s0 =	simm.s32 @!p1 $0x0  }
0x14: {  	s2 =	sld [smem:$0x3F9C];
	s0 =	simm.s32 @p1 $0x1  }
0x15: {  	[smem:$0x3FB9] =	sst s0;
	s0 =	simm.s32 @!p2 $0x0  }
0x16: {  	s3 =	sld [smem:$0x3FDB];
	s0 =	simm.s32 @p2 $0x1  }
0x17: {  	s4 =	simm.s32 $0x1BF5;
	[smem:$0x3FBB] =	sst s0  }
0x18: {  	s0 =	sld [smem:$0x3F9E];
	_ =	swait.ge [sflag:s4], $0x0  }
0x19: {  	s7 =	sld [smem:$0x3F9F]  }
0x1a: {  	s8 =	sadd.s32 $0xFFFFE003, lr  }
0x1b: {  	s9 =	sadd.s32 $0xFFFFFEF7, lr;
	s5 =	simm.s32 $0xFFFFFFFF;
	p2 =	slt.u32 s8, $0xFFFFF086  }
0x1c: {  	p1 =	slt.u32 s9, $0xF7A;
	s5 =	simm.s32 @!p2 $0x0  }
0x1d: {  	s5 =	simm.s32 @p1 $0x1;
	p0 =	seq.s32 s7, s2  }
0x1e: {  	s7 =	smul.u32 @!p0 $0xF7A, s2;
	p2 =	seq.s32 @!p0 s5, $0x0  }
0x1f: {  	s9 =	smul.u32 $0xF7A, s1;
	s8 =	simm.s32 @!p0 $0x1BF5;
	p2 =	por !p2, p0  }
0x20: {  	[sflag:s8] =	ssyncset.s32 @!p0 $0xFFFFF086;
	s6 =	sadd.s32 @!p0 s3, s7;
	s7 =	simm.s32 @!p0 $0x108  }
0x21: {  	s3 =	sadd.s32 s3, s9;
	s6 =	sadd.s32 @!p0 $0x88, s6;
	s7 =	simm.s32 @p2 $0x1082  }
0x22: {  	[simem:s7], [sflag:s8] =	dma.local @!p0 [hbm:s6], $0xF7A  }
0x23: {  	s9 =	sor.u32 $0xD0000000, s2;
	s6 =	simm.s32 $0x108;
	_ =	swait.ge @!p0 [sflag:s8], $0x0  }
0x24: {  	s3 =	sadd.s32 $0x88, s3;
	s6 =	simm.s32 @!p1 $0x1082;
	[sflag:s4] =	ssyncset.s32 $0xFFFFF086  }
0x25: {  	[simem:s6], [sflag:s4] =	dma.local [hbm:s3], $0xF7A  }
0x26: {  	[smem:$0x3F9F] =	sst s1;
	(tag) =	ssettag s2;
	_ =	strace s9  }
0x27: {  	s1 =	sld [smem:$0x3FAF]  }
0x28: {  	s2 =	sld [smem:$0x3FB0]  }
0x29: {  	s4 =	sld [smem:$0x3FB2]  }
0x2a: {  	p0 =	seq.s32 s5, $0x0;
	s5 =	sld [smem:$0x3FB3]  }
0x2b: {  	s6 =	sld [smem:$0x3FB4]  }
0x2c: {  	s7 =	sld [smem:$0x3FB5]  }
0x2d: {  	s3 =	simm.s32 $0x108;
	s8 =	sld [smem:$0x3FB6]  }
0x2e: {  	s3 =	simm.s32 @!p0 $0x1082;
	s9 =	sld [smem:$0x3FB7]  }
0x2f: {  	lr =	sadd.s32 s0, s3;
	s0 =	sld [smem:$0x3FAE]  }
0x30: {  	s3 =	sld [smem:$0x3FB1]  }
0x31: {  	[smem:$0x3FBA] =	sst s10  }
0x32: {  	s10 =	sld [smem:$0x3FB8];
	_ =	sdelay $0x3  }
0x33: {  	p0 =	seq.s32 s10, $0x1;
	s10 =	sld [smem:$0x3FBA];
	_ =	sdelay $0x3  }
0x34: {  	[smem:$0x3FBA] =	sst s10  }
0x35: {  	s10 =	sld [smem:$0x3FB9];
	_ =	sdelay $0x3  }
0x36: {  	p1 =	seq.s32 s10, $0x1;
	s10 =	sld [smem:$0x3FBA];
	_ =	sdelay $0x3  }
0x37: {  	[smem:$0x3FBA] =	sst s10  }
0x38: {  	s10 =	sld [smem:$0x3FBB]  }
0x39: {  	_ = 	snop;
	(pc) =	sbr.ind lr, $3  }
0x3a: {  	_ = 	snop  }
0x3b: {  	_ = 	snop  }
0x3c: {  	p2 =	seq.s32 s10, $0x1;
	s10 =	sld [smem:$0x3FBA]  }
0x3d: {  	_ =	shalt  }
0x3e: {  	_ =	shalt  }
0x3f: {  	_ =	shalt  }
0x40: {  	_ =	shalt  }
0x41: {  	_ =	shalt  }
0x42: {  	_ =	shalt  }
0x43: {  	_ =	shalt  }
0x44: {  	_ =	shalt  }
0x45: {  	_ =	shalt  }
0x46: {  	_ =	shalt  }
0x47: {  	_ =	shalt  }
0x48: {  	_ =	shalt  }
0x49: {  	_ =	shalt  }
0x4a: {  	_ =	shalt  }
0x4b: {  	_ =	shalt  }
0x4c: {  	_ =	shalt  }
0x4d: {  	_ =	shalt  }
0x4e: {  	_ =	shalt  }
0x4f: {  	_ =	shalt  }
0x50: {  	_ =	shalt  }
0x51: {  	_ =	shalt  }
0x52: {  	_ =	shalt  }
0x53: {  	_ =	shalt  }
0x54: {  	_ =	shalt  }
0x55: {  	_ =	shalt  }
0x56: {  	_ =	shalt  }
0x57: {  	_ =	shalt  }
0x58: {  	_ =	shalt  }
0x59: {  	_ =	shalt  }
0x5a: {  	_ =	shalt  }
0x5b: {  	_ =	shalt  }
0x5c: {  	_ =	shalt  }
0x5d: {  	_ =	shalt  }
0x5e: {  	_ =	shalt  }
0x5f: {  	_ =	shalt  }
0x60: {  	_ =	shalt  }
0x61: {  	_ =	shalt  }
0x62: {  	_ =	shalt  }
0x63: {  	_ =	shalt  }
0x64: {  	_ =	shalt  }
0x65: {  	_ =	shalt  }
0x66: {  	_ =	shalt  }
0x67: {  	_ =	shalt  }
0x68: {  	_ =	shalt  }
0x69: {  	_ =	shalt  }
0x6a: {  	_ =	shalt  }
0x6b: {  	_ =	shalt  }
0x6c: {  	_ =	shalt  }
0x6d: {  	_ =	shalt  }
0x6e: {  	_ =	shalt  }
0x6f: {  	_ =	shalt  }
0x70: {  	_ =	shalt  }
0x71: {  	_ =	shalt  }
0x72: {  	_ =	shalt  }
0x73: {  	_ =	shalt  }
0x74: {  	_ =	shalt  }
0x75: {  	_ =	shalt  }
0x76: {  	_ =	shalt  }
0x77: {  	_ =	shalt  }
0x78: {  	_ =	shalt  }
0x79: {  	_ =	shalt  }
0x7a: {  	_ =	shalt  }
0x7b: {  	_ =	shalt  }
0x7c: {  	_ =	shalt  }
0x7d: {  	_ =	shalt  }
0x7e: {  	_ =	shalt  }
0x7f: {  	_ =	shalt  }
0x80: {  	_ =	shalt  }
0x81: {  	_ =	shalt  }
0x82: {  	_ =	shalt  }
0x83: {  	_ =	shalt  }
0x84: {  	_ =	shalt  }
0x85: {  	_ =	shalt  }
0x86: {  	_ =	shalt  }
0x87: {  	_ =	shalt  }
.Lfunc_end0:
.L_simem_size_0:
called_computation_lowered:
.L_overlay_start_0:
0x88: {  	s0 =	sld [smem:$0x3FD9]  }
0x89: {  	s1 =	sld [smem:$0x3FFE];
	_ =	sdelay $0x3  }
0x8a: {  	s0 =	sadd.s32 s1, s0  }
0x8b: {  	[smem:$0x3FC6] =	sst s0  }
0x8c: {  	_ = 	snop  }
0x8d: {  	(tm) =	ssettm $0x1  }
0x8e: {  	s15 =	sld [smem:$0x3FFB];
	_ =	sdelay $0x3  }
0x8f: {  	_ =	strace s15  }
0x90: {  	s0 =	sld [smem:$0x3FFC];
	_ =	sdelay $0x3  }
0x91: {  	_ =	strace s0  }
0x92: {  	s0 =	sld [smem:$0x3FFD];
	_ =	sdelay $0x3  }
0x93: {  	_ =	strace s0  }
0x94: {  	_ =	strace $0x8FFFFFFF  }
0x95: {  	s16 =	sld [smem:$0x3FDB];
	_ =	sdelay $0x1  }
0x96: {  	s17 =	simm.s32 $_scs_section_size  }
0x97: {  	s2 =	simm.s32 $_size__tile_overlayer_lowered;
	s3 =	simm.s32 $_tile_overlayer_lowered  }
0x98: {  	s20 =	simm.s32 $0x1BFF;
	s19 =	sshll.u32 s3, $0x1;
	s0 =	sadd.s32 s17, s16  }
0x99: {  	s4 =	simm.s32 $0x0;
	s18 =	sshll.u32 s2, $0x1;
	s2 =	sadd.s32 s19, s0  }
0x9a: {  	[timem:s4], [sflag:s20] =	dma.local [hbm:s2], s18  }
0x9b: {  	_ =	swait.ge [sflag:s20], s18  }
0x9c: {  	s1 =	ssub.s32 $0x0, s18;
	[sflag:s20] =	ssyncset.done $0x0  }
0x9d: {  	[sflag:s20] =	ssyncadd.s32 s1;
	_ =	sdelay $0x1  }
0x9e: {  	s21 =	simm.s32 $0x1B8B  }
0x9f: {  	_ =	swait.ge [sflag:s21], $0x1  }
0xa0: {  	[sflag:s21] =	ssyncset.done $0x0  }
0xa1: {  	s23 =	simm.s32 $0x1B8E;
	s22 =	sld [smem:$0x3FFE];
	[sflag:s21] =	ssyncadd.s32 $0xFFFFFFFF  }
0xa2: {  	s24 =	simm.s32 $execute0_lowered;
	[smem:$0x3FD2] =	sst s23  }
0xa3: {  	s2 =	sshll.u32 s24, $0x1;
	_ =	strace $0x80000046;
	[dreg:$0x1] =	wrdreg $0xFFFFFFFF  }
0xa4: {  	s25 =	simm.s32 $_size_execute0_lowered;
	s0 =	sadd.s32 s0, s2;
	[dreg:$0x0] =	wrdreg $0x0  }
0xa5: {  	s2 =	sshll.u32 s25, $0x1;
	[dreg:$0x2] =	wrdreg s0  }
0xa6: {  	[dreg:$0x3] =	wrdreg s2  }
0xa7: {  	[dreg:$0x4] =	wrdreg $0xC0  }
0xa8: {  	_ =	task [dreg:s4], $0x5FFFF  }
0xa9: {  	[dreg:$0x1] =	wrdreg $0xFFFFFFFF  }
0xaa: {  	[dreg:$0x0] =	wrdreg $0x60  }
0xab: {  	[dreg:$0x2] =	wrdreg s22  }
0xac: {  	[dreg:$0x3] =	wrdreg $0x9  }
0xad: {  	_ =	task.clear_ibuf [dreg:s4], $0x4FFFF;
	_ =	strace $0x90000046  }
0xae: {  	s26 =	simm.s32 $0x9;
	_ =	strace $0x80000048  }
0xaf: {  	_ =	swait.ge [sflag:s26], $0x1  }
0xb0: {  	[sflag:s26] =	ssyncadd.s32 $0xFFFFFFFF  }
0xb1: {  	_ =	strace $0x90000048  }
0xb2: {  	_ =	sfence  }
0xb3: {  	s28 =	sld [smem:$0x0];
	_ =	sdelay $0x1  }
0xb4: {  	s29 =	srdreg.scid  }
0xb5: {  	s30 =	sshll.u32 s29, $0xD;
	s31 =	sshrl.u32 s29, $0x2  }
0xb6: {  	s1 =	sand.u32 $0x1, s29;
	s2 =	sand.u32 $0x4000, s30;
	s0 =	sadd.s32 s31, s28  }
0xb7: {  	s1 =	sor.u32 s2, s1;
	s0 =	sshll.u32 s0, $0x11  }
0xb8: {  	s0 =	sor.u32 s0, s1  }
0xb9: {  	s0 =	sadd.s32 $0x8F2B, s0  }
0xba: {  	[sflag:s0] =	ssyncadd.remote.s32 $0x1  }
0xbb: {  	_ =	sfence.sel $0xFFFF  }
0xbc: {  	[dreg:$0x0] =	wrdreg $0xFFFFFFFF;
	(pc) =	sbr.abs _section_cstart, $3  }
0xbd: {  	[dreg:$0x1] =	wrdreg $0xFFFFFFFF  }
0xbe: {  	_ =	task.clear_ibuf [dreg:s4], $0x2FFFF;
	_ =	strace $0x9FFFFFFF  }
0xbf: {  	(tm) =	ssettm $0x7FFFFFFF  }
tec
execute0_lowered:
.L_overlay_start_1:
0x0: {  	(tag) =	ssettag $0x1  }
0x1: {  	s2 =	rddreg [dreg:$0x0];
	s1 =	stileid.u32  }
0x2: {  	s0 =	rddreg [dreg:$0x1];
	s3 =	simm.s32 $0x0;
	s4 =	sshll.u32 s1, $0x7  }
0x3: {  	[smem:$0x7FF] =	sst s3;
	s4 =	sadd.s32 s4, s2  }
0x4: {  	s31 =	simm.s32 $0x1;
	_ =	strace $0x80000047;
	s4 =	sadd.s32 $0xC00, s4  }
0x5: {  	[tilespmem:s3], [sflag:$0x1] =	stream.linear.gather [hbm4b:s4+s3], $0x400, $0x38;
	[tilespmem:$0x880] =	vst v63  }
0x6: {  	_ =	swait.ge [sflag:s31], $0x400  }
0x7: {  	[sflag:s31] =	ssyncset.done $0x0  }
0x8: {  	v0 =	vimm.f32 $0.0e+00;
	s2 =	sadd.s32 $0x1400, s2;
	[sflag:s31] =	ssyncadd.s32 $0xFFFFFC00  }
.LBB2_1:
0x9: {  	p0 =	sne.s32 s3, $0xFC0  }
.Ltmp0:
0xa: {  	_ = 	snop;
	(pc) =	sbr.rel @p0 .LBB2_1-.Ltmp0, $3  }
0xb: {  	_ =	sdelay $0x1  }
0xc: {  	s4 =	sshra.s32 s3, $0x2  }
0xd: {  	s3 =	sadd.s32 $0x40, s3;
	[tilespmem:s4+$0x400] =	vst v0  }
0xe: {  	v0 =	vlaneseq.u32  }
0xf: {  	v1 =	vimm.f32 $1.000000000e+00;
	s3 =	simm.s32 $0x400;
	s5 =	simm.s32 $0x0;
	s4 =	simm.s32 $0x40;
	v0 =	vmul.u32 $0x40, v0  }
.LBB2_3:
0x10: {  	p0 =	sne.s32 s4, $0xFC0;
	v2 =	vld [tilespmem:s5+$0x0];
	_ =	sdelay $0x4  }
0x11: {  	v2 =	vadd.s32 v0, v2  }
.Ltmp1:
0x12: {  	(pc) =	sbr.rel @p0 .LBB2_3-.Ltmp1, $2  }
0x13: {  	_ =	sdelay $0x2  }
0x14: {  	s5 =	sshra.s32 s4, $0x2;
	s4 =	sadd.s32 $0x40, s4;
	[tilespmem:v2+s3+$0x0] =	vst.idx.add.f32.msk $0xffff, v1  }
0x15: {  	v2 =	vld [tilespmem:s5+$0x0];
	_ =	sdelay $0x4  }
0x16: {  	v0 =	vadd.s32 v0, v2;
	_ =	sdelay $0x4  }
0x17: {  	[tilespmem:v0+s3+$0x0] =	vst.idx.add.f32.msk $0xffff, v1  }
0x18: {  	v0 =	vld [tilespmem:$0x400]  }
0x19: {  	v1 =	vld [tilespmem:$0x440]  }
0x1a: {  	v58 =	vld [tilespmem:$0x480]  }
0x1b: {  	v3 =	vld [tilespmem:$0x4C0]  }
0x1c: {  	v4 =	vld [tilespmem:$0x500]  }
0x1d: {  	v5 =	vld [tilespmem:$0x540]  }
0x1e: {  	v6 =	vld [tilespmem:$0x580]  }
0x1f: {  	v7 =	vld [tilespmem:$0x5C0]  }
0x20: {  	v8 =	vld [tilespmem:$0x600]  }
0x21: {  	v9 =	vld [tilespmem:$0x640]  }
0x22: {  	v10 =	vld [tilespmem:$0x680]  }
0x23: {  	v11 =	vld [tilespmem:$0x6C0]  }
0x24: {  	v12 =	vld [tilespmem:$0x700]  }
0x25: {  	v13 =	vld [tilespmem:$0x740]  }
0x26: {  	v14 =	vld [tilespmem:$0x780]  }
0x27: {  	v15 =	vld [tilespmem:$0x7C0]  }
0x28: {  	v16 =	vld [tilespmem:$0x410]  }
0x29: {  	v17 =	vld [tilespmem:$0x450]  }
0x2a: {  	v18 =	vld [tilespmem:$0x490]  }
0x2b: {  	v19 =	vld [tilespmem:$0x4D0]  }
0x2c: {  	v20 =	vld [tilespmem:$0x510]  }
0x2d: {  	v21 =	vld [tilespmem:$0x550]  }
0x2e: {  	v22 =	vld [tilespmem:$0x590]  }
0x2f: {  	v23 =	vld [tilespmem:$0x5D0]  }
0x30: {  	v24 =	vld [tilespmem:$0x610]  }
0x31: {  	v25 =	vld [tilespmem:$0x650]  }
0x32: {  	v26 =	vld [tilespmem:$0x690]  }
0x33: {  	v27 =	vld [tilespmem:$0x6D0]  }
0x34: {  	v28 =	vld [tilespmem:$0x710]  }
0x35: {  	v29 =	vld [tilespmem:$0x750]  }
0x36: {  	v30 =	vld [tilespmem:$0x790]  }
0x37: {  	v31 =	vld [tilespmem:$0x7D0]  }
0x38: {  	v32 =	vld [tilespmem:$0x420]  }
0x39: {  	v33 =	vld [tilespmem:$0x460]  }
0x3a: {  	v34 =	vld [tilespmem:$0x430]  }
0x3b: {  	v35 =	vld [tilespmem:$0x470]  }
0x3c: {  	v36 =	vld [tilespmem:$0x4A0]  }
0x3d: {  	v59 =	vld [tilespmem:$0x4B0];
	v0 =	vadd.f32 v1, v0  }
0x3e: {  	v60 =	vld [tilespmem:$0x4E0];
	v16 =	vadd.f32 v17, v16  }
0x3f: {  	v62 =	vld [tilespmem:$0x4F0];
	v61 =	vadd.f32 v33, v32;
	v0 =	vadd.f32 v58, v0  }
0x40: {  	v37 =	vld [tilespmem:$0x520];
	v63 =	vadd.f32 v35, v34;
	v16 =	vadd.f32 v18, v16  }
0x41: {  	v38 =	vld [tilespmem:$0x530];
	v2 =	vadd.f32 v36, v61;
	v0 =	vadd.f32 v3, v0  }
0x42: {  	v39 =	vld [tilespmem:$0x560];
	v1 =	vadd.f32 v59, v63;
	v16 =	vadd.f32 v19, v16  }
0x43: {  	v40 =	vld [tilespmem:$0x570];
	v2 =	vadd.f32 v60, v2;
	v0 =	vadd.f32 v4, v0  }
0x44: {  	v41 =	vld [tilespmem:$0x5A0];
	v1 =	vadd.f32 v62, v1;
	v16 =	vadd.f32 v20, v16  }
0x45: {  	v42 =	vld [tilespmem:$0x5B0];
	v2 =	vadd.f32 v37, v2;
	v0 =	vadd.f32 v5, v0  }
0x46: {  	v43 =	vld [tilespmem:$0x5E0];
	v1 =	vadd.f32 v38, v1;
	v16 =	vadd.f32 v21, v16  }
0x47: {  	v44 =	vld [tilespmem:$0x5F0];
	v2 =	vadd.f32 v39, v2;
	v0 =	vadd.f32 v6, v0  }
0x48: {  	v45 =	vld [tilespmem:$0x620];
	v1 =	vadd.f32 v40, v1;
	v16 =	vadd.f32 v22, v16  }
0x49: {  	v46 =	vld [tilespmem:$0x630];
	v2 =	vadd.f32 v41, v2;
	v0 =	vadd.f32 v7, v0  }
0x4a: {  	v47 =	vld [tilespmem:$0x660];
	v1 =	vadd.f32 v42, v1;
	v16 =	vadd.f32 v23, v16  }
0x4b: {  	v48 =	vld [tilespmem:$0x670];
	v2 =	vadd.f32 v43, v2;
	v0 =	vadd.f32 v8, v0  }
0x4c: {  	v50 =	vld [tilespmem:$0x6A0];
	v1 =	vadd.f32 v44, v1;
	v49 =	vadd.f32 v24, v16  }
0x4d: {  	v51 =	vld [tilespmem:$0x6B0];
	v2 =	vadd.f32 v45, v2;
	v0 =	vadd.f32 v9, v0  }
0x4e: {  	v52 =	vld [tilespmem:$0x6E0];
	v1 =	vadd.f32 v46, v1;
	v8 =	vadd.f32 v25, v49  }
0x4f: {  	v53 =	vld [tilespmem:$0x6F0];
	v2 =	vadd.f32 v47, v2;
	v0 =	vadd.f32 v10, v0  }
0x50: {  	v54 =	vld [tilespmem:$0x720];
	v1 =	vadd.f32 v48, v1;
	v8 =	vadd.f32 v26, v8  }
0x51: {  	v55 =	vld [tilespmem:$0x730];
	v2 =	vadd.f32 v50, v2;
	v0 =	vadd.f32 v11, v0  }
0x52: {  	v56 =	vld [tilespmem:$0x760];
	v1 =	vadd.f32 v51, v1;
	v8 =	vadd.f32 v27, v8  }
0x53: {  	v57 =	vld [tilespmem:$0x770];
	v2 =	vadd.f32 v52, v2;
	v0 =	vadd.f32 v12, v0  }
0x54: {  	v58 =	vld [tilespmem:$0x7A0];
	v1 =	vadd.f32 v53, v1;
	v8 =	vadd.f32 v28, v8  }
0x55: {  	v59 =	vld [tilespmem:$0x7B0];
	v2 =	vadd.f32 v54, v2;
	v0 =	vadd.f32 v13, v0  }
0x56: {  	v60 =	vld [tilespmem:$0x7E0];
	v1 =	vadd.f32 v55, v1;
	v8 =	vadd.f32 v29, v8  }
0x57: {  	v61 =	vld [tilespmem:$0x7F0];
	v2 =	vadd.f32 v56, v2;
	v0 =	vadd.f32 v14, v0  }
0x58: {  	v1 =	vadd.f32 v57, v1;
	v8 =	vadd.f32 v30, v8  }
0x59: {  	v2 =	vadd.f32 v58, v2;
	v0 =	vadd.f32 v15, v0  }
0x5a: {  	v1 =	vadd.f32 v59, v1;
	v62 =	vadd.f32 v31, v8  }
0x5b: {  	v63 =	vadd.f32 v60, v2;
	[tilespmem:$0x800] =	vst v0  }
0x5c: {  	v1 =	vadd.f32 v61, v1;
	[tilespmem:$0x810] =	vst v62  }
0x5d: {  	s29 =	sshll.u32 s1, $0x4;
	s30 =	simm.s32 $0x0;
	[tilespmem:$0x820] =	vst v63  }
0x5e: {  	s4 =	simm.s32 $0x800;
	s31 =	simm.s32 $0x1;
	s2 =	sadd.s32 s2, s29;
	[tilespmem:$0x830] =	vst v1  }
0x5f: {  	[hbm4b:s2+s30] =	stream.linear.scatter [tilespmem:s4], [sflag:$0x1], $0x80, $0x38;
	[tilespmem:$0x880] =	vst v63  }
0x60: {  	_ =	swait.ge [sflag:s31], $0x80  }
0x61: {  	[sflag:s31] =	ssyncset.done $0x0  }
0x62: {  	[sflag:s31] =	ssyncadd.s32 $0xFFFFFF80  }
0x63: {  	_ =	sfence.sel $0x180000  }
0x64: {  	[bflag:$0x0] =	sbarrier.arrive $0xFFFF  }
0x65: {  	p0 =	sne.s32 s1, $0x0;
	_ =	strace $0x90000047  }
0x66: {  	s0 =	sadd.s32 @!p0 $0x100000, s0;
	[bflag:$0x2] =	sbarrier.arrive $0xFFFF  }
0x67: {  	[sflag:s0] =	ssyncadd.tile.s32 @!p0 $0x1;
	_ =	shalt  }
.Lfunc_end2:
_tile_overlayer_lowered:
.L_overlay_start_2:
0x68: {  	(tag) =	ssettag $0x2  }
0x69: {  	s0 =	rddreg [dreg:$0x0];
	s2 =	stileid.u32  }
0x6a: {  	s1 =	rddreg [dreg:$0x1];
	p0 =	sne.s32 s2, $0x0  }
0x6b: {  	s3 =	rddreg [dreg:$0x2];
	[bflag:$0x3] =	sbarrier.arrive $0xFFFF;
	s2 =	simm.s32 @!p0 $0x1C01  }
0x6c: {  	[timem:s3], [sflag:s2] =	dma.local @!p0 [hbm:s0], s1  }
0x6d: {  	s0 =	simm.s32 @!p0 $0x1  }
0x6e: {  	_ =	swait.ge @!p0 [sflag:s0], s1  }
0x6f: {  	s1 =	ssub.s32 @!p0 $0x0, s1;
	[sflag:s0] =	ssyncset.done @!p0 $0x0  }
0x70: {  	[sflag:s0] =	ssyncadd.s32 @!p0 s1  }
0x71: {  	[bflag:$0x3] =	sbarrier.arrive $0xFFFF  }
0x72: {  	_ =	shalt  }

</sc_bundles>
